<compile_context>
chip_gen: v7x
topology: tpu7x:2x2x1
jax: 0.10.2.dev20260603
libtpu: 0.0.44.dev20260713+nightly
codegen_flags: <defaults>
</compile_context>

<pallas_src>
import functools

import jax
import jax.numpy as jnp
from jax import lax
from jax.experimental import pallas as pl
from jax.experimental.pallas import tpu as pltpu
from jax.experimental.pallas import tpu_sc as plsc

_N = 10000
_E = 320000
_D = 128
_G = 64
_C = 10
_NC = 2
_NS = 16
_K = 40
_EPT = _E // _NC // _NS
_CH = _EPT // _K
_RPT = 624
_TAIL0 = _NS * _RPT
_TAILN = _N - _TAIL0

_NBUF = 6
_SLACK = 5

_BN = 2000
_NB = _N // _BN

_sc_mesh = plsc.VectorSubcoreMesh(core_axis_name="c", subcore_axis_name="s")


@functools.partial(
    pl.kernel,
    out_type=jax.ShapeDtypeStruct((_NC, _N, _D), jnp.float32),
    mesh=_sc_mesh,
    scratch_types=[
        pltpu.VMEM_SHARED((_N, _D), jnp.float32),
        pltpu.VMEM((_CH, _K), jnp.int32),
        pltpu.VMEM((_CH, _K), jnp.int32),
    ]
    + [pltpu.VMEM((_K, _D), jnp.float32)] * _NBUF
    + [pltpu.SemaphoreType.DMA] * (2 * _NBUF),
    compiler_params=pltpu.CompilerParams(use_tc_tiling_on_sc=False),
)
def _sc_agg(h_hbm, ei5_hbm, p_hbm, acc, sidx, didx, *rest):
    rows = rest[0:_NBUF]
    gsem = rest[_NBUF:2 * _NBUF]
    ssem = rest[2 * _NBUF:3 * _NBUF]
    c = lax.axis_index("c")
    s = lax.axis_index("s")
    r0 = s * _RPT
    pltpu.sync_copy(ei5_hbm.at[0, c, s], sidx)

    def g_issue(j, b):
        pltpu.async_copy(h_hbm.at[sidx.at[j]], rows[b], gsem[b])

    def g_wait(j, b):
        pltpu.make_async_copy(h_hbm.at[sidx.at[j]], rows[b], gsem[b]).wait()

    def s_issue(j, b):
        pltpu.async_copy(rows[b], acc.at[didx.at[j]], ssem[b], add=True)

    def s_wait(j, b):
        pltpu.make_async_copy(rows[b], acc.at[didx.at[j]], ssem[b]).wait()

    for b in range(_SLACK):
        g_issue(b, b)

    pltpu.sync_copy(ei5_hbm.at[1, c, s], didx)
    pltpu.sync_copy(h_hbm.at[pl.ds(r0, _RPT)], acc.at[pl.ds(r0, _RPT)])

    @pl.when(s == 0)
    def _():
        pltpu.sync_copy(h_hbm.at[pl.ds(_TAIL0, _TAILN)],
                        acc.at[pl.ds(_TAIL0, _TAILN)])

    plsc.subcore_barrier()

    for j in range(_SLACK):
        g_wait(j, j % _NBUF)
        s_issue(j, j % _NBUF)
        b2 = (j + _SLACK) % _NBUF
        if j + _SLACK >= _NBUF:
            s_wait(j + _SLACK - _NBUF, b2)
        g_issue(j + _SLACK, b2)

    def outer(t, carry):
        j0 = _SLACK + t * _NBUF
        for bp in range(_NBUF):
            j = j0 + bp
            b = (_SLACK + bp) % _NBUF
            g_wait(j, b)
            s_issue(j, b)
            b2 = (b + _SLACK) % _NBUF
            s_wait(j + _SLACK - _NBUF, b2)
            g_issue(j + _SLACK, b2)
        return carry

    lax.fori_loop(0, (_CH - 2 * _SLACK) // _NBUF, outer, 0)

    for k in range(_SLACK):
        j = _CH - _SLACK + k
        g_wait(j, j % _NBUF)
        s_issue(j, j % _NBUF)
    for b in range(_NBUF):
        s_wait(_CH - _NBUF + b, b)
    plsc.subcore_barrier()
    pltpu.sync_copy(acc.at[pl.ds(r0, _RPT)], p_hbm.at[c, pl.ds(r0, _RPT)])

    @pl.when(s == 0)
    def _():
        pltpu.sync_copy(acc.at[pl.ds(_TAIL0, _TAILN)],
                        p_hbm.at[c, pl.ds(_TAIL0, _TAILN)])


def _mlp_body(p0_ref, p1_ref, h_ref, wa_ref, ba_ref, wb_ref, bb_ref, o_ref):
    z = p0_ref[0] + p1_ref[0] - h_ref[...]
    a = jnp.maximum(
        jnp.dot(z, wa_ref[...], preferred_element_type=jnp.float32) + ba_ref[...], 0.0)
    o_ref[...] = jnp.maximum(
        jnp.dot(a, wb_ref[...], preferred_element_type=jnp.float32) + bb_ref[...], 0.0)


def _tc_mlp(p, h, Wa, ba, Wb, bb):
    return pl.pallas_call(
        _mlp_body,
        grid=(_NB,),
        in_specs=[
            pl.BlockSpec((1, _BN, _D), lambda b: (0, b, 0)),
            pl.BlockSpec((1, _BN, _D), lambda b: (1, b, 0)),
            pl.BlockSpec((_BN, _D), lambda b: (b, 0)),
            pl.BlockSpec((_D, _D), lambda b: (0, 0)),
            pl.BlockSpec((1, _D), lambda b: (0, 0)),
            pl.BlockSpec((_D, _D), lambda b: (0, 0)),
            pl.BlockSpec((1, _D), lambda b: (0, 0)),
        ],
        out_specs=pl.BlockSpec((_BN, _D), lambda b: (b, 0)),
        out_shape=jax.ShapeDtypeStruct((_N, _D), jnp.float32),
    )(p, p, h, Wa, ba.reshape(1, _D), Wb, bb.reshape(1, _D))


def _final_body(p0_ref, p1_ref, h_ref, batch_ref, wa_ref, ba_ref, wb_ref,
                bb_ref, wc_ref, bc_ref, out_ref, pooled):
    b = pl.program_id(0)
    z = p0_ref[0] + p1_ref[0] - h_ref[...]
    a = jnp.maximum(
        jnp.dot(z, wa_ref[...], preferred_element_type=jnp.float32) + ba_ref[...], 0.0)
    h = jnp.maximum(
        jnp.dot(a, wb_ref[...], preferred_element_type=jnp.float32) + bb_ref[...], 0.0)
    onehot_t = (lax.broadcasted_iota(jnp.int32, (_G, _BN), 0)
                == batch_ref[0]).astype(jnp.float32)
    contrib = jnp.dot(onehot_t, h, preferred_element_type=jnp.float32)

    @pl.when(b == 0)
    def _():
        pooled[...] = jnp.zeros_like(pooled)

    pooled[...] += contrib

    @pl.when(b == _NB - 1)
    def _():
        out_ref[...] = jnp.dot(
            pooled[...], wc_ref[...], preferred_element_type=jnp.float32) + bc_ref[...]


def _tc_final(p, h, batch_r, W2a, b2a, W2b, b2b, Wc, bc):
    return pl.pallas_call(
        _final_body,
        grid=(_NB,),
        in_specs=[
            pl.BlockSpec((1, _BN, _D), lambda b: (0, b, 0)),
            pl.BlockSpec((1, _BN, _D), lambda b: (1, b, 0)),
            pl.BlockSpec((_BN, _D), lambda b: (b, 0)),
            pl.BlockSpec((1, 1, _BN), lambda b: (b, 0, 0)),
            pl.BlockSpec((_D, _D), lambda b: (0, 0)),
            pl.BlockSpec((1, _D), lambda b: (0, 0)),
            pl.BlockSpec((_D, _D), lambda b: (0, 0)),
            pl.BlockSpec((1, _D), lambda b: (0, 0)),
            pl.BlockSpec((_D, _C), lambda b: (0, 0)),
            pl.BlockSpec((1, _C), lambda b: (0, 0)),
        ],
        out_specs=pl.BlockSpec((_G, _C), lambda b: (0, 0)),
        out_shape=jax.ShapeDtypeStruct((_G, _C), jnp.float32),
        scratch_shapes=[pltpu.VMEM((_G, _D), jnp.float32)],
    )(p, p, h, batch_r, W2a, b2a.reshape(1, _D), W2b, b2b.reshape(1, _D),
      Wc, bc.reshape(1, _C))


def kernel(x, edge_index, batch, W1a, b1a, W1b, b1b, W2a, b2a, W2b, b2b, Wc, bc):
    ei5 = edge_index.reshape(2, _NC, _NS, _CH, _K)
    p1 = _sc_agg(x, ei5)
    h1 = _tc_mlp(p1, x, W1a, b1a, W1b, b1b)
    p2 = _sc_agg(h1, ei5)
    batch_r = batch.reshape(_NB, 1, _BN)
    return _tc_final(p2, h1, batch_r, W2a, b2a, W2b, b2b, Wc, bc)

# --- scband reference (transcript-rebuilt; emitter-appended) ---
"""Pipeline reference for scband-gin-13889924235785 (READ-ONLY COPY).

The authoritative reference and input builder live on the scoring server;
editing this copy changes nothing except your own understanding.
"""

import jax, jax.numpy as jnp
import numpy as np

N = 10000
E = 320000
D = 128
H = 128
C = 10
G = 64


def setup_inputs(seed: int = 0) -> dict:
    key = jax.random.key(seed)
    ks = jax.random.split(key, 14)
    x = jax.random.normal(ks[0], (N, D), dtype=jnp.float32)
    edge_index = jax.random.randint(ks[1], (2, E), 0, N, dtype=jnp.int32)
    batch = jnp.sort(jax.random.randint(ks[2], (N,), 0, G, dtype=jnp.int32))
    s = 0.05
    W1a = jax.random.normal(ks[3], (D, H), dtype=jnp.float32) * s
    b1a = jnp.zeros((H,), dtype=jnp.float32)
    W1b = jax.random.normal(ks[4], (H, H), dtype=jnp.float32) * s
    b1b = jnp.zeros((H,), dtype=jnp.float32)
    W2a = jax.random.normal(ks[5], (H, H), dtype=jnp.float32) * s
    b2a = jnp.zeros((H,), dtype=jnp.float32)
    W2b = jax.random.normal(ks[6], (H, H), dtype=jnp.float32) * s
    b2b = jnp.zeros((H,), dtype=jnp.float32)
    Wc = jax.random.normal(ks[7], (H, C), dtype=jnp.float32) * s
    bc = jnp.zeros((C,), dtype=jnp.float32)
    return {"x": x, "edge_index": edge_index, "batch": batch,
            "W1a": W1a, "b1a": b1a, "W1b": W1b, "b1b": b1b,
            "W2a": W2a, "b2a": b2a, "W2b": W2b, "b2b": b2b,
            "Wc": Wc, "bc": bc}


def _gin_conv(h, src, dst, Wa, ba, Wb, bb, n_nodes):
    # GINConv with eps=0: mlp((1+eps)*x + sum_{j in N(i)} x_j)
    msg = jnp.take(h, src, axis=0)
    agg = jax.ops.segment_sum(msg, dst, num_segments=n_nodes)
    z = h + agg
    z = jnp.maximum(z @ Wa + ba, 0.0)
    return z @ Wb + bb


def reference(x, edge_index, batch, W1a, b1a, W1b, b1b, W2a, b2a, W2b, b2b, Wc, bc):
    src = edge_index[0]
    dst = edge_index[1]
    n_nodes = x.shape[0]
    h = jnp.maximum(_gin_conv(x, src, dst, W1a, b1a, W1b, b1b, n_nodes), 0.0)
    h = jnp.maximum(_gin_conv(h, src, dst, W2a, b2a, W2b, b2b, n_nodes), 0.0)
    pooled = jax.ops.segment_sum(h, batch, num_segments=G)
    return pooled @ Wc + bc

if __name__ == "__main__":
    import jax
    _d = setup_inputs()
    print(jax.jit(kernel)(*tuple(_d.values())))

</pallas_src>

<mosaic_0001>
#map = affine_map<(d0, d1) -> (0, 0)>
#map1 = affine_map<(d0, d1) -> (0, 0, 0, 0, 0)>
#map2 = affine_map<(d0, d1) -> (0, 0, 0)>
module attributes {stable_mosaic.version = 14 : i64} {
  func.func @_sc_agg(%arg0: i32, %arg1: i32, %arg2: memref<10000x128xf32, #tpu.memory_space<hbm>>, %arg3: memref<2x2x16x250x40xi32, #tpu.memory_space<hbm>>, %arg4: memref<2x10000x128xf32, #tpu.memory_space<hbm>>, %arg5: memref<10000x128xf32, #tpu.memory_space<vmem_shared>>, %arg6: memref<250x40xi32, #tpu.memory_space<vmem>>, %arg7: memref<250x40xi32, #tpu.memory_space<vmem>>, %arg8: memref<40x128xf32, #tpu.memory_space<vmem>>, %arg9: memref<40x128xf32, #tpu.memory_space<vmem>>, %arg10: memref<40x128xf32, #tpu.memory_space<vmem>>, %arg11: memref<40x128xf32, #tpu.memory_space<vmem>>, %arg12: memref<40x128xf32, #tpu.memory_space<vmem>>, %arg13: memref<40x128xf32, #tpu.memory_space<vmem>>, %arg14: memref<!tpu.dma_semaphore, #tpu.memory_space<semaphore_mem>>, %arg15: memref<!tpu.dma_semaphore, #tpu.memory_space<semaphore_mem>>, %arg16: memref<!tpu.dma_semaphore, #tpu.memory_space<semaphore_mem>>, %arg17: memref<!tpu.dma_semaphore, #tpu.memory_space<semaphore_mem>>, %arg18: memref<!tpu.dma_semaphore, #tpu.memory_space<semaphore_mem>>, %arg19: memref<!tpu.dma_semaphore, #tpu.memory_space<semaphore_mem>>, %arg20: memref<!tpu.dma_semaphore, #tpu.memory_space<semaphore_mem>>, %arg21: memref<!tpu.dma_semaphore, #tpu.memory_space<semaphore_mem>>, %arg22: memref<!tpu.dma_semaphore, #tpu.memory_space<semaphore_mem>>, %arg23: memref<!tpu.dma_semaphore, #tpu.memory_space<semaphore_mem>>, %arg24: memref<!tpu.dma_semaphore, #tpu.memory_space<semaphore_mem>>, %arg25: memref<!tpu.dma_semaphore, #tpu.memory_space<semaphore_mem>>) attributes {dimension_semantics = [#tpu.dimension_semantics<core_parallel>, #tpu.dimension_semantics<subcore_parallel>], iteration_bounds = array<i64: 2, 16>, scalar_prefetch = 0 : i64, scratch_operands = 21 : i64, tpu.core_type = #tpu.core_type<sc_vector_subcore>, window_params = [{transform_indices = #map}, {transform_indices = #map1}, {transform_indices = #map2}]} {
    %mul3A = arith.constant 624 : i32
    %mul3A_0 = arith.muli %arg1, %mul3A : i32
    %run_scoped3A = arith.constant 0 : i32
    "tpu.region"() ({
      %run_scoped3A_293 = tpu.sem_alloc : memref<!tpu.dma_semaphore, #tpu.memory_space<semaphore_mem>>
      %dma_start3A_294 = arith.constant 0 : i32
      %dma_start3A_295 = arith.constant 0 : i32
      %dma_start3A_296 = tpu.memref_slice %arg3[%run_scoped3A, %arg0, %arg1, %dma_start3A_294, %dma_start3A_295] : memref<2x2x16x250x40xi32, #tpu.memory_space<hbm>> -> memref<1x1x1x250x40xi32, #tpu.memory_space<hbm>>
      %dma_start3A_297 = tpu.memref_squeeze %dma_start3A_296 : memref<1x1x1x250x40xi32, #tpu.memory_space<hbm>> -> memref<250x40xi32, #tpu.memory_space<hbm>>
      %dma_start3A_298 = arith.constant 0 : i32
      %dma_start3A_299 = arith.constant 0 : i32
      %dma_start3A_300 = tpu.memref_slice %arg3[%run_scoped3A, %arg0, %arg1, %dma_start3A_298, %dma_start3A_299] : memref<2x2x16x250x40xi32, #tpu.memory_space<hbm>> -> memref<1x1x1x250x40xi32, #tpu.memory_space<hbm>>
      %dma_start3A_301 = tpu.memref_squeeze %dma_start3A_300 : memref<1x1x1x250x40xi32, #tpu.memory_space<hbm>> -> memref<250x40xi32, #tpu.memory_space<hbm>>
      tpu.enqueue_dma source(%dma_start3A_301 : memref<250x40xi32, #tpu.memory_space<hbm>>) target(%arg6 : memref<250x40xi32, #tpu.memory_space<vmem>>) target_semaphore(%run_scoped3A_293 : memref<!tpu.dma_semaphore, #tpu.memory_space<semaphore_mem>>)
      %dma_wait3A_302 = arith.constant 0 : i32
      %dma_wait3A_303 = arith.constant 0 : i32
      %dma_wait3A_304 = tpu.memref_slice %arg3[%run_scoped3A, %arg0, %arg1, %dma_wait3A_302, %dma_wait3A_303] : memref<2x2x16x250x40xi32, #tpu.memory_space<hbm>> -> memref<1x1x1x250x40xi32, #tpu.memory_space<hbm>>
      %dma_wait3A_305 = tpu.memref_squeeze %dma_wait3A_304 : memref<1x1x1x250x40xi32, #tpu.memory_space<hbm>> -> memref<250x40xi32, #tpu.memory_space<hbm>>
      %dma_wait3A_306 = arith.constant 0 : i32
      %dma_wait3A_307 = arith.constant 0 : i32
      %dma_wait3A_308 = tpu.memref_slice %arg3[%run_scoped3A, %arg0, %arg1, %dma_wait3A_306, %dma_wait3A_307] : memref<2x2x16x250x40xi32, #tpu.memory_space<hbm>> -> memref<1x1x1x250x40xi32, #tpu.memory_space<hbm>>
      %dma_wait3A_309 = tpu.memref_squeeze %dma_wait3A_308 : memref<1x1x1x250x40xi32, #tpu.memory_space<hbm>> -> memref<250x40xi32, #tpu.memory_space<hbm>>
      tpu.wait_dma2 semaphore(%run_scoped3A_293 : memref<!tpu.dma_semaphore, #tpu.memory_space<semaphore_mem>>) src(%dma_wait3A_309 : memref<250x40xi32, #tpu.memory_space<hbm>>) dst(%arg6 : memref<250x40xi32, #tpu.memory_space<vmem>>)
      tpu.yield
    }) : () -> ()
    %dma_start3A = arith.constant 0 : i32
    %dma_start3A_1 = arith.constant 0 : i32
    %dma_start3A_2 = tpu.memref_slice %arg6[%dma_start3A, %dma_start3A_1] : memref<250x40xi32, #tpu.memory_space<vmem>> -> memref<1x40xi32, #tpu.memory_space<vmem>>
    %dma_start3A_3 = tpu.memref_squeeze %dma_start3A_2 : memref<1x40xi32, #tpu.memory_space<vmem>> -> memref<40xi32, #tpu.memory_space<vmem>>
    %dma_start3A_4 = arith.constant 0 : i32
    %dma_start3A_5 = arith.constant 0 : i32
    %dma_start3A_6 = tpu.memref_slice %arg2[%dma_start3A_4, %dma_start3A_5] : memref<10000x128xf32, #tpu.memory_space<hbm>> -> memref<10000x128xf32, #tpu.memory_space<hbm>>
    tpu.enqueue_indirect_dma source(%dma_start3A_6 : memref<10000x128xf32, #tpu.memory_space<hbm>>) target(%arg8 : memref<40x128xf32, #tpu.memory_space<vmem>>) offsets(%dma_start3A_3 : memref<40xi32, #tpu.memory_space<vmem>>) semaphore(%arg14 : memref<!tpu.dma_semaphore, #tpu.memory_space<semaphore_mem>>)
    %dma_start3A_7 = arith.constant 1 : i32
    %dma_start3A_8 = arith.constant 0 : i32
    %dma_start3A_9 = tpu.memref_slice %arg6[%dma_start3A_7, %dma_start3A_8] : memref<250x40xi32, #tpu.memory_space<vmem>> -> memref<1x40xi32, #tpu.memory_space<vmem>>
    %dma_start3A_10 = tpu.memref_squeeze %dma_start3A_9 : memref<1x40xi32, #tpu.memory_space<vmem>> -> memref<40xi32, #tpu.memory_space<vmem>>
    %dma_start3A_11 = arith.constant 0 : i32
    %dma_start3A_12 = arith.constant 0 : i32
    %dma_start3A_13 = tpu.memref_slice %arg2[%dma_start3A_11, %dma_start3A_12] : memref<10000x128xf32, #tpu.memory_space<hbm>> -> memref<10000x128xf32, #tpu.memory_space<hbm>>
    tpu.enqueue_indirect_dma source(%dma_start3A_13 : memref<10000x128xf32, #tpu.memory_space<hbm>>) target(%arg9 : memref<40x128xf32, #tpu.memory_space<vmem>>) offsets(%dma_start3A_10 : memref<40xi32, #tpu.memory_space<vmem>>) semaphore(%arg15 : memref<!tpu.dma_semaphore, #tpu.memory_space<semaphore_mem>>)
    %dma_start3A_14 = arith.constant 2 : i32
    %dma_start3A_15 = arith.constant 0 : i32
    %dma_start3A_16 = tpu.memref_slice %arg6[%dma_start3A_14, %dma_start3A_15] : memref<250x40xi32, #tpu.memory_space<vmem>> -> memref<1x40xi32, #tpu.memory_space<vmem>>
    %dma_start3A_17 = tpu.memref_squeeze %dma_start3A_16 : memref<1x40xi32, #tpu.memory_space<vmem>> -> memref<40xi32, #tpu.memory_space<vmem>>
    %dma_start3A_18 = arith.constant 0 : i32
    %dma_start3A_19 = arith.constant 0 : i32
    %dma_start3A_20 = tpu.memref_slice %arg2[%dma_start3A_18, %dma_start3A_19] : memref<10000x128xf32, #tpu.memory_space<hbm>> -> memref<10000x128xf32, #tpu.memory_space<hbm>>
    tpu.enqueue_indirect_dma source(%dma_start3A_20 : memref<10000x128xf32, #tpu.memory_space<hbm>>) target(%arg10 : memref<40x128xf32, #tpu.memory_space<vmem>>) offsets(%dma_start3A_17 : memref<40xi32, #tpu.memory_space<vmem>>) semaphore(%arg16 : memref<!tpu.dma_semaphore, #tpu.memory_space<semaphore_mem>>)
    %dma_start3A_21 = arith.constant 3 : i32
    %dma_start3A_22 = arith.constant 0 : i32
    %dma_start3A_23 = tpu.memref_slice %arg6[%dma_start3A_21, %dma_start3A_22] : memref<250x40xi32, #tpu.memory_space<vmem>> -> memref<1x40xi32, #tpu.memory_space<vmem>>
    %dma_start3A_24 = tpu.memref_squeeze %dma_start3A_23 : memref<1x40xi32, #tpu.memory_space<vmem>> -> memref<40xi32, #tpu.memory_space<vmem>>
    %dma_start3A_25 = arith.constant 0 : i32
    %dma_start3A_26 = arith.constant 0 : i32
    %dma_start3A_27 = tpu.memref_slice %arg2[%dma_start3A_25, %dma_start3A_26] : memref<10000x128xf32, #tpu.memory_space<hbm>> -> memref<10000x128xf32, #tpu.memory_space<hbm>>
    tpu.enqueue_indirect_dma source(%dma_start3A_27 : memref<10000x128xf32, #tpu.memory_space<hbm>>) target(%arg11 : memref<40x128xf32, #tpu.memory_space<vmem>>) offsets(%dma_start3A_24 : memref<40xi32, #tpu.memory_space<vmem>>) semaphore(%arg17 : memref<!tpu.dma_semaphore, #tpu.memory_space<semaphore_mem>>)
    %dma_start3A_28 = arith.constant 4 : i32
    %dma_start3A_29 = arith.constant 0 : i32
    %dma_start3A_30 = tpu.memref_slice %arg6[%dma_start3A_28, %dma_start3A_29] : memref<250x40xi32, #tpu.memory_space<vmem>> -> memref<1x40xi32, #tpu.memory_space<vmem>>
    %dma_start3A_31 = tpu.memref_squeeze %dma_start3A_30 : memref<1x40xi32, #tpu.memory_space<vmem>> -> memref<40xi32, #tpu.memory_space<vmem>>
    %dma_start3A_32 = arith.constant 0 : i32
    %dma_start3A_33 = arith.constant 0 : i32
    %dma_start3A_34 = tpu.memref_slice %arg2[%dma_start3A_32, %dma_start3A_33] : memref<10000x128xf32, #tpu.memory_space<hbm>> -> memref<10000x128xf32, #tpu.memory_space<hbm>>
    tpu.enqueue_indirect_dma source(%dma_start3A_34 : memref<10000x128xf32, #tpu.memory_space<hbm>>) target(%arg12 : memref<40x128xf32, #tpu.memory_space<vmem>>) offsets(%dma_start3A_31 : memref<40xi32, #tpu.memory_space<vmem>>) semaphore(%arg18 : memref<!tpu.dma_semaphore, #tpu.memory_space<semaphore_mem>>)
    %run_scoped3A_35 = arith.constant 1 : i32
    "tpu.region"() ({
      %run_scoped3A_293 = tpu.sem_alloc : memref<!tpu.dma_semaphore, #tpu.memory_space<semaphore_mem>>
      %dma_start3A_294 = arith.constant 0 : i32
      %dma_start3A_295 = arith.constant 0 : i32
      %dma_start3A_296 = tpu.memref_slice %arg3[%run_scoped3A_35, %arg0, %arg1, %dma_start3A_294, %dma_start3A_295] : memref<2x2x16x250x40xi32, #tpu.memory_space<hbm>> -> memref<1x1x1x250x40xi32, #tpu.memory_space<hbm>>
      %dma_start3A_297 = tpu.memref_squeeze %dma_start3A_296 : memref<1x1x1x250x40xi32, #tpu.memory_space<hbm>> -> memref<250x40xi32, #tpu.memory_space<hbm>>
      %dma_start3A_298 = arith.constant 0 : i32
      %dma_start3A_299 = arith.constant 0 : i32
      %dma_start3A_300 = tpu.memref_slice %arg3[%run_scoped3A_35, %arg0, %arg1, %dma_start3A_298, %dma_start3A_299] : memref<2x2x16x250x40xi32, #tpu.memory_space<hbm>> -> memref<1x1x1x250x40xi32, #tpu.memory_space<hbm>>
      %dma_start3A_301 = tpu.memref_squeeze %dma_start3A_300 : memref<1x1x1x250x40xi32, #tpu.memory_space<hbm>> -> memref<250x40xi32, #tpu.memory_space<hbm>>
      tpu.enqueue_dma source(%dma_start3A_301 : memref<250x40xi32, #tpu.memory_space<hbm>>) target(%arg7 : memref<250x40xi32, #tpu.memory_space<vmem>>) target_semaphore(%run_scoped3A_293 : memref<!tpu.dma_semaphore, #tpu.memory_space<semaphore_mem>>)
      %dma_wait3A_302 = arith.constant 0 : i32
      %dma_wait3A_303 = arith.constant 0 : i32
      %dma_wait3A_304 = tpu.memref_slice %arg3[%run_scoped3A_35, %arg0, %arg1, %dma_wait3A_302, %dma_wait3A_303] : memref<2x2x16x250x40xi32, #tpu.memory_space<hbm>> -> memref<1x1x1x250x40xi32, #tpu.memory_space<hbm>>
      %dma_wait3A_305 = tpu.memref_squeeze %dma_wait3A_304 : memref<1x1x1x250x40xi32, #tpu.memory_space<hbm>> -> memref<250x40xi32, #tpu.memory_space<hbm>>
      %dma_wait3A_306 = arith.constant 0 : i32
      %dma_wait3A_307 = arith.constant 0 : i32
      %dma_wait3A_308 = tpu.memref_slice %arg3[%run_scoped3A_35, %arg0, %arg1, %dma_wait3A_306, %dma_wait3A_307] : memref<2x2x16x250x40xi32, #tpu.memory_space<hbm>> -> memref<1x1x1x250x40xi32, #tpu.memory_space<hbm>>
      %dma_wait3A_309 = tpu.memref_squeeze %dma_wait3A_308 : memref<1x1x1x250x40xi32, #tpu.memory_space<hbm>> -> memref<250x40xi32, #tpu.memory_space<hbm>>
      tpu.wait_dma2 semaphore(%run_scoped3A_293 : memref<!tpu.dma_semaphore, #tpu.memory_space<semaphore_mem>>) src(%dma_wait3A_309 : memref<250x40xi32, #tpu.memory_space<hbm>>) dst(%arg7 : memref<250x40xi32, #tpu.memory_space<vmem>>)
      tpu.yield
    }) : () -> ()
    "tpu.region"() ({
      %run_scoped3A_293 = tpu.sem_alloc : memref<!tpu.dma_semaphore, #tpu.memory_space<semaphore_mem>>
      %dma_start3A_294 = arith.constant 0 : i32
      %dma_start3A_295 = tpu.memref_slice %arg5[%mul3A_0, %dma_start3A_294] : memref<10000x128xf32, #tpu.memory_space<vmem_shared>> -> memref<624x128xf32, #tpu.memory_space<vmem_shared>>
      %dma_start3A_296 = arith.constant 0 : i32
      %dma_start3A_297 = tpu.memref_slice %arg2[%mul3A_0, %dma_start3A_296] : memref<10000x128xf32, #tpu.memory_space<hbm>> -> memref<624x128xf32, #tpu.memory_space<hbm>>
      tpu.enqueue_dma source(%dma_start3A_297 : memref<624x128xf32, #tpu.memory_space<hbm>>) target(%dma_start3A_295 : memref<624x128xf32, #tpu.memory_space<vmem_shared>>) target_semaphore(%run_scoped3A_293 : memref<!tpu.dma_semaphore, #tpu.memory_space<semaphore_mem>>)
      %dma_wait3A_298 = arith.constant 0 : i32
      %dma_wait3A_299 = tpu.memref_slice %arg5[%mul3A_0, %dma_wait3A_298] : memref<10000x128xf32, #tpu.memory_space<vmem_shared>> -> memref<624x128xf32, #tpu.memory_space<vmem_shared>>
      %dma_wait3A_300 = arith.constant 0 : i32
      %dma_wait3A_301 = tpu.memref_slice %arg2[%mul3A_0, %dma_wait3A_300] : memref<10000x128xf32, #tpu.memory_space<hbm>> -> memref<624x128xf32, #tpu.memory_space<hbm>>
      tpu.wait_dma2 semaphore(%run_scoped3A_293 : memref<!tpu.dma_semaphore, #tpu.memory_space<semaphore_mem>>) src(%dma_wait3A_301 : memref<624x128xf32, #tpu.memory_space<hbm>>) dst(%dma_wait3A_299 : memref<624x128xf32, #tpu.memory_space<vmem_shared>>)
      tpu.yield
    }) : () -> ()
    %eq3A = arith.constant 0 : i32
    %eq3A_36 = arith.cmpi eq, %arg1, %eq3A : i32
    %convert_element_type3A = arith.extui %eq3A_36 : i1 to i32
    %cond3A = arith.constant 0 : i32
    %cond3A_37 = arith.cmpi ne, %convert_element_type3A, %cond3A : i32
    scf.if %cond3A_37 {
      "tpu.region"() ({
        %run_scoped3A_293 = tpu.sem_alloc : memref<!tpu.dma_semaphore, #tpu.memory_space<semaphore_mem>>
        %dma_start3A_294 = arith.constant 9984 : i32
        %dma_start3A_295 = arith.constant 0 : i32
        %dma_start3A_296 = tpu.memref_slice %arg5[%dma_start3A_294, %dma_start3A_295] : memref<10000x128xf32, #tpu.memory_space<vmem_shared>> -> memref<16x128xf32, #tpu.memory_space<vmem_shared>>
        %dma_start3A_297 = arith.constant 9984 : i32
        %dma_start3A_298 = arith.constant 0 : i32
        %dma_start3A_299 = tpu.memref_slice %arg2[%dma_start3A_297, %dma_start3A_298] : memref<10000x128xf32, #tpu.memory_space<hbm>> -> memref<16x128xf32, #tpu.memory_space<hbm>>
        tpu.enqueue_dma source(%dma_start3A_299 : memref<16x128xf32, #tpu.memory_space<hbm>>) target(%dma_start3A_296 : memref<16x128xf32, #tpu.memory_space<vmem_shared>>) target_semaphore(%run_scoped3A_293 : memref<!tpu.dma_semaphore, #tpu.memory_space<semaphore_mem>>)
        %dma_wait3A_300 = arith.constant 9984 : i32
        %dma_wait3A_301 = arith.constant 0 : i32
        %dma_wait3A_302 = tpu.memref_slice %arg5[%dma_wait3A_300, %dma_wait3A_301] : memref<10000x128xf32, #tpu.memory_space<vmem_shared>> -> memref<16x128xf32, #tpu.memory_space<vmem_shared>>
        %dma_wait3A_303 = arith.constant 9984 : i32
        %dma_wait3A_304 = arith.constant 0 : i32
        %dma_wait3A_305 = tpu.memref_slice %arg2[%dma_wait3A_303, %dma_wait3A_304] : memref<10000x128xf32, #tpu.memory_space<hbm>> -> memref<16x128xf32, #tpu.memory_space<hbm>>
        tpu.wait_dma2 semaphore(%run_scoped3A_293 : memref<!tpu.dma_semaphore, #tpu.memory_space<semaphore_mem>>) src(%dma_wait3A_305 : memref<16x128xf32, #tpu.memory_space<hbm>>) dst(%dma_wait3A_302 : memref<16x128xf32, #tpu.memory_space<vmem_shared>>)
        tpu.yield
      }) : () -> ()
    } else {
    }
    %barrier3A = arith.constant 0 : index
    tpu.barrier barrier_id(%barrier3A)
    %dma_wait3A = arith.constant 0 : i32
    %dma_wait3A_38 = arith.constant 0 : i32
    %dma_wait3A_39 = tpu.memref_slice %arg6[%dma_wait3A, %dma_wait3A_38] : memref<250x40xi32, #tpu.memory_space<vmem>> -> memref<1x40xi32, #tpu.memory_space<vmem>>
    %dma_wait3A_40 = tpu.memref_squeeze %dma_wait3A_39 : memref<1x40xi32, #tpu.memory_space<vmem>> -> memref<40xi32, #tpu.memory_space<vmem>>
    %dma_wait3A_41 = arith.constant 0 : i32
    %dma_wait3A_42 = arith.constant 0 : i32
    %dma_wait3A_43 = tpu.memref_slice %arg2[%dma_wait3A_41, %dma_wait3A_42] : memref<10000x128xf32, #tpu.memory_space<hbm>> -> memref<10000x128xf32, #tpu.memory_space<hbm>>
    tpu.wait_indirect_dma semaphore(%arg14 : memref<!tpu.dma_semaphore, #tpu.memory_space<semaphore_mem>>) src(%dma_wait3A_43 : memref<10000x128xf32, #tpu.memory_space<hbm>>) dst(%arg8 : memref<40x128xf32, #tpu.memory_space<vmem>>)
    %dma_start3A_44 = arith.constant 0 : i32
    %dma_start3A_45 = arith.constant 0 : i32
    %dma_start3A_46 = tpu.memref_slice %arg7[%dma_start3A_44, %dma_start3A_45] : memref<250x40xi32, #tpu.memory_space<vmem>> -> memref<1x40xi32, #tpu.memory_space<vmem>>
    %dma_start3A_47 = tpu.memref_squeeze %dma_start3A_46 : memref<1x40xi32, #tpu.memory_space<vmem>> -> memref<40xi32, #tpu.memory_space<vmem>>
    %dma_start3A_48 = arith.constant 0 : i32
    %dma_start3A_49 = arith.constant 0 : i32
    %dma_start3A_50 = tpu.memref_slice %arg5[%dma_start3A_48, %dma_start3A_49] : memref<10000x128xf32, #tpu.memory_space<vmem_shared>> -> memref<10000x128xf32, #tpu.memory_space<vmem_shared>>
    tpu.enqueue_indirect_dma source(%arg8 : memref<40x128xf32, #tpu.memory_space<vmem>>) target(%dma_start3A_50 : memref<10000x128xf32, #tpu.memory_space<vmem_shared>>) offsets(%dma_start3A_47 : memref<40xi32, #tpu.memory_space<vmem>>) semaphore(%arg20 : memref<!tpu.dma_semaphore, #tpu.memory_space<semaphore_mem>>) {add = true}
    %dma_start3A_51 = arith.constant 5 : i32
    %dma_start3A_52 = arith.constant 0 : i32
    %dma_start3A_53 = tpu.memref_slice %arg6[%dma_start3A_51, %dma_start3A_52] : memref<250x40xi32, #tpu.memory_space<vmem>> -> memref<1x40xi32, #tpu.memory_space<vmem>>
    %dma_start3A_54 = tpu.memref_squeeze %dma_start3A_53 : memref<1x40xi32, #tpu.memory_space<vmem>> -> memref<40xi32, #tpu.memory_space<vmem>>
    %dma_start3A_55 = arith.constant 0 : i32
    %dma_start3A_56 = arith.constant 0 : i32
    %dma_start3A_57 = tpu.memref_slice %arg2[%dma_start3A_55, %dma_start3A_56] : memref<10000x128xf32, #tpu.memory_space<hbm>> -> memref<10000x128xf32, #tpu.memory_space<hbm>>
    tpu.enqueue_indirect_dma source(%dma_start3A_57 : memref<10000x128xf32, #tpu.memory_space<hbm>>) target(%arg13 : memref<40x128xf32, #tpu.memory_space<vmem>>) offsets(%dma_start3A_54 : memref<40xi32, #tpu.memory_space<vmem>>) semaphore(%arg19 : memref<!tpu.dma_semaphore, #tpu.memory_space<semaphore_mem>>)
    %dma_wait3A_58 = arith.constant 1 : i32
    %dma_wait3A_59 = arith.constant 0 : i32
    %dma_wait3A_60 = tpu.memref_slice %arg6[%dma_wait3A_58, %dma_wait3A_59] : memref<250x40xi32, #tpu.memory_space<vmem>> -> memref<1x40xi32, #tpu.memory_space<vmem>>
    %dma_wait3A_61 = tpu.memref_squeeze %dma_wait3A_60 : memref<1x40xi32, #tpu.memory_space<vmem>> -> memref<40xi32, #tpu.memory_space<vmem>>
    %dma_wait3A_62 = arith.constant 0 : i32
    %dma_wait3A_63 = arith.constant 0 : i32
    %dma_wait3A_64 = tpu.memref_slice %arg2[%dma_wait3A_62, %dma_wait3A_63] : memref<10000x128xf32, #tpu.memory_space<hbm>> -> memref<10000x128xf32, #tpu.memory_space<hbm>>
    tpu.wait_indirect_dma semaphore(%arg15 : memref<!tpu.dma_semaphore, #tpu.memory_space<semaphore_mem>>) src(%dma_wait3A_64 : memref<10000x128xf32, #tpu.memory_space<hbm>>) dst(%arg9 : memref<40x128xf32, #tpu.memory_space<vmem>>)
    %dma_start3A_65 = arith.constant 1 : i32
    %dma_start3A_66 = arith.constant 0 : i32
    %dma_start3A_67 = tpu.memref_slice %arg7[%dma_start3A_65, %dma_start3A_66] : memref<250x40xi32, #tpu.memory_space<vmem>> -> memref<1x40xi32, #tpu.memory_space<vmem>>
    %dma_start3A_68 = tpu.memref_squeeze %dma_start3A_67 : memref<1x40xi32, #tpu.memory_space<vmem>> -> memref<40xi32, #tpu.memory_space<vmem>>
    %dma_start3A_69 = arith.constant 0 : i32
    %dma_start3A_70 = arith.constant 0 : i32
    %dma_start3A_71 = tpu.memref_slice %arg5[%dma_start3A_69, %dma_start3A_70] : memref<10000x128xf32, #tpu.memory_space<vmem_shared>> -> memref<10000x128xf32, #tpu.memory_space<vmem_shared>>
    tpu.enqueue_indirect_dma source(%arg9 : memref<40x128xf32, #tpu.memory_space<vmem>>) target(%dma_start3A_71 : memref<10000x128xf32, #tpu.memory_space<vmem_shared>>) offsets(%dma_start3A_68 : memref<40xi32, #tpu.memory_space<vmem>>) semaphore(%arg21 : memref<!tpu.dma_semaphore, #tpu.memory_space<semaphore_mem>>) {add = true}
    %dma_wait3A_72 = arith.constant 0 : i32
    %dma_wait3A_73 = arith.constant 0 : i32
    %dma_wait3A_74 = tpu.memref_slice %arg7[%dma_wait3A_72, %dma_wait3A_73] : memref<250x40xi32, #tpu.memory_space<vmem>> -> memref<1x40xi32, #tpu.memory_space<vmem>>
    %dma_wait3A_75 = tpu.memref_squeeze %dma_wait3A_74 : memref<1x40xi32, #tpu.memory_space<vmem>> -> memref<40xi32, #tpu.memory_space<vmem>>
    %dma_wait3A_76 = arith.constant 0 : i32
    %dma_wait3A_77 = arith.constant 0 : i32
    %dma_wait3A_78 = tpu.memref_slice %arg5[%dma_wait3A_76, %dma_wait3A_77] : memref<10000x128xf32, #tpu.memory_space<vmem_shared>> -> memref<10000x128xf32, #tpu.memory_space<vmem_shared>>
    tpu.wait_indirect_dma semaphore(%arg20 : memref<!tpu.dma_semaphore, #tpu.memory_space<semaphore_mem>>) src(%arg8 : memref<40x128xf32, #tpu.memory_space<vmem>>) dst(%dma_wait3A_78 : memref<10000x128xf32, #tpu.memory_space<vmem_shared>>)
    %dma_start3A_79 = arith.constant 6 : i32
    %dma_start3A_80 = arith.constant 0 : i32
    %dma_start3A_81 = tpu.memref_slice %arg6[%dma_start3A_79, %dma_start3A_80] : memref<250x40xi32, #tpu.memory_space<vmem>> -> memref<1x40xi32, #tpu.memory_space<vmem>>
    %dma_start3A_82 = tpu.memref_squeeze %dma_start3A_81 : memref<1x40xi32, #tpu.memory_space<vmem>> -> memref<40xi32, #tpu.memory_space<vmem>>
    %dma_start3A_83 = arith.constant 0 : i32
    %dma_start3A_84 = arith.constant 0 : i32
    %dma_start3A_85 = tpu.memref_slice %arg2[%dma_start3A_83, %dma_start3A_84] : memref<10000x128xf32, #tpu.memory_space<hbm>> -> memref<10000x128xf32, #tpu.memory_space<hbm>>
    tpu.enqueue_indirect_dma source(%dma_start3A_85 : memref<10000x128xf32, #tpu.memory_space<hbm>>) target(%arg8 : memref<40x128xf32, #tpu.memory_space<vmem>>) offsets(%dma_start3A_82 : memref<40xi32, #tpu.memory_space<vmem>>) semaphore(%arg14 : memref<!tpu.dma_semaphore, #tpu.memory_space<semaphore_mem>>)
    %dma_wait3A_86 = arith.constant 2 : i32
    %dma_wait3A_87 = arith.constant 0 : i32
    %dma_wait3A_88 = tpu.memref_slice %arg6[%dma_wait3A_86, %dma_wait3A_87] : memref<250x40xi32, #tpu.memory_space<vmem>> -> memref<1x40xi32, #tpu.memory_space<vmem>>
    %dma_wait3A_89 = tpu.memref_squeeze %dma_wait3A_88 : memref<1x40xi32, #tpu.memory_space<vmem>> -> memref<40xi32, #tpu.memory_space<vmem>>
    %dma_wait3A_90 = arith.constant 0 : i32
    %dma_wait3A_91 = arith.constant 0 : i32
    %dma_wait3A_92 = tpu.memref_slice %arg2[%dma_wait3A_90, %dma_wait3A_91] : memref<10000x128xf32, #tpu.memory_space<hbm>> -> memref<10000x128xf32, #tpu.memory_space<hbm>>
    tpu.wait_indirect_dma semaphore(%arg16 : memref<!tpu.dma_semaphore, #tpu.memory_space<semaphore_mem>>) src(%dma_wait3A_92 : memref<10000x128xf32, #tpu.memory_space<hbm>>) dst(%arg10 : memref<40x128xf32, #tpu.memory_space<vmem>>)
    %dma_start3A_93 = arith.constant 2 : i32
    %dma_start3A_94 = arith.constant 0 : i32
    %dma_start3A_95 = tpu.memref_slice %arg7[%dma_start3A_93, %dma_start3A_94] : memref<250x40xi32, #tpu.memory_space<vmem>> -> memref<1x40xi32, #tpu.memory_space<vmem>>
    %dma_start3A_96 = tpu.memref_squeeze %dma_start3A_95 : memref<1x40xi32, #tpu.memory_space<vmem>> -> memref<40xi32, #tpu.memory_space<vmem>>
    %dma_start3A_97 = arith.constant 0 : i32
    %dma_start3A_98 = arith.constant 0 : i32
    %dma_start3A_99 = tpu.memref_slice %arg5[%dma_start3A_97, %dma_start3A_98] : memref<10000x128xf32, #tpu.memory_space<vmem_shared>> -> memref<10000x128xf32, #tpu.memory_space<vmem_shared>>
    tpu.enqueue_indirect_dma source(%arg10 : memref<40x128xf32, #tpu.memory_space<vmem>>) target(%dma_start3A_99 : memref<10000x128xf32, #tpu.memory_space<vmem_shared>>) offsets(%dma_start3A_96 : memref<40xi32, #tpu.memory_space<vmem>>) semaphore(%arg22 : memref<!tpu.dma_semaphore, #tpu.memory_space<semaphore_mem>>) {add = true}
    %dma_wait3A_100 = arith.constant 1 : i32
    %dma_wait3A_101 = arith.constant 0 : i32
    %dma_wait3A_102 = tpu.memref_slice %arg7[%dma_wait3A_100, %dma_wait3A_101] : memref<250x40xi32, #tpu.memory_space<vmem>> -> memref<1x40xi32, #tpu.memory_space<vmem>>
    %dma_wait3A_103 = tpu.memref_squeeze %dma_wait3A_102 : memref<1x40xi32, #tpu.memory_space<vmem>> -> memref<40xi32, #tpu.memory_space<vmem>>
    %dma_wait3A_104 = arith.constant 0 : i32
    %dma_wait3A_105 = arith.constant 0 : i32
    %dma_wait3A_106 = tpu.memref_slice %arg5[%dma_wait3A_104, %dma_wait3A_105] : memref<10000x128xf32, #tpu.memory_space<vmem_shared>> -> memref<10000x128xf32, #tpu.memory_space<vmem_shared>>
    tpu.wait_indirect_dma semaphore(%arg21 : memref<!tpu.dma_semaphore, #tpu.memory_space<semaphore_mem>>) src(%arg9 : memref<40x128xf32, #tpu.memory_space<vmem>>) dst(%dma_wait3A_106 : memref<10000x128xf32, #tpu.memory_space<vmem_shared>>)
    %dma_start3A_107 = arith.constant 7 : i32
    %dma_start3A_108 = arith.constant 0 : i32
    %dma_start3A_109 = tpu.memref_slice %arg6[%dma_start3A_107, %dma_start3A_108] : memref<250x40xi32, #tpu.memory_space<vmem>> -> memref<1x40xi32, #tpu.memory_space<vmem>>
    %dma_start3A_110 = tpu.memref_squeeze %dma_start3A_109 : memref<1x40xi32, #tpu.memory_space<vmem>> -> memref<40xi32, #tpu.memory_space<vmem>>
    %dma_start3A_111 = arith.constant 0 : i32
    %dma_start3A_112 = arith.constant 0 : i32
    %dma_start3A_113 = tpu.memref_slice %arg2[%dma_start3A_111, %dma_start3A_112] : memref<10000x128xf32, #tpu.memory_space<hbm>> -> memref<10000x128xf32, #tpu.memory_space<hbm>>
    tpu.enqueue_indirect_dma source(%dma_start3A_113 : memref<10000x128xf32, #tpu.memory_space<hbm>>) target(%arg9 : memref<40x128xf32, #tpu.memory_space<vmem>>) offsets(%dma_start3A_110 : memref<40xi32, #tpu.memory_space<vmem>>) semaphore(%arg15 : memref<!tpu.dma_semaphore, #tpu.memory_space<semaphore_mem>>)
    %dma_wait3A_114 = arith.constant 3 : i32
    %dma_wait3A_115 = arith.constant 0 : i32
    %dma_wait3A_116 = tpu.memref_slice %arg6[%dma_wait3A_114, %dma_wait3A_115] : memref<250x40xi32, #tpu.memory_space<vmem>> -> memref<1x40xi32, #tpu.memory_space<vmem>>
    %dma_wait3A_117 = tpu.memref_squeeze %dma_wait3A_116 : memref<1x40xi32, #tpu.memory_space<vmem>> -> memref<40xi32, #tpu.memory_space<vmem>>
    %dma_wait3A_118 = arith.constant 0 : i32
    %dma_wait3A_119 = arith.constant 0 : i32
    %dma_wait3A_120 = tpu.memref_slice %arg2[%dma_wait3A_118, %dma_wait3A_119] : memref<10000x128xf32, #tpu.memory_space<hbm>> -> memref<10000x128xf32, #tpu.memory_space<hbm>>
    tpu.wait_indirect_dma semaphore(%arg17 : memref<!tpu.dma_semaphore, #tpu.memory_space<semaphore_mem>>) src(%dma_wait3A_120 : memref<10000x128xf32, #tpu.memory_space<hbm>>) dst(%arg11 : memref<40x128xf32, #tpu.memory_space<vmem>>)
    %dma_start3A_121 = arith.constant 3 : i32
    %dma_start3A_122 = arith.constant 0 : i32
    %dma_start3A_123 = tpu.memref_slice %arg7[%dma_start3A_121, %dma_start3A_122] : memref<250x40xi32, #tpu.memory_space<vmem>> -> memref<1x40xi32, #tpu.memory_space<vmem>>
    %dma_start3A_124 = tpu.memref_squeeze %dma_start3A_123 : memref<1x40xi32, #tpu.memory_space<vmem>> -> memref<40xi32, #tpu.memory_space<vmem>>
    %dma_start3A_125 = arith.constant 0 : i32
    %dma_start3A_126 = arith.constant 0 : i32
    %dma_start3A_127 = tpu.memref_slice %arg5[%dma_start3A_125, %dma_start3A_126] : memref<10000x128xf32, #tpu.memory_space<vmem_shared>> -> memref<10000x128xf32, #tpu.memory_space<vmem_shared>>
    tpu.enqueue_indirect_dma source(%arg11 : memref<40x128xf32, #tpu.memory_space<vmem>>) target(%dma_start3A_127 : memref<10000x128xf32, #tpu.memory_space<vmem_shared>>) offsets(%dma_start3A_124 : memref<40xi32, #tpu.memory_space<vmem>>) semaphore(%arg23 : memref<!tpu.dma_semaphore, #tpu.memory_space<semaphore_mem>>) {add = true}
    %dma_wait3A_128 = arith.constant 2 : i32
    %dma_wait3A_129 = arith.constant 0 : i32
    %dma_wait3A_130 = tpu.memref_slice %arg7[%dma_wait3A_128, %dma_wait3A_129] : memref<250x40xi32, #tpu.memory_space<vmem>> -> memref<1x40xi32, #tpu.memory_space<vmem>>
    %dma_wait3A_131 = tpu.memref_squeeze %dma_wait3A_130 : memref<1x40xi32, #tpu.memory_space<vmem>> -> memref<40xi32, #tpu.memory_space<vmem>>
    %dma_wait3A_132 = arith.constant 0 : i32
    %dma_wait3A_133 = arith.constant 0 : i32
    %dma_wait3A_134 = tpu.memref_slice %arg5[%dma_wait3A_132, %dma_wait3A_133] : memref<10000x128xf32, #tpu.memory_space<vmem_shared>> -> memref<10000x128xf32, #tpu.memory_space<vmem_shared>>
    tpu.wait_indirect_dma semaphore(%arg22 : memref<!tpu.dma_semaphore, #tpu.memory_space<semaphore_mem>>) src(%arg10 : memref<40x128xf32, #tpu.memory_space<vmem>>) dst(%dma_wait3A_134 : memref<10000x128xf32, #tpu.memory_space<vmem_shared>>)
    %dma_start3A_135 = arith.constant 8 : i32
    %dma_start3A_136 = arith.constant 0 : i32
    %dma_start3A_137 = tpu.memref_slice %arg6[%dma_start3A_135, %dma_start3A_136] : memref<250x40xi32, #tpu.memory_space<vmem>> -> memref<1x40xi32, #tpu.memory_space<vmem>>
    %dma_start3A_138 = tpu.memref_squeeze %dma_start3A_137 : memref<1x40xi32, #tpu.memory_space<vmem>> -> memref<40xi32, #tpu.memory_space<vmem>>
    %dma_start3A_139 = arith.constant 0 : i32
    %dma_start3A_140 = arith.constant 0 : i32
    %dma_start3A_141 = tpu.memref_slice %arg2[%dma_start3A_139, %dma_start3A_140] : memref<10000x128xf32, #tpu.memory_space<hbm>> -> memref<10000x128xf32, #tpu.memory_space<hbm>>
    tpu.enqueue_indirect_dma source(%dma_start3A_141 : memref<10000x128xf32, #tpu.memory_space<hbm>>) target(%arg10 : memref<40x128xf32, #tpu.memory_space<vmem>>) offsets(%dma_start3A_138 : memref<40xi32, #tpu.memory_space<vmem>>) semaphore(%arg16 : memref<!tpu.dma_semaphore, #tpu.memory_space<semaphore_mem>>)
    %dma_wait3A_142 = arith.constant 4 : i32
    %dma_wait3A_143 = arith.constant 0 : i32
    %dma_wait3A_144 = tpu.memref_slice %arg6[%dma_wait3A_142, %dma_wait3A_143] : memref<250x40xi32, #tpu.memory_space<vmem>> -> memref<1x40xi32, #tpu.memory_space<vmem>>
    %dma_wait3A_145 = tpu.memref_squeeze %dma_wait3A_144 : memref<1x40xi32, #tpu.memory_space<vmem>> -> memref<40xi32, #tpu.memory_space<vmem>>
    %dma_wait3A_146 = arith.constant 0 : i32
    %dma_wait3A_147 = arith.constant 0 : i32
    %dma_wait3A_148 = tpu.memref_slice %arg2[%dma_wait3A_146, %dma_wait3A_147] : memref<10000x128xf32, #tpu.memory_space<hbm>> -> memref<10000x128xf32, #tpu.memory_space<hbm>>
    tpu.wait_indirect_dma semaphore(%arg18 : memref<!tpu.dma_semaphore, #tpu.memory_space<semaphore_mem>>) src(%dma_wait3A_148 : memref<10000x128xf32, #tpu.memory_space<hbm>>) dst(%arg12 : memref<40x128xf32, #tpu.memory_space<vmem>>)
    %dma_start3A_149 = arith.constant 4 : i32
    %dma_start3A_150 = arith.constant 0 : i32
    %dma_start3A_151 = tpu.memref_slice %arg7[%dma_start3A_149, %dma_start3A_150] : memref<250x40xi32, #tpu.memory_space<vmem>> -> memref<1x40xi32, #tpu.memory_space<vmem>>
    %dma_start3A_152 = tpu.memref_squeeze %dma_start3A_151 : memref<1x40xi32, #tpu.memory_space<vmem>> -> memref<40xi32, #tpu.memory_space<vmem>>
    %dma_start3A_153 = arith.constant 0 : i32
    %dma_start3A_154 = arith.constant 0 : i32
    %dma_start3A_155 = tpu.memref_slice %arg5[%dma_start3A_153, %dma_start3A_154] : memref<10000x128xf32, #tpu.memory_space<vmem_shared>> -> memref<10000x128xf32, #tpu.memory_space<vmem_shared>>
    tpu.enqueue_indirect_dma source(%arg12 : memref<40x128xf32, #tpu.memory_space<vmem>>) target(%dma_start3A_155 : memref<10000x128xf32, #tpu.memory_space<vmem_shared>>) offsets(%dma_start3A_152 : memref<40xi32, #tpu.memory_space<vmem>>) semaphore(%arg24 : memref<!tpu.dma_semaphore, #tpu.memory_space<semaphore_mem>>) {add = true}
    %dma_wait3A_156 = arith.constant 3 : i32
    %dma_wait3A_157 = arith.constant 0 : i32
    %dma_wait3A_158 = tpu.memref_slice %arg7[%dma_wait3A_156, %dma_wait3A_157] : memref<250x40xi32, #tpu.memory_space<vmem>> -> memref<1x40xi32, #tpu.memory_space<vmem>>
    %dma_wait3A_159 = tpu.memref_squeeze %dma_wait3A_158 : memref<1x40xi32, #tpu.memory_space<vmem>> -> memref<40xi32, #tpu.memory_space<vmem>>
    %dma_wait3A_160 = arith.constant 0 : i32
    %dma_wait3A_161 = arith.constant 0 : i32
    %dma_wait3A_162 = tpu.memref_slice %arg5[%dma_wait3A_160, %dma_wait3A_161] : memref<10000x128xf32, #tpu.memory_space<vmem_shared>> -> memref<10000x128xf32, #tpu.memory_space<vmem_shared>>
    tpu.wait_indirect_dma semaphore(%arg23 : memref<!tpu.dma_semaphore, #tpu.memory_space<semaphore_mem>>) src(%arg11 : memref<40x128xf32, #tpu.memory_space<vmem>>) dst(%dma_wait3A_162 : memref<10000x128xf32, #tpu.memory_space<vmem_shared>>)
    %dma_start3A_163 = arith.constant 9 : i32
    %dma_start3A_164 = arith.constant 0 : i32
    %dma_start3A_165 = tpu.memref_slice %arg6[%dma_start3A_163, %dma_start3A_164] : memref<250x40xi32, #tpu.memory_space<vmem>> -> memref<1x40xi32, #tpu.memory_space<vmem>>
    %dma_start3A_166 = tpu.memref_squeeze %dma_start3A_165 : memref<1x40xi32, #tpu.memory_space<vmem>> -> memref<40xi32, #tpu.memory_space<vmem>>
    %dma_start3A_167 = arith.constant 0 : i32
    %dma_start3A_168 = arith.constant 0 : i32
    %dma_start3A_169 = tpu.memref_slice %arg2[%dma_start3A_167, %dma_start3A_168] : memref<10000x128xf32, #tpu.memory_space<hbm>> -> memref<10000x128xf32, #tpu.memory_space<hbm>>
    tpu.enqueue_indirect_dma source(%dma_start3A_169 : memref<10000x128xf32, #tpu.memory_space<hbm>>) target(%arg11 : memref<40x128xf32, #tpu.memory_space<vmem>>) offsets(%dma_start3A_166 : memref<40xi32, #tpu.memory_space<vmem>>) semaphore(%arg17 : memref<!tpu.dma_semaphore, #tpu.memory_space<semaphore_mem>>)
    %scan3A = arith.constant 0 : i32
    %scan3A_170 = arith.constant 0 : i32
    %scan3A_171 = arith.constant 40 : i32
    %scan3A_172 = arith.addi %scan3A_170, %scan3A_171 : i32
    %scan3A_173 = arith.constant 1 : i32
    scf.for %scan3A_293 = %scan3A_170 to %scan3A_172 step %scan3A_173  : i32 {
      %mul3A_294 = arith.constant 6 : i32
      %mul3A_295 = arith.muli %scan3A_293, %mul3A_294 : i32
      %add3A = arith.constant 5 : i32
      %add3A_296 = arith.addi %add3A, %mul3A_295 : i32
      %add3A_297 = arith.constant 0 : i32
      %add3A_298 = arith.addi %add3A_296, %add3A_297 : i32
      %dma_wait3A_299 = arith.constant 0 : i32
      %dma_wait3A_300 = tpu.memref_slice %arg6[%add3A_298, %dma_wait3A_299] : memref<250x40xi32, #tpu.memory_space<vmem>> -> memref<1x40xi32, #tpu.memory_space<vmem>>
      %dma_wait3A_301 = tpu.memref_squeeze %dma_wait3A_300 : memref<1x40xi32, #tpu.memory_space<vmem>> -> memref<40xi32, #tpu.memory_space<vmem>>
      %dma_wait3A_302 = arith.constant 0 : i32
      %dma_wait3A_303 = arith.constant 0 : i32
      %dma_wait3A_304 = tpu.memref_slice %arg2[%dma_wait3A_302, %dma_wait3A_303] : memref<10000x128xf32, #tpu.memory_space<hbm>> -> memref<10000x128xf32, #tpu.memory_space<hbm>>
      tpu.wait_indirect_dma semaphore(%arg19 : memref<!tpu.dma_semaphore, #tpu.memory_space<semaphore_mem>>) src(%dma_wait3A_304 : memref<10000x128xf32, #tpu.memory_space<hbm>>) dst(%arg13 : memref<40x128xf32, #tpu.memory_space<vmem>>)
      %dma_start3A_305 = arith.constant 0 : i32
      %dma_start3A_306 = tpu.memref_slice %arg7[%add3A_298, %dma_start3A_305] : memref<250x40xi32, #tpu.memory_space<vmem>> -> memref<1x40xi32, #tpu.memory_space<vmem>>
      %dma_start3A_307 = tpu.memref_squeeze %dma_start3A_306 : memref<1x40xi32, #tpu.memory_space<vmem>> -> memref<40xi32, #tpu.memory_space<vmem>>
      %dma_start3A_308 = arith.constant 0 : i32
      %dma_start3A_309 = arith.constant 0 : i32
      %dma_start3A_310 = tpu.memref_slice %arg5[%dma_start3A_308, %dma_start3A_309] : memref<10000x128xf32, #tpu.memory_space<vmem_shared>> -> memref<10000x128xf32, #tpu.memory_space<vmem_shared>>
      tpu.enqueue_indirect_dma source(%arg13 : memref<40x128xf32, #tpu.memory_space<vmem>>) target(%dma_start3A_310 : memref<10000x128xf32, #tpu.memory_space<vmem_shared>>) offsets(%dma_start3A_307 : memref<40xi32, #tpu.memory_space<vmem>>) semaphore(%arg25 : memref<!tpu.dma_semaphore, #tpu.memory_space<semaphore_mem>>) {add = true}
      %add3A_311 = arith.constant 5 : i32
      %add3A_312 = arith.addi %add3A_298, %add3A_311 : i32
      %sub3A = arith.constant 6 : i32
      %sub3A_313 = arith.subi %add3A_312, %sub3A : i32
      %dma_wait3A_314 = arith.constant 0 : i32
      %dma_wait3A_315 = tpu.memref_slice %arg7[%sub3A_313, %dma_wait3A_314] : memref<250x40xi32, #tpu.memory_space<vmem>> -> memref<1x40xi32, #tpu.memory_space<vmem>>
      %dma_wait3A_316 = tpu.memref_squeeze %dma_wait3A_315 : memref<1x40xi32, #tpu.memory_space<vmem>> -> memref<40xi32, #tpu.memory_space<vmem>>
      %dma_wait3A_317 = arith.constant 0 : i32
      %dma_wait3A_318 = arith.constant 0 : i32
      %dma_wait3A_319 = tpu.memref_slice %arg5[%dma_wait3A_317, %dma_wait3A_318] : memref<10000x128xf32, #tpu.memory_space<vmem_shared>> -> memref<10000x128xf32, #tpu.memory_space<vmem_shared>>
      tpu.wait_indirect_dma semaphore(%arg24 : memref<!tpu.dma_semaphore, #tpu.memory_space<semaphore_mem>>) src(%arg12 : memref<40x128xf32, #tpu.memory_space<vmem>>) dst(%dma_wait3A_319 : memref<10000x128xf32, #tpu.memory_space<vmem_shared>>)
      %add3A_320 = arith.constant 5 : i32
      %add3A_321 = arith.addi %add3A_298, %add3A_320 : i32
      %dma_start3A_322 = arith.constant 0 : i32
      %dma_start3A_323 = tpu.memref_slice %arg6[%add3A_321, %dma_start3A_322] : memref<250x40xi32, #tpu.memory_space<vmem>> -> memref<1x40xi32, #tpu.memory_space<vmem>>
      %dma_start3A_324 = tpu.memref_squeeze %dma_start3A_323 : memref<1x40xi32, #tpu.memory_space<vmem>> -> memref<40xi32, #tpu.memory_space<vmem>>
      %dma_start3A_325 = arith.constant 0 : i32
      %dma_start3A_326 = arith.constant 0 : i32
      %dma_start3A_327 = tpu.memref_slice %arg2[%dma_start3A_325, %dma_start3A_326] : memref<10000x128xf32, #tpu.memory_space<hbm>> -> memref<10000x128xf32, #tpu.memory_space<hbm>>
      tpu.enqueue_indirect_dma source(%dma_start3A_327 : memref<10000x128xf32, #tpu.memory_space<hbm>>) target(%arg12 : memref<40x128xf32, #tpu.memory_space<vmem>>) offsets(%dma_start3A_324 : memref<40xi32, #tpu.memory_space<vmem>>) semaphore(%arg18 : memref<!tpu.dma_semaphore, #tpu.memory_space<semaphore_mem>>)
      %add3A_328 = arith.constant 1 : i32
      %add3A_329 = arith.addi %add3A_296, %add3A_328 : i32
      %dma_wait3A_330 = arith.constant 0 : i32
      %dma_wait3A_331 = tpu.memref_slice %arg6[%add3A_329, %dma_wait3A_330] : memref<250x40xi32, #tpu.memory_space<vmem>> -> memref<1x40xi32, #tpu.memory_space<vmem>>
      %dma_wait3A_332 = tpu.memref_squeeze %dma_wait3A_331 : memref<1x40xi32, #tpu.memory_space<vmem>> -> memref<40xi32, #tpu.memory_space<vmem>>
      %dma_wait3A_333 = arith.constant 0 : i32
      %dma_wait3A_334 = arith.constant 0 : i32
      %dma_wait3A_335 = tpu.memref_slice %arg2[%dma_wait3A_333, %dma_wait3A_334] : memref<10000x128xf32, #tpu.memory_space<hbm>> -> memref<10000x128xf32, #tpu.memory_space<hbm>>
      tpu.wait_indirect_dma semaphore(%arg14 : memref<!tpu.dma_semaphore, #tpu.memory_space<semaphore_mem>>) src(%dma_wait3A_335 : memref<10000x128xf32, #tpu.memory_space<hbm>>) dst(%arg8 : memref<40x128xf32, #tpu.memory_space<vmem>>)
      %dma_start3A_336 = arith.constant 0 : i32
      %dma_start3A_337 = tpu.memref_slice %arg7[%add3A_329, %dma_start3A_336] : memref<250x40xi32, #tpu.memory_space<vmem>> -> memref<1x40xi32, #tpu.memory_space<vmem>>
      %dma_start3A_338 = tpu.memref_squeeze %dma_start3A_337 : memref<1x40xi32, #tpu.memory_space<vmem>> -> memref<40xi32, #tpu.memory_space<vmem>>
      %dma_start3A_339 = arith.constant 0 : i32
      %dma_start3A_340 = arith.constant 0 : i32
      %dma_start3A_341 = tpu.memref_slice %arg5[%dma_start3A_339, %dma_start3A_340] : memref<10000x128xf32, #tpu.memory_space<vmem_shared>> -> memref<10000x128xf32, #tpu.memory_space<vmem_shared>>
      tpu.enqueue_indirect_dma source(%arg8 : memref<40x128xf32, #tpu.memory_space<vmem>>) target(%dma_start3A_341 : memref<10000x128xf32, #tpu.memory_space<vmem_shared>>) offsets(%dma_start3A_338 : memref<40xi32, #tpu.memory_space<vmem>>) semaphore(%arg20 : memref<!tpu.dma_semaphore, #tpu.memory_space<semaphore_mem>>) {add = true}
      %add3A_342 = arith.constant 5 : i32
      %add3A_343 = arith.addi %add3A_329, %add3A_342 : i32
      %sub3A_344 = arith.constant 6 : i32
      %sub3A_345 = arith.subi %add3A_343, %sub3A_344 : i32
      %dma_wait3A_346 = arith.constant 0 : i32
      %dma_wait3A_347 = tpu.memref_slice %arg7[%sub3A_345, %dma_wait3A_346] : memref<250x40xi32, #tpu.memory_space<vmem>> -> memref<1x40xi32, #tpu.memory_space<vmem>>
      %dma_wait3A_348 = tpu.memref_squeeze %dma_wait3A_347 : memref<1x40xi32, #tpu.memory_space<vmem>> -> memref<40xi32, #tpu.memory_space<vmem>>
      %dma_wait3A_349 = arith.constant 0 : i32
      %dma_wait3A_350 = arith.constant 0 : i32
      %dma_wait3A_351 = tpu.memref_slice %arg5[%dma_wait3A_349, %dma_wait3A_350] : memref<10000x128xf32, #tpu.memory_space<vmem_shared>> -> memref<10000x128xf32, #tpu.memory_space<vmem_shared>>
      tpu.wait_indirect_dma semaphore(%arg25 : memref<!tpu.dma_semaphore, #tpu.memory_space<semaphore_mem>>) src(%arg13 : memref<40x128xf32, #tpu.memory_space<vmem>>) dst(%dma_wait3A_351 : memref<10000x128xf32, #tpu.memory_space<vmem_shared>>)
      %add3A_352 = arith.constant 5 : i32
      %add3A_353 = arith.addi %add3A_329, %add3A_352 : i32
      %dma_start3A_354 = arith.constant 0 : i32
      %dma_start3A_355 = tpu.memref_slice %arg6[%add3A_353, %dma_start3A_354] : memref<250x40xi32, #tpu.memory_space<vmem>> -> memref<1x40xi32, #tpu.memory_space<vmem>>
      %dma_start3A_356 = tpu.memref_squeeze %dma_start3A_355 : memref<1x40xi32, #tpu.memory_space<vmem>> -> memref<40xi32, #tpu.memory_space<vmem>>
      %dma_start3A_357 = arith.constant 0 : i32
      %dma_start3A_358 = arith.constant 0 : i32
      %dma_start3A_359 = tpu.memref_slice %arg2[%dma_start3A_357, %dma_start3A_358] : memref<10000x128xf32, #tpu.memory_space<hbm>> -> memref<10000x128xf32, #tpu.memory_space<hbm>>
      tpu.enqueue_indirect_dma source(%dma_start3A_359 : memref<10000x128xf32, #tpu.memory_space<hbm>>) target(%arg13 : memref<40x128xf32, #tpu.memory_space<vmem>>) offsets(%dma_start3A_356 : memref<40xi32, #tpu.memory_space<vmem>>) semaphore(%arg19 : memref<!tpu.dma_semaphore, #tpu.memory_space<semaphore_mem>>)
      %add3A_360 = arith.constant 2 : i32
      %add3A_361 = arith.addi %add3A_296, %add3A_360 : i32
      %dma_wait3A_362 = arith.constant 0 : i32
      %dma_wait3A_363 = tpu.memref_slice %arg6[%add3A_361, %dma_wait3A_362] : memref<250x40xi32, #tpu.memory_space<vmem>> -> memref<1x40xi32, #tpu.memory_space<vmem>>
      %dma_wait3A_364 = tpu.memref_squeeze %dma_wait3A_363 : memref<1x40xi32, #tpu.memory_space<vmem>> -> memref<40xi32, #tpu.memory_space<vmem>>
      %dma_wait3A_365 = arith.constant 0 : i32
      %dma_wait3A_366 = arith.constant 0 : i32
      %dma_wait3A_367 = tpu.memref_slice %arg2[%dma_wait3A_365, %dma_wait3A_366] : memref<10000x128xf32, #tpu.memory_space<hbm>> -> memref<10000x128xf32, #tpu.memory_space<hbm>>
      tpu.wait_indirect_dma semaphore(%arg15 : memref<!tpu.dma_semaphore, #tpu.memory_space<semaphore_mem>>) src(%dma_wait3A_367 : memref<10000x128xf32, #tpu.memory_space<hbm>>) dst(%arg9 : memref<40x128xf32, #tpu.memory_space<vmem>>)
      %dma_start3A_368 = arith.constant 0 : i32
      %dma_start3A_369 = tpu.memref_slice %arg7[%add3A_361, %dma_start3A_368] : memref<250x40xi32, #tpu.memory_space<vmem>> -> memref<1x40xi32, #tpu.memory_space<vmem>>
      %dma_start3A_370 = tpu.memref_squeeze %dma_start3A_369 : memref<1x40xi32, #tpu.memory_space<vmem>> -> memref<40xi32, #tpu.memory_space<vmem>>
      %dma_start3A_371 = arith.constant 0 : i32
      %dma_start3A_372 = arith.constant 0 : i32
      %dma_start3A_373 = tpu.memref_slice %arg5[%dma_start3A_371, %dma_start3A_372] : memref<10000x128xf32, #tpu.memory_space<vmem_shared>> -> memref<10000x128xf32, #tpu.memory_space<vmem_shared>>
      tpu.enqueue_indirect_dma source(%arg9 : memref<40x128xf32, #tpu.memory_space<vmem>>) target(%dma_start3A_373 : memref<10000x128xf32, #tpu.memory_space<vmem_shared>>) offsets(%dma_start3A_370 : memref<40xi32, #tpu.memory_space<vmem>>) semaphore(%arg21 : memref<!tpu.dma_semaphore, #tpu.memory_space<semaphore_mem>>) {add = true}
      %add3A_374 = arith.constant 5 : i32
      %add3A_375 = arith.addi %add3A_361, %add3A_374 : i32
      %sub3A_376 = arith.constant 6 : i32
      %sub3A_377 = arith.subi %add3A_375, %sub3A_376 : i32
      %dma_wait3A_378 = arith.constant 0 : i32
      %dma_wait3A_379 = tpu.memref_slice %arg7[%sub3A_377, %dma_wait3A_378] : memref<250x40xi32, #tpu.memory_space<vmem>> -> memref<1x40xi32, #tpu.memory_space<vmem>>
      %dma_wait3A_380 = tpu.memref_squeeze %dma_wait3A_379 : memref<1x40xi32, #tpu.memory_space<vmem>> -> memref<40xi32, #tpu.memory_space<vmem>>
      %dma_wait3A_381 = arith.constant 0 : i32
      %dma_wait3A_382 = arith.constant 0 : i32
      %dma_wait3A_383 = tpu.memref_slice %arg5[%dma_wait3A_381, %dma_wait3A_382] : memref<10000x128xf32, #tpu.memory_space<vmem_shared>> -> memref<10000x128xf32, #tpu.memory_space<vmem_shared>>
      tpu.wait_indirect_dma semaphore(%arg20 : memref<!tpu.dma_semaphore, #tpu.memory_space<semaphore_mem>>) src(%arg8 : memref<40x128xf32, #tpu.memory_space<vmem>>) dst(%dma_wait3A_383 : memref<10000x128xf32, #tpu.memory_space<vmem_shared>>)
      %add3A_384 = arith.constant 5 : i32
      %add3A_385 = arith.addi %add3A_361, %add3A_384 : i32
      %dma_start3A_386 = arith.constant 0 : i32
      %dma_start3A_387 = tpu.memref_slice %arg6[%add3A_385, %dma_start3A_386] : memref<250x40xi32, #tpu.memory_space<vmem>> -> memref<1x40xi32, #tpu.memory_space<vmem>>
      %dma_start3A_388 = tpu.memref_squeeze %dma_start3A_387 : memref<1x40xi32, #tpu.memory_space<vmem>> -> memref<40xi32, #tpu.memory_space<vmem>>
      %dma_start3A_389 = arith.constant 0 : i32
      %dma_start3A_390 = arith.constant 0 : i32
      %dma_start3A_391 = tpu.memref_slice %arg2[%dma_start3A_389, %dma_start3A_390] : memref<10000x128xf32, #tpu.memory_space<hbm>> -> memref<10000x128xf32, #tpu.memory_space<hbm>>
      tpu.enqueue_indirect_dma source(%dma_start3A_391 : memref<10000x128xf32, #tpu.memory_space<hbm>>) target(%arg8 : memref<40x128xf32, #tpu.memory_space<vmem>>) offsets(%dma_start3A_388 : memref<40xi32, #tpu.memory_space<vmem>>) semaphore(%arg14 : memref<!tpu.dma_semaphore, #tpu.memory_space<semaphore_mem>>)
      %add3A_392 = arith.constant 3 : i32
      %add3A_393 = arith.addi %add3A_296, %add3A_392 : i32
      %dma_wait3A_394 = arith.constant 0 : i32
      %dma_wait3A_395 = tpu.memref_slice %arg6[%add3A_393, %dma_wait3A_394] : memref<250x40xi32, #tpu.memory_space<vmem>> -> memref<1x40xi32, #tpu.memory_space<vmem>>
      %dma_wait3A_396 = tpu.memref_squeeze %dma_wait3A_395 : memref<1x40xi32, #tpu.memory_space<vmem>> -> memref<40xi32, #tpu.memory_space<vmem>>
      %dma_wait3A_397 = arith.constant 0 : i32
      %dma_wait3A_398 = arith.constant 0 : i32
      %dma_wait3A_399 = tpu.memref_slice %arg2[%dma_wait3A_397, %dma_wait3A_398] : memref<10000x128xf32, #tpu.memory_space<hbm>> -> memref<10000x128xf32, #tpu.memory_space<hbm>>
      tpu.wait_indirect_dma semaphore(%arg16 : memref<!tpu.dma_semaphore, #tpu.memory_space<semaphore_mem>>) src(%dma_wait3A_399 : memref<10000x128xf32, #tpu.memory_space<hbm>>) dst(%arg10 : memref<40x128xf32, #tpu.memory_space<vmem>>)
      %dma_start3A_400 = arith.constant 0 : i32
      %dma_start3A_401 = tpu.memref_slice %arg7[%add3A_393, %dma_start3A_400] : memref<250x40xi32, #tpu.memory_space<vmem>> -> memref<1x40xi32, #tpu.memory_space<vmem>>
      %dma_start3A_402 = tpu.memref_squeeze %dma_start3A_401 : memref<1x40xi32, #tpu.memory_space<vmem>> -> memref<40xi32, #tpu.memory_space<vmem>>
      %dma_start3A_403 = arith.constant 0 : i32
      %dma_start3A_404 = arith.constant 0 : i32
      %dma_start3A_405 = tpu.memref_slice %arg5[%dma_start3A_403, %dma_start3A_404] : memref<10000x128xf32, #tpu.memory_space<vmem_shared>> -> memref<10000x128xf32, #tpu.memory_space<vmem_shared>>
      tpu.enqueue_indirect_dma source(%arg10 : memref<40x128xf32, #tpu.memory_space<vmem>>) target(%dma_start3A_405 : memref<10000x128xf32, #tpu.memory_space<vmem_shared>>) offsets(%dma_start3A_402 : memref<40xi32, #tpu.memory_space<vmem>>) semaphore(%arg22 : memref<!tpu.dma_semaphore, #tpu.memory_space<semaphore_mem>>) {add = true}
      %add3A_406 = arith.constant 5 : i32
      %add3A_407 = arith.addi %add3A_393, %add3A_406 : i32
      %sub3A_408 = arith.constant 6 : i32
      %sub3A_409 = arith.subi %add3A_407, %sub3A_408 : i32
      %dma_wait3A_410 = arith.constant 0 : i32
      %dma_wait3A_411 = tpu.memref_slice %arg7[%sub3A_409, %dma_wait3A_410] : memref<250x40xi32, #tpu.memory_space<vmem>> -> memref<1x40xi32, #tpu.memory_space<vmem>>
      %dma_wait3A_412 = tpu.memref_squeeze %dma_wait3A_411 : memref<1x40xi32, #tpu.memory_space<vmem>> -> memref<40xi32, #tpu.memory_space<vmem>>
      %dma_wait3A_413 = arith.constant 0 : i32
      %dma_wait3A_414 = arith.constant 0 : i32
      %dma_wait3A_415 = tpu.memref_slice %arg5[%dma_wait3A_413, %dma_wait3A_414] : memref<10000x128xf32, #tpu.memory_space<vmem_shared>> -> memref<10000x128xf32, #tpu.memory_space<vmem_shared>>
      tpu.wait_indirect_dma semaphore(%arg21 : memref<!tpu.dma_semaphore, #tpu.memory_space<semaphore_mem>>) src(%arg9 : memref<40x128xf32, #tpu.memory_space<vmem>>) dst(%dma_wait3A_415 : memref<10000x128xf32, #tpu.memory_space<vmem_shared>>)
      %add3A_416 = arith.constant 5 : i32
      %add3A_417 = arith.addi %add3A_393, %add3A_416 : i32
      %dma_start3A_418 = arith.constant 0 : i32
      %dma_start3A_419 = tpu.memref_slice %arg6[%add3A_417, %dma_start3A_418] : memref<250x40xi32, #tpu.memory_space<vmem>> -> memref<1x40xi32, #tpu.memory_space<vmem>>
      %dma_start3A_420 = tpu.memref_squeeze %dma_start3A_419 : memref<1x40xi32, #tpu.memory_space<vmem>> -> memref<40xi32, #tpu.memory_space<vmem>>
      %dma_start3A_421 = arith.constant 0 : i32
      %dma_start3A_422 = arith.constant 0 : i32
      %dma_start3A_423 = tpu.memref_slice %arg2[%dma_start3A_421, %dma_start3A_422] : memref<10000x128xf32, #tpu.memory_space<hbm>> -> memref<10000x128xf32, #tpu.memory_space<hbm>>
      tpu.enqueue_indirect_dma source(%dma_start3A_423 : memref<10000x128xf32, #tpu.memory_space<hbm>>) target(%arg9 : memref<40x128xf32, #tpu.memory_space<vmem>>) offsets(%dma_start3A_420 : memref<40xi32, #tpu.memory_space<vmem>>) semaphore(%arg15 : memref<!tpu.dma_semaphore, #tpu.memory_space<semaphore_mem>>)
      %add3A_424 = arith.constant 4 : i32
      %add3A_425 = arith.addi %add3A_296, %add3A_424 : i32
      %dma_wait3A_426 = arith.constant 0 : i32
      %dma_wait3A_427 = tpu.memref_slice %arg6[%add3A_425, %dma_wait3A_426] : memref<250x40xi32, #tpu.memory_space<vmem>> -> memref<1x40xi32, #tpu.memory_space<vmem>>
      %dma_wait3A_428 = tpu.memref_squeeze %dma_wait3A_427 : memref<1x40xi32, #tpu.memory_space<vmem>> -> memref<40xi32, #tpu.memory_space<vmem>>
      %dma_wait3A_429 = arith.constant 0 : i32
      %dma_wait3A_430 = arith.constant 0 : i32
      %dma_wait3A_431 = tpu.memref_slice %arg2[%dma_wait3A_429, %dma_wait3A_430] : memref<10000x128xf32, #tpu.memory_space<hbm>> -> memref<10000x128xf32, #tpu.memory_space<hbm>>
      tpu.wait_indirect_dma semaphore(%arg17 : memref<!tpu.dma_semaphore, #tpu.memory_space<semaphore_mem>>) src(%dma_wait3A_431 : memref<10000x128xf32, #tpu.memory_space<hbm>>) dst(%arg11 : memref<40x128xf32, #tpu.memory_space<vmem>>)
      %dma_start3A_432 = arith.constant 0 : i32
      %dma_start3A_433 = tpu.memref_slice %arg7[%add3A_425, %dma_start3A_432] : memref<250x40xi32, #tpu.memory_space<vmem>> -> memref<1x40xi32, #tpu.memory_space<vmem>>
      %dma_start3A_434 = tpu.memref_squeeze %dma_start3A_433 : memref<1x40xi32, #tpu.memory_space<vmem>> -> memref<40xi32, #tpu.memory_space<vmem>>
      %dma_start3A_435 = arith.constant 0 : i32
      %dma_start3A_436 = arith.constant 0 : i32
      %dma_start3A_437 = tpu.memref_slice %arg5[%dma_start3A_435, %dma_start3A_436] : memref<10000x128xf32, #tpu.memory_space<vmem_shared>> -> memref<10000x128xf32, #tpu.memory_space<vmem_shared>>
      tpu.enqueue_indirect_dma source(%arg11 : memref<40x128xf32, #tpu.memory_space<vmem>>) target(%dma_start3A_437 : memref<10000x128xf32, #tpu.memory_space<vmem_shared>>) offsets(%dma_start3A_434 : memref<40xi32, #tpu.memory_space<vmem>>) semaphore(%arg23 : memref<!tpu.dma_semaphore, #tpu.memory_space<semaphore_mem>>) {add = true}
      %add3A_438 = arith.constant 5 : i32
      %add3A_439 = arith.addi %add3A_425, %add3A_438 : i32
      %sub3A_440 = arith.constant 6 : i32
      %sub3A_441 = arith.subi %add3A_439, %sub3A_440 : i32
      %dma_wait3A_442 = arith.constant 0 : i32
      %dma_wait3A_443 = tpu.memref_slice %arg7[%sub3A_441, %dma_wait3A_442] : memref<250x40xi32, #tpu.memory_space<vmem>> -> memref<1x40xi32, #tpu.memory_space<vmem>>
      %dma_wait3A_444 = tpu.memref_squeeze %dma_wait3A_443 : memref<1x40xi32, #tpu.memory_space<vmem>> -> memref<40xi32, #tpu.memory_space<vmem>>
      %dma_wait3A_445 = arith.constant 0 : i32
      %dma_wait3A_446 = arith.constant 0 : i32
      %dma_wait3A_447 = tpu.memref_slice %arg5[%dma_wait3A_445, %dma_wait3A_446] : memref<10000x128xf32, #tpu.memory_space<vmem_shared>> -> memref<10000x128xf32, #tpu.memory_space<vmem_shared>>
      tpu.wait_indirect_dma semaphore(%arg22 : memref<!tpu.dma_semaphore, #tpu.memory_space<semaphore_mem>>) src(%arg10 : memref<40x128xf32, #tpu.memory_space<vmem>>) dst(%dma_wait3A_447 : memref<10000x128xf32, #tpu.memory_space<vmem_shared>>)
      %add3A_448 = arith.constant 5 : i32
      %add3A_449 = arith.addi %add3A_425, %add3A_448 : i32
      %dma_start3A_450 = arith.constant 0 : i32
      %dma_start3A_451 = tpu.memref_slice %arg6[%add3A_449, %dma_start3A_450] : memref<250x40xi32, #tpu.memory_space<vmem>> -> memref<1x40xi32, #tpu.memory_space<vmem>>
      %dma_start3A_452 = tpu.memref_squeeze %dma_start3A_451 : memref<1x40xi32, #tpu.memory_space<vmem>> -> memref<40xi32, #tpu.memory_space<vmem>>
      %dma_start3A_453 = arith.constant 0 : i32
      %dma_start3A_454 = arith.constant 0 : i32
      %dma_start3A_455 = tpu.memref_slice %arg2[%dma_start3A_453, %dma_start3A_454] : memref<10000x128xf32, #tpu.memory_space<hbm>> -> memref<10000x128xf32, #tpu.memory_space<hbm>>
      tpu.enqueue_indirect_dma source(%dma_start3A_455 : memref<10000x128xf32, #tpu.memory_space<hbm>>) target(%arg10 : memref<40x128xf32, #tpu.memory_space<vmem>>) offsets(%dma_start3A_452 : memref<40xi32, #tpu.memory_space<vmem>>) semaphore(%arg16 : memref<!tpu.dma_semaphore, #tpu.memory_space<semaphore_mem>>)
      %add3A_456 = arith.constant 5 : i32
      %add3A_457 = arith.addi %add3A_296, %add3A_456 : i32
      %dma_wait3A_458 = arith.constant 0 : i32
      %dma_wait3A_459 = tpu.memref_slice %arg6[%add3A_457, %dma_wait3A_458] : memref<250x40xi32, #tpu.memory_space<vmem>> -> memref<1x40xi32, #tpu.memory_space<vmem>>
      %dma_wait3A_460 = tpu.memref_squeeze %dma_wait3A_459 : memref<1x40xi32, #tpu.memory_space<vmem>> -> memref<40xi32, #tpu.memory_space<vmem>>
      %dma_wait3A_461 = arith.constant 0 : i32
      %dma_wait3A_462 = arith.constant 0 : i32
      %dma_wait3A_463 = tpu.memref_slice %arg2[%dma_wait3A_461, %dma_wait3A_462] : memref<10000x128xf32, #tpu.memory_space<hbm>> -> memref<10000x128xf32, #tpu.memory_space<hbm>>
      tpu.wait_indirect_dma semaphore(%arg18 : memref<!tpu.dma_semaphore, #tpu.memory_space<semaphore_mem>>) src(%dma_wait3A_463 : memref<10000x128xf32, #tpu.memory_space<hbm>>) dst(%arg12 : memref<40x128xf32, #tpu.memory_space<vmem>>)
      %dma_start3A_464 = arith.constant 0 : i32
      %dma_start3A_465 = tpu.memref_slice %arg7[%add3A_457, %dma_start3A_464] : memref<250x40xi32, #tpu.memory_space<vmem>> -> memref<1x40xi32, #tpu.memory_space<vmem>>
      %dma_start3A_466 = tpu.memref_squeeze %dma_start3A_465 : memref<1x40xi32, #tpu.memory_space<vmem>> -> memref<40xi32, #tpu.memory_space<vmem>>
      %dma_start3A_467 = arith.constant 0 : i32
      %dma_start3A_468 = arith.constant 0 : i32
      %dma_start3A_469 = tpu.memref_slice %arg5[%dma_start3A_467, %dma_start3A_468] : memref<10000x128xf32, #tpu.memory_space<vmem_shared>> -> memref<10000x128xf32, #tpu.memory_space<vmem_shared>>
      tpu.enqueue_indirect_dma source(%arg12 : memref<40x128xf32, #tpu.memory_space<vmem>>) target(%dma_start3A_469 : memref<10000x128xf32, #tpu.memory_space<vmem_shared>>) offsets(%dma_start3A_466 : memref<40xi32, #tpu.memory_space<vmem>>) semaphore(%arg24 : memref<!tpu.dma_semaphore, #tpu.memory_space<semaphore_mem>>) {add = true}
      %add3A_470 = arith.constant 5 : i32
      %add3A_471 = arith.addi %add3A_457, %add3A_470 : i32
      %sub3A_472 = arith.constant 6 : i32
      %sub3A_473 = arith.subi %add3A_471, %sub3A_472 : i32
      %dma_wait3A_474 = arith.constant 0 : i32
      %dma_wait3A_475 = tpu.memref_slice %arg7[%sub3A_473, %dma_wait3A_474] : memref<250x40xi32, #tpu.memory_space<vmem>> -> memref<1x40xi32, #tpu.memory_space<vmem>>
      %dma_wait3A_476 = tpu.memref_squeeze %dma_wait3A_475 : memref<1x40xi32, #tpu.memory_space<vmem>> -> memref<40xi32, #tpu.memory_space<vmem>>
      %dma_wait3A_477 = arith.constant 0 : i32
      %dma_wait3A_478 = arith.constant 0 : i32
      %dma_wait3A_479 = tpu.memref_slice %arg5[%dma_wait3A_477, %dma_wait3A_478] : memref<10000x128xf32, #tpu.memory_space<vmem_shared>> -> memref<10000x128xf32, #tpu.memory_space<vmem_shared>>
      tpu.wait_indirect_dma semaphore(%arg23 : memref<!tpu.dma_semaphore, #tpu.memory_space<semaphore_mem>>) src(%arg11 : memref<40x128xf32, #tpu.memory_space<vmem>>) dst(%dma_wait3A_479 : memref<10000x128xf32, #tpu.memory_space<vmem_shared>>)
      %add3A_480 = arith.constant 5 : i32
      %add3A_481 = arith.addi %add3A_457, %add3A_480 : i32
      %dma_start3A_482 = arith.constant 0 : i32
      %dma_start3A_483 = tpu.memref_slice %arg6[%add3A_481, %dma_start3A_482] : memref<250x40xi32, #tpu.memory_space<vmem>> -> memref<1x40xi32, #tpu.memory_space<vmem>>
      %dma_start3A_484 = tpu.memref_squeeze %dma_start3A_483 : memref<1x40xi32, #tpu.memory_space<vmem>> -> memref<40xi32, #tpu.memory_space<vmem>>
      %dma_start3A_485 = arith.constant 0 : i32
      %dma_start3A_486 = arith.constant 0 : i32
      %dma_start3A_487 = tpu.memref_slice %arg2[%dma_start3A_485, %dma_start3A_486] : memref<10000x128xf32, #tpu.memory_space<hbm>> -> memref<10000x128xf32, #tpu.memory_space<hbm>>
      tpu.enqueue_indirect_dma source(%dma_start3A_487 : memref<10000x128xf32, #tpu.memory_space<hbm>>) target(%arg11 : memref<40x128xf32, #tpu.memory_space<vmem>>) offsets(%dma_start3A_484 : memref<40xi32, #tpu.memory_space<vmem>>) semaphore(%arg17 : memref<!tpu.dma_semaphore, #tpu.memory_space<semaphore_mem>>)
    }
    %scan3A_174 = arith.constant 40 : i32
    %dma_wait3A_175 = arith.constant 245 : i32
    %dma_wait3A_176 = arith.constant 0 : i32
    %dma_wait3A_177 = tpu.memref_slice %arg6[%dma_wait3A_175, %dma_wait3A_176] : memref<250x40xi32, #tpu.memory_space<vmem>> -> memref<1x40xi32, #tpu.memory_space<vmem>>
    %dma_wait3A_178 = tpu.memref_squeeze %dma_wait3A_177 : memref<1x40xi32, #tpu.memory_space<vmem>> -> memref<40xi32, #tpu.memory_space<vmem>>
    %dma_wait3A_179 = arith.constant 0 : i32
    %dma_wait3A_180 = arith.constant 0 : i32
    %dma_wait3A_181 = tpu.memref_slice %arg2[%dma_wait3A_179, %dma_wait3A_180] : memref<10000x128xf32, #tpu.memory_space<hbm>> -> memref<10000x128xf32, #tpu.memory_space<hbm>>
    tpu.wait_indirect_dma semaphore(%arg19 : memref<!tpu.dma_semaphore, #tpu.memory_space<semaphore_mem>>) src(%dma_wait3A_181 : memref<10000x128xf32, #tpu.memory_space<hbm>>) dst(%arg13 : memref<40x128xf32, #tpu.memory_space<vmem>>)
    %dma_start3A_182 = arith.constant 245 : i32
    %dma_start3A_183 = arith.constant 0 : i32
    %dma_start3A_184 = tpu.memref_slice %arg7[%dma_start3A_182, %dma_start3A_183] : memref<250x40xi32, #tpu.memory_space<vmem>> -> memref<1x40xi32, #tpu.memory_space<vmem>>
    %dma_start3A_185 = tpu.memref_squeeze %dma_start3A_184 : memref<1x40xi32, #tpu.memory_space<vmem>> -> memref<40xi32, #tpu.memory_space<vmem>>
    %dma_start3A_186 = arith.constant 0 : i32
    %dma_start3A_187 = arith.constant 0 : i32
    %dma_start3A_188 = tpu.memref_slice %arg5[%dma_start3A_186, %dma_start3A_187] : memref<10000x128xf32, #tpu.memory_space<vmem_shared>> -> memref<10000x128xf32, #tpu.memory_space<vmem_shared>>
    tpu.enqueue_indirect_dma source(%arg13 : memref<40x128xf32, #tpu.memory_space<vmem>>) target(%dma_start3A_188 : memref<10000x128xf32, #tpu.memory_space<vmem_shared>>) offsets(%dma_start3A_185 : memref<40xi32, #tpu.memory_space<vmem>>) semaphore(%arg25 : memref<!tpu.dma_semaphore, #tpu.memory_space<semaphore_mem>>) {add = true}
    %dma_wait3A_189 = arith.constant 246 : i32
    %dma_wait3A_190 = arith.constant 0 : i32
    %dma_wait3A_191 = tpu.memref_slice %arg6[%dma_wait3A_189, %dma_wait3A_190] : memref<250x40xi32, #tpu.memory_space<vmem>> -> memref<1x40xi32, #tpu.memory_space<vmem>>
    %dma_wait3A_192 = tpu.memref_squeeze %dma_wait3A_191 : memref<1x40xi32, #tpu.memory_space<vmem>> -> memref<40xi32, #tpu.memory_space<vmem>>
    %dma_wait3A_193 = arith.constant 0 : i32
    %dma_wait3A_194 = arith.constant 0 : i32
    %dma_wait3A_195 = tpu.memref_slice %arg2[%dma_wait3A_193, %dma_wait3A_194] : memref<10000x128xf32, #tpu.memory_space<hbm>> -> memref<10000x128xf32, #tpu.memory_space<hbm>>
    tpu.wait_indirect_dma semaphore(%arg14 : memref<!tpu.dma_semaphore, #tpu.memory_space<semaphore_mem>>) src(%dma_wait3A_195 : memref<10000x128xf32, #tpu.memory_space<hbm>>) dst(%arg8 : memref<40x128xf32, #tpu.memory_space<vmem>>)
    %dma_start3A_196 = arith.constant 246 : i32
    %dma_start3A_197 = arith.constant 0 : i32
    %dma_start3A_198 = tpu.memref_slice %arg7[%dma_start3A_196, %dma_start3A_197] : memref<250x40xi32, #tpu.memory_space<vmem>> -> memref<1x40xi32, #tpu.memory_space<vmem>>
    %dma_start3A_199 = tpu.memref_squeeze %dma_start3A_198 : memref<1x40xi32, #tpu.memory_space<vmem>> -> memref<40xi32, #tpu.memory_space<vmem>>
    %dma_start3A_200 = arith.constant 0 : i32
    %dma_start3A_201 = arith.constant 0 : i32
    %dma_start3A_202 = tpu.memref_slice %arg5[%dma_start3A_200, %dma_start3A_201] : memref<10000x128xf32, #tpu.memory_space<vmem_shared>> -> memref<10000x128xf32, #tpu.memory_space<vmem_shared>>
    tpu.enqueue_indirect_dma source(%arg8 : memref<40x128xf32, #tpu.memory_space<vmem>>) target(%dma_start3A_202 : memref<10000x128xf32, #tpu.memory_space<vmem_shared>>) offsets(%dma_start3A_199 : memref<40xi32, #tpu.memory_space<vmem>>) semaphore(%arg20 : memref<!tpu.dma_semaphore, #tpu.memory_space<semaphore_mem>>) {add = true}
    %dma_wait3A_203 = arith.constant 247 : i32
    %dma_wait3A_204 = arith.constant 0 : i32
    %dma_wait3A_205 = tpu.memref_slice %arg6[%dma_wait3A_203, %dma_wait3A_204] : memref<250x40xi32, #tpu.memory_space<vmem>> -> memref<1x40xi32, #tpu.memory_space<vmem>>
    %dma_wait3A_206 = tpu.memref_squeeze %dma_wait3A_205 : memref<1x40xi32, #tpu.memory_space<vmem>> -> memref<40xi32, #tpu.memory_space<vmem>>
    %dma_wait3A_207 = arith.constant 0 : i32
    %dma_wait3A_208 = arith.constant 0 : i32
    %dma_wait3A_209 = tpu.memref_slice %arg2[%dma_wait3A_207, %dma_wait3A_208] : memref<10000x128xf32, #tpu.memory_space<hbm>> -> memref<10000x128xf32, #tpu.memory_space<hbm>>
    tpu.wait_indirect_dma semaphore(%arg15 : memref<!tpu.dma_semaphore, #tpu.memory_space<semaphore_mem>>) src(%dma_wait3A_209 : memref<10000x128xf32, #tpu.memory_space<hbm>>) dst(%arg9 : memref<40x128xf32, #tpu.memory_space<vmem>>)
    %dma_start3A_210 = arith.constant 247 : i32
    %dma_start3A_211 = arith.constant 0 : i32
    %dma_start3A_212 = tpu.memref_slice %arg7[%dma_start3A_210, %dma_start3A_211] : memref<250x40xi32, #tpu.memory_space<vmem>> -> memref<1x40xi32, #tpu.memory_space<vmem>>
    %dma_start3A_213 = tpu.memref_squeeze %dma_start3A_212 : memref<1x40xi32, #tpu.memory_space<vmem>> -> memref<40xi32, #tpu.memory_space<vmem>>
    %dma_start3A_214 = arith.constant 0 : i32
    %dma_start3A_215 = arith.constant 0 : i32
    %dma_start3A_216 = tpu.memref_slice %arg5[%dma_start3A_214, %dma_start3A_215] : memref<10000x128xf32, #tpu.memory_space<vmem_shared>> -> memref<10000x128xf32, #tpu.memory_space<vmem_shared>>
    tpu.enqueue_indirect_dma source(%arg9 : memref<40x128xf32, #tpu.memory_space<vmem>>) target(%dma_start3A_216 : memref<10000x128xf32, #tpu.memory_space<vmem_shared>>) offsets(%dma_start3A_213 : memref<40xi32, #tpu.memory_space<vmem>>) semaphore(%arg21 : memref<!tpu.dma_semaphore, #tpu.memory_space<semaphore_mem>>) {add = true}
    %dma_wait3A_217 = arith.constant 248 : i32
    %dma_wait3A_218 = arith.constant 0 : i32
    %dma_wait3A_219 = tpu.memref_slice %arg6[%dma_wait3A_217, %dma_wait3A_218] : memref<250x40xi32, #tpu.memory_space<vmem>> -> memref<1x40xi32, #tpu.memory_space<vmem>>
    %dma_wait3A_220 = tpu.memref_squeeze %dma_wait3A_219 : memref<1x40xi32, #tpu.memory_space<vmem>> -> memref<40xi32, #tpu.memory_space<vmem>>
    %dma_wait3A_221 = arith.constant 0 : i32
    %dma_wait3A_222 = arith.constant 0 : i32
    %dma_wait3A_223 = tpu.memref_slice %arg2[%dma_wait3A_221, %dma_wait3A_222] : memref<10000x128xf32, #tpu.memory_space<hbm>> -> memref<10000x128xf32, #tpu.memory_space<hbm>>
    tpu.wait_indirect_dma semaphore(%arg16 : memref<!tpu.dma_semaphore, #tpu.memory_space<semaphore_mem>>) src(%dma_wait3A_223 : memref<10000x128xf32, #tpu.memory_space<hbm>>) dst(%arg10 : memref<40x128xf32, #tpu.memory_space<vmem>>)
    %dma_start3A_224 = arith.constant 248 : i32
    %dma_start3A_225 = arith.constant 0 : i32
    %dma_start3A_226 = tpu.memref_slice %arg7[%dma_start3A_224, %dma_start3A_225] : memref<250x40xi32, #tpu.memory_space<vmem>> -> memref<1x40xi32, #tpu.memory_space<vmem>>
    %dma_start3A_227 = tpu.memref_squeeze %dma_start3A_226 : memref<1x40xi32, #tpu.memory_space<vmem>> -> memref<40xi32, #tpu.memory_space<vmem>>
    %dma_start3A_228 = arith.constant 0 : i32
    %dma_start3A_229 = arith.constant 0 : i32
    %dma_start3A_230 = tpu.memref_slice %arg5[%dma_start3A_228, %dma_start3A_229] : memref<10000x128xf32, #tpu.memory_space<vmem_shared>> -> memref<10000x128xf32, #tpu.memory_space<vmem_shared>>
    tpu.enqueue_indirect_dma source(%arg10 : memref<40x128xf32, #tpu.memory_space<vmem>>) target(%dma_start3A_230 : memref<10000x128xf32, #tpu.memory_space<vmem_shared>>) offsets(%dma_start3A_227 : memref<40xi32, #tpu.memory_space<vmem>>) semaphore(%arg22 : memref<!tpu.dma_semaphore, #tpu.memory_space<semaphore_mem>>) {add = true}
    %dma_wait3A_231 = arith.constant 249 : i32
    %dma_wait3A_232 = arith.constant 0 : i32
    %dma_wait3A_233 = tpu.memref_slice %arg6[%dma_wait3A_231, %dma_wait3A_232] : memref<250x40xi32, #tpu.memory_space<vmem>> -> memref<1x40xi32, #tpu.memory_space<vmem>>
    %dma_wait3A_234 = tpu.memref_squeeze %dma_wait3A_233 : memref<1x40xi32, #tpu.memory_space<vmem>> -> memref<40xi32, #tpu.memory_space<vmem>>
    %dma_wait3A_235 = arith.constant 0 : i32
    %dma_wait3A_236 = arith.constant 0 : i32
    %dma_wait3A_237 = tpu.memref_slice %arg2[%dma_wait3A_235, %dma_wait3A_236] : memref<10000x128xf32, #tpu.memory_space<hbm>> -> memref<10000x128xf32, #tpu.memory_space<hbm>>
    tpu.wait_indirect_dma semaphore(%arg17 : memref<!tpu.dma_semaphore, #tpu.memory_space<semaphore_mem>>) src(%dma_wait3A_237 : memref<10000x128xf32, #tpu.memory_space<hbm>>) dst(%arg11 : memref<40x128xf32, #tpu.memory_space<vmem>>)
    %dma_start3A_238 = arith.constant 249 : i32
    %dma_start3A_239 = arith.constant 0 : i32
    %dma_start3A_240 = tpu.memref_slice %arg7[%dma_start3A_238, %dma_start3A_239] : memref<250x40xi32, #tpu.memory_space<vmem>> -> memref<1x40xi32, #tpu.memory_space<vmem>>
    %dma_start3A_241 = tpu.memref_squeeze %dma_start3A_240 : memref<1x40xi32, #tpu.memory_space<vmem>> -> memref<40xi32, #tpu.memory_space<vmem>>
    %dma_start3A_242 = arith.constant 0 : i32
    %dma_start3A_243 = arith.constant 0 : i32
    %dma_start3A_244 = tpu.memref_slice %arg5[%dma_start3A_242, %dma_start3A_243] : memref<10000x128xf32, #tpu.memory_space<vmem_shared>> -> memref<10000x128xf32, #tpu.memory_space<vmem_shared>>
    tpu.enqueue_indirect_dma source(%arg11 : memref<40x128xf32, #tpu.memory_space<vmem>>) target(%dma_start3A_244 : memref<10000x128xf32, #tpu.memory_space<vmem_shared>>) offsets(%dma_start3A_241 : memref<40xi32, #tpu.memory_space<vmem>>) semaphore(%arg23 : memref<!tpu.dma_semaphore, #tpu.memory_space<semaphore_mem>>) {add = true}
    %dma_wait3A_245 = arith.constant 244 : i32
    %dma_wait3A_246 = arith.constant 0 : i32
    %dma_wait3A_247 = tpu.memref_slice %arg7[%dma_wait3A_245, %dma_wait3A_246] : memref<250x40xi32, #tpu.memory_space<vmem>> -> memref<1x40xi32, #tpu.memory_space<vmem>>
    %dma_wait3A_248 = tpu.memref_squeeze %dma_wait3A_247 : memref<1x40xi32, #tpu.memory_space<vmem>> -> memref<40xi32, #tpu.memory_space<vmem>>
    %dma_wait3A_249 = arith.constant 0 : i32
    %dma_wait3A_250 = arith.constant 0 : i32
    %dma_wait3A_251 = tpu.memref_slice %arg5[%dma_wait3A_249, %dma_wait3A_250] : memref<10000x128xf32, #tpu.memory_space<vmem_shared>> -> memref<10000x128xf32, #tpu.memory_space<vmem_shared>>
    tpu.wait_indirect_dma semaphore(%arg20 : memref<!tpu.dma_semaphore, #tpu.memory_space<semaphore_mem>>) src(%arg8 : memref<40x128xf32, #tpu.memory_space<vmem>>) dst(%dma_wait3A_251 : memref<10000x128xf32, #tpu.memory_space<vmem_shared>>)
    %dma_wait3A_252 = arith.constant 245 : i32
    %dma_wait3A_253 = arith.constant 0 : i32
    %dma_wait3A_254 = tpu.memref_slice %arg7[%dma_wait3A_252, %dma_wait3A_253] : memref<250x40xi32, #tpu.memory_space<vmem>> -> memref<1x40xi32, #tpu.memory_space<vmem>>
    %dma_wait3A_255 = tpu.memref_squeeze %dma_wait3A_254 : memref<1x40xi32, #tpu.memory_space<vmem>> -> memref<40xi32, #tpu.memory_space<vmem>>
    %dma_wait3A_256 = arith.constant 0 : i32
    %dma_wait3A_257 = arith.constant 0 : i32
    %dma_wait3A_258 = tpu.memref_slice %arg5[%dma_wait3A_256, %dma_wait3A_257] : memref<10000x128xf32, #tpu.memory_space<vmem_shared>> -> memref<10000x128xf32, #tpu.memory_space<vmem_shared>>
    tpu.wait_indirect_dma semaphore(%arg21 : memref<!tpu.dma_semaphore, #tpu.memory_space<semaphore_mem>>) src(%arg9 : memref<40x128xf32, #tpu.memory_space<vmem>>) dst(%dma_wait3A_258 : memref<10000x128xf32, #tpu.memory_space<vmem_shared>>)
    %dma_wait3A_259 = arith.constant 246 : i32
    %dma_wait3A_260 = arith.constant 0 : i32
    %dma_wait3A_261 = tpu.memref_slice %arg7[%dma_wait3A_259, %dma_wait3A_260] : memref<250x40xi32, #tpu.memory_space<vmem>> -> memref<1x40xi32, #tpu.memory_space<vmem>>
    %dma_wait3A_262 = tpu.memref_squeeze %dma_wait3A_261 : memref<1x40xi32, #tpu.memory_space<vmem>> -> memref<40xi32, #tpu.memory_space<vmem>>
    %dma_wait3A_263 = arith.constant 0 : i32
    %dma_wait3A_264 = arith.constant 0 : i32
    %dma_wait3A_265 = tpu.memref_slice %arg5[%dma_wait3A_263, %dma_wait3A_264] : memref<10000x128xf32, #tpu.memory_space<vmem_shared>> -> memref<10000x128xf32, #tpu.memory_space<vmem_shared>>
    tpu.wait_indirect_dma semaphore(%arg22 : memref<!tpu.dma_semaphore, #tpu.memory_space<semaphore_mem>>) src(%arg10 : memref<40x128xf32, #tpu.memory_space<vmem>>) dst(%dma_wait3A_265 : memref<10000x128xf32, #tpu.memory_space<vmem_shared>>)
    %dma_wait3A_266 = arith.constant 247 : i32
    %dma_wait3A_267 = arith.constant 0 : i32
    %dma_wait3A_268 = tpu.memref_slice %arg7[%dma_wait3A_266, %dma_wait3A_267] : memref<250x40xi32, #tpu.memory_space<vmem>> -> memref<1x40xi32, #tpu.memory_space<vmem>>
    %dma_wait3A_269 = tpu.memref_squeeze %dma_wait3A_268 : memref<1x40xi32, #tpu.memory_space<vmem>> -> memref<40xi32, #tpu.memory_space<vmem>>
    %dma_wait3A_270 = arith.constant 0 : i32
    %dma_wait3A_271 = arith.constant 0 : i32
    %dma_wait3A_272 = tpu.memref_slice %arg5[%dma_wait3A_270, %dma_wait3A_271] : memref<10000x128xf32, #tpu.memory_space<vmem_shared>> -> memref<10000x128xf32, #tpu.memory_space<vmem_shared>>
    tpu.wait_indirect_dma semaphore(%arg23 : memref<!tpu.dma_semaphore, #tpu.memory_space<semaphore_mem>>) src(%arg11 : memref<40x128xf32, #tpu.memory_space<vmem>>) dst(%dma_wait3A_272 : memref<10000x128xf32, #tpu.memory_space<vmem_shared>>)
    %dma_wait3A_273 = arith.constant 248 : i32
    %dma_wait3A_274 = arith.constant 0 : i32
    %dma_wait3A_275 = tpu.memref_slice %arg7[%dma_wait3A_273, %dma_wait3A_274] : memref<250x40xi32, #tpu.memory_space<vmem>> -> memref<1x40xi32, #tpu.memory_space<vmem>>
    %dma_wait3A_276 = tpu.memref_squeeze %dma_wait3A_275 : memref<1x40xi32, #tpu.memory_space<vmem>> -> memref<40xi32, #tpu.memory_space<vmem>>
    %dma_wait3A_277 = arith.constant 0 : i32
    %dma_wait3A_278 = arith.constant 0 : i32
    %dma_wait3A_279 = tpu.memref_slice %arg5[%dma_wait3A_277, %dma_wait3A_278] : memref<10000x128xf32, #tpu.memory_space<vmem_shared>> -> memref<10000x128xf32, #tpu.memory_space<vmem_shared>>
    tpu.wait_indirect_dma semaphore(%arg24 : memref<!tpu.dma_semaphore, #tpu.memory_space<semaphore_mem>>) src(%arg12 : memref<40x128xf32, #tpu.memory_space<vmem>>) dst(%dma_wait3A_279 : memref<10000x128xf32, #tpu.memory_space<vmem_shared>>)
    %dma_wait3A_280 = arith.constant 249 : i32
    %dma_wait3A_281 = arith.constant 0 : i32
    %dma_wait3A_282 = tpu.memref_slice %arg7[%dma_wait3A_280, %dma_wait3A_281] : memref<250x40xi32, #tpu.memory_space<vmem>> -> memref<1x40xi32, #tpu.memory_space<vmem>>
    %dma_wait3A_283 = tpu.memref_squeeze %dma_wait3A_282 : memref<1x40xi32, #tpu.memory_space<vmem>> -> memref<40xi32, #tpu.memory_space<vmem>>
    %dma_wait3A_284 = arith.constant 0 : i32
    %dma_wait3A_285 = arith.constant 0 : i32
    %dma_wait3A_286 = tpu.memref_slice %arg5[%dma_wait3A_284, %dma_wait3A_285] : memref<10000x128xf32, #tpu.memory_space<vmem_shared>> -> memref<10000x128xf32, #tpu.memory_space<vmem_shared>>
    tpu.wait_indirect_dma semaphore(%arg25 : memref<!tpu.dma_semaphore, #tpu.memory_space<semaphore_mem>>) src(%arg13 : memref<40x128xf32, #tpu.memory_space<vmem>>) dst(%dma_wait3A_286 : memref<10000x128xf32, #tpu.memory_space<vmem_shared>>)
    %barrier3A_287 = arith.constant 0 : index
    tpu.barrier barrier_id(%barrier3A_287)
    "tpu.region"() ({
      %run_scoped3A_293 = tpu.sem_alloc : memref<!tpu.dma_semaphore, #tpu.memory_space<semaphore_mem>>
      %dma_start3A_294 = arith.constant 0 : i32
      %dma_start3A_295 = tpu.memref_slice %arg4[%arg0, %mul3A_0, %dma_start3A_294] : memref<2x10000x128xf32, #tpu.memory_space<hbm>> -> memref<1x624x128xf32, #tpu.memory_space<hbm>>
      %dma_start3A_296 = tpu.memref_squeeze %dma_start3A_295 : memref<1x624x128xf32, #tpu.memory_space<hbm>> -> memref<624x128xf32, #tpu.memory_space<hbm>>
      %dma_start3A_297 = arith.constant 0 : i32
      %dma_start3A_298 = tpu.memref_slice %arg5[%mul3A_0, %dma_start3A_297] : memref<10000x128xf32, #tpu.memory_space<vmem_shared>> -> memref<624x128xf32, #tpu.memory_space<vmem_shared>>
      tpu.enqueue_dma source(%dma_start3A_298 : memref<624x128xf32, #tpu.memory_space<vmem_shared>>) target(%dma_start3A_296 : memref<624x128xf32, #tpu.memory_space<hbm>>) target_semaphore(%run_scoped3A_293 : memref<!tpu.dma_semaphore, #tpu.memory_space<semaphore_mem>>)
      %dma_wait3A_299 = arith.constant 0 : i32
      %dma_wait3A_300 = tpu.memref_slice %arg4[%arg0, %mul3A_0, %dma_wait3A_299] : memref<2x10000x128xf32, #tpu.memory_space<hbm>> -> memref<1x624x128xf32, #tpu.memory_space<hbm>>
      %dma_wait3A_301 = tpu.memref_squeeze %dma_wait3A_300 : memref<1x624x128xf32, #tpu.memory_space<hbm>> -> memref<624x128xf32, #tpu.memory_space<hbm>>
      %dma_wait3A_302 = arith.constant 0 : i32
      %dma_wait3A_303 = tpu.memref_slice %arg5[%mul3A_0, %dma_wait3A_302] : memref<10000x128xf32, #tpu.memory_space<vmem_shared>> -> memref<624x128xf32, #tpu.memory_space<vmem_shared>>
      tpu.wait_dma2 semaphore(%run_scoped3A_293 : memref<!tpu.dma_semaphore, #tpu.memory_space<semaphore_mem>>) src(%dma_wait3A_303 : memref<624x128xf32, #tpu.memory_space<vmem_shared>>) dst(%dma_wait3A_301 : memref<624x128xf32, #tpu.memory_space<hbm>>)
      tpu.yield
    }) : () -> ()
    %eq3A_288 = arith.constant 0 : i32
    %eq3A_289 = arith.cmpi eq, %arg1, %eq3A_288 : i32
    %convert_element_type3A_290 = arith.extui %eq3A_289 : i1 to i32
    %cond3A_291 = arith.constant 0 : i32
    %cond3A_292 = arith.cmpi ne, %convert_element_type3A_290, %cond3A_291 : i32
    scf.if %cond3A_292 {
      "tpu.region"() ({
        %run_scoped3A_293 = tpu.sem_alloc : memref<!tpu.dma_semaphore, #tpu.memory_space<semaphore_mem>>
        %dma_start3A_294 = arith.constant 9984 : i32
        %dma_start3A_295 = arith.constant 0 : i32
        %dma_start3A_296 = tpu.memref_slice %arg4[%arg0, %dma_start3A_294, %dma_start3A_295] : memref<2x10000x128xf32, #tpu.memory_space<hbm>> -> memref<1x16x128xf32, #tpu.memory_space<hbm>>
        %dma_start3A_297 = tpu.memref_squeeze %dma_start3A_296 : memref<1x16x128xf32, #tpu.memory_space<hbm>> -> memref<16x128xf32, #tpu.memory_space<hbm>>
        %dma_start3A_298 = arith.constant 9984 : i32
        %dma_start3A_299 = arith.constant 0 : i32
        %dma_start3A_300 = tpu.memref_slice %arg5[%dma_start3A_298, %dma_start3A_299] : memref<10000x128xf32, #tpu.memory_space<vmem_shared>> -> memref<16x128xf32, #tpu.memory_space<vmem_shared>>
        tpu.enqueue_dma source(%dma_start3A_300 : memref<16x128xf32, #tpu.memory_space<vmem_shared>>) target(%dma_start3A_297 : memref<16x128xf32, #tpu.memory_space<hbm>>) target_semaphore(%run_scoped3A_293 : memref<!tpu.dma_semaphore, #tpu.memory_space<semaphore_mem>>)
        %dma_wait3A_301 = arith.constant 9984 : i32
        %dma_wait3A_302 = arith.constant 0 : i32
        %dma_wait3A_303 = tpu.memref_slice %arg4[%arg0, %dma_wait3A_301, %dma_wait3A_302] : memref<2x10000x128xf32, #tpu.memory_space<hbm>> -> memref<1x16x128xf32, #tpu.memory_space<hbm>>
        %dma_wait3A_304 = tpu.memref_squeeze %dma_wait3A_303 : memref<1x16x128xf32, #tpu.memory_space<hbm>> -> memref<16x128xf32, #tpu.memory_space<hbm>>
        %dma_wait3A_305 = arith.constant 9984 : i32
        %dma_wait3A_306 = arith.constant 0 : i32
        %dma_wait3A_307 = tpu.memref_slice %arg5[%dma_wait3A_305, %dma_wait3A_306] : memref<10000x128xf32, #tpu.memory_space<vmem_shared>> -> memref<16x128xf32, #tpu.memory_space<vmem_shared>>
        tpu.wait_dma2 semaphore(%run_scoped3A_293 : memref<!tpu.dma_semaphore, #tpu.memory_space<semaphore_mem>>) src(%dma_wait3A_307 : memref<16x128xf32, #tpu.memory_space<vmem_shared>>) dst(%dma_wait3A_304 : memref<16x128xf32, #tpu.memory_space<hbm>>)
        tpu.yield
      }) : () -> ()
    } else {
    }
    return
  }
}

#map = affine_map<(d0, d1) -> (0, 0)>
#map1 = affine_map<(d0, d1) -> (0, 0, 0, 0, 0)>
#map2 = affine_map<(d0, d1) -> (0, 0, 0)>
module attributes {stable_mosaic.version = 14 : i64} {
  func.func @_sc_agg(%arg0: i32, %arg1: i32, %arg2: memref<10000x128xf32, #tpu.memory_space<hbm>>, %arg3: memref<2x2x16x250x40xi32, #tpu.memory_space<hbm>>, %arg4: memref<2x10000x128xf32, #tpu.memory_space<hbm>>, %arg5: memref<10000x128xf32, #tpu.memory_space<vmem_shared>>, %arg6: memref<250x40xi32, #tpu.memory_space<vmem>>, %arg7: memref<250x40xi32, #tpu.memory_space<vmem>>, %arg8: memref<40x128xf32, #tpu.memory_space<vmem>>, %arg9: memref<40x128xf32, #tpu.memory_space<vmem>>, %arg10: memref<40x128xf32, #tpu.memory_space<vmem>>, %arg11: memref<40x128xf32, #tpu.memory_space<vmem>>, %arg12: memref<40x128xf32, #tpu.memory_space<vmem>>, %arg13: memref<40x128xf32, #tpu.memory_space<vmem>>, %arg14: memref<!tpu.dma_semaphore, #tpu.memory_space<semaphore_mem>>, %arg15: memref<!tpu.dma_semaphore, #tpu.memory_space<semaphore_mem>>, %arg16: memref<!tpu.dma_semaphore, #tpu.memory_space<semaphore_mem>>, %arg17: memref<!tpu.dma_semaphore, #tpu.memory_space<semaphore_mem>>, %arg18: memref<!tpu.dma_semaphore, #tpu.memory_space<semaphore_mem>>, %arg19: memref<!tpu.dma_semaphore, #tpu.memory_space<semaphore_mem>>, %arg20: memref<!tpu.dma_semaphore, #tpu.memory_space<semaphore_mem>>, %arg21: memref<!tpu.dma_semaphore, #tpu.memory_space<semaphore_mem>>, %arg22: memref<!tpu.dma_semaphore, #tpu.memory_space<semaphore_mem>>, %arg23: memref<!tpu.dma_semaphore, #tpu.memory_space<semaphore_mem>>, %arg24: memref<!tpu.dma_semaphore, #tpu.memory_space<semaphore_mem>>, %arg25: memref<!tpu.dma_semaphore, #tpu.memory_space<semaphore_mem>>) attributes {dimension_semantics = [#tpu.dimension_semantics<core_parallel>, #tpu.dimension_semantics<subcore_parallel>], iteration_bounds = array<i64: 2, 16>, scalar_prefetch = 0 : i64, scratch_operands = 21 : i64, tpu.core_type = #tpu.core_type<sc_vector_subcore>, window_params = [{transform_indices = #map}, {transform_indices = #map1}, {transform_indices = #map2}]} {
    %mul3A = arith.constant 624 : i32
    %mul3A_0 = arith.muli %arg1, %mul3A : i32
    %run_scoped3A = arith.constant 0 : i32
    "tpu.region"() ({
      %run_scoped3A_293 = tpu.sem_alloc : memref<!tpu.dma_semaphore, #tpu.memory_space<semaphore_mem>>
      %dma_start3A_294 = arith.constant 0 : i32
      %dma_start3A_295 = arith.constant 0 : i32
      %dma_start3A_296 = tpu.memref_slice %arg3[%run_scoped3A, %arg0, %arg1, %dma_start3A_294, %dma_start3A_295] : memref<2x2x16x250x40xi32, #tpu.memory_space<hbm>> -> memref<1x1x1x250x40xi32, #tpu.memory_space<hbm>>
      %dma_start3A_297 = tpu.memref_squeeze %dma_start3A_296 : memref<1x1x1x250x40xi32, #tpu.memory_space<hbm>> -> memref<250x40xi32, #tpu.memory_space<hbm>>
      %dma_start3A_298 = arith.constant 0 : i32
      %dma_start3A_299 = arith.constant 0 : i32
      %dma_start3A_300 = tpu.memref_slice %arg3[%run_scoped3A, %arg0, %arg1, %dma_start3A_298, %dma_start3A_299] : memref<2x2x16x250x40xi32, #tpu.memory_space<hbm>> -> memref<1x1x1x250x40xi32, #tpu.memory_space<hbm>>
      %dma_start3A_301 = tpu.memref_squeeze %dma_start3A_300 : memref<1x1x1x250x40xi32, #tpu.memory_space<hbm>> -> memref<250x40xi32, #tpu.memory_space<hbm>>
      tpu.enqueue_dma source(%dma_start3A_301 : memref<250x40xi32, #tpu.memory_space<hbm>>) target(%arg6 : memref<250x40xi32, #tpu.memory_space<vmem>>) target_semaphore(%run_scoped3A_293 : memref<!tpu.dma_semaphore, #tpu.memory_space<semaphore_mem>>)
      %dma_wait3A_302 = arith.constant 0 : i32
      %dma_wait3A_303 = arith.constant 0 : i32
      %dma_wait3A_304 = tpu.memref_slice %arg3[%run_scoped3A, %arg0, %arg1, %dma_wait3A_302, %dma_wait3A_303] : memref<2x2x16x250x40xi32, #tpu.memory_space<hbm>> -> memref<1x1x1x250x40xi32, #tpu.memory_space<hbm>>
      %dma_wait3A_305 = tpu.memref_squeeze %dma_wait3A_304 : memref<1x1x1x250x40xi32, #tpu.memory_space<hbm>> -> memref<250x40xi32, #tpu.memory_space<hbm>>
      %dma_wait3A_306 = arith.constant 0 : i32
      %dma_wait3A_307 = arith.constant 0 : i32
      %dma_wait3A_308 = tpu.memref_slice %arg3[%run_scoped3A, %arg0, %arg1, %dma_wait3A_306, %dma_wait3A_307] : memref<2x2x16x250x40xi32, #tpu.memory_space<hbm>> -> memref<1x1x1x250x40xi32, #tpu.memory_space<hbm>>
      %dma_wait3A_309 = tpu.memref_squeeze %dma_wait3A_308 : memref<1x1x1x250x40xi32, #tpu.memory_space<hbm>> -> memref<250x40xi32, #tpu.memory_space<hbm>>
      tpu.wait_dma2 semaphore(%run_scoped3A_293 : memref<!tpu.dma_semaphore, #tpu.memory_space<semaphore_mem>>) src(%dma_wait3A_309 : memref<250x40xi32, #tpu.memory_space<hbm>>) dst(%arg6 : memref<250x40xi32, #tpu.memory_space<vmem>>)
      tpu.yield
    }) : () -> ()
    %dma_start3A = arith.constant 0 : i32
    %dma_start3A_1 = arith.constant 0 : i32
    %dma_start3A_2 = tpu.memref_slice %arg6[%dma_start3A, %dma_start3A_1] : memref<250x40xi32, #tpu.memory_space<vmem>> -> memref<1x40xi32, #tpu.memory_space<vmem>>
    %dma_start3A_3 = tpu.memref_squeeze %dma_start3A_2 : memref<1x40xi32, #tpu.memory_space<vmem>> -> memref<40xi32, #tpu.memory_space<vmem>>
    %dma_start3A_4 = arith.constant 0 : i32
    %dma_start3A_5 = arith.constant 0 : i32
    %dma_start3A_6 = tpu.memref_slice %arg2[%dma_start3A_4, %dma_start3A_5] : memref<10000x128xf32, #tpu.memory_space<hbm>> -> memref<10000x128xf32, #tpu.memory_space<hbm>>
    tpu.enqueue_indirect_dma source(%dma_start3A_6 : memref<10000x128xf32, #tpu.memory_space<hbm>>) target(%arg8 : memref<40x128xf32, #tpu.memory_space<vmem>>) offsets(%dma_start3A_3 : memref<40xi32, #tpu.memory_space<vmem>>) semaphore(%arg14 : memref<!tpu.dma_semaphore, #tpu.memory_space<semaphore_mem>>)
    %dma_start3A_7 = arith.constant 1 : i32
    %dma_start3A_8 = arith.constant 0 : i32
    %dma_start3A_9 = tpu.memref_slice %arg6[%dma_start3A_7, %dma_start3A_8] : memref<250x40xi32, #tpu.memory_space<vmem>> -> memref<1x40xi32, #tpu.memory_space<vmem>>
    %dma_start3A_10 = tpu.memref_squeeze %dma_start3A_9 : memref<1x40xi32, #tpu.memory_space<vmem>> -> memref<40xi32, #tpu.memory_space<vmem>>
    %dma_start3A_11 = arith.constant 0 : i32
    %dma_start3A_12 = arith.constant 0 : i32
    %dma_start3A_13 = tpu.memref_slice %arg2[%dma_start3A_11, %dma_start3A_12] : memref<10000x128xf32, #tpu.memory_space<hbm>> -> memref<10000x128xf32, #tpu.memory_space<hbm>>
    tpu.enqueue_indirect_dma source(%dma_start3A_13 : memref<10000x128xf32, #tpu.memory_space<hbm>>) target(%arg9 : memref<40x128xf32, #tpu.memory_space<vmem>>) offsets(%dma_start3A_10 : memref<40xi32, #tpu.memory_space<vmem>>) semaphore(%arg15 : memref<!tpu.dma_semaphore, #tpu.memory_space<semaphore_mem>>)
    %dma_start3A_14 = arith.constant 2 : i32
    %dma_start3A_15 = arith.constant 0 : i32
    %dma_start3A_16 = tpu.memref_slice %arg6[%dma_start3A_14, %dma_start3A_15] : memref<250x40xi32, #tpu.memory_space<vmem>> -> memref<1x40xi32, #tpu.memory_space<vmem>>
    %dma_start3A_17 = tpu.memref_squeeze %dma_start3A_16 : memref<1x40xi32, #tpu.memory_space<vmem>> -> memref<40xi32, #tpu.memory_space<vmem>>
    %dma_start3A_18 = arith.constant 0 : i32
    %dma_start3A_19 = arith.constant 0 : i32
    %dma_start3A_20 = tpu.memref_slice %arg2[%dma_start3A_18, %dma_start3A_19] : memref<10000x128xf32, #tpu.memory_space<hbm>> -> memref<10000x128xf32, #tpu.memory_space<hbm>>
    tpu.enqueue_indirect_dma source(%dma_start3A_20 : memref<10000x128xf32, #tpu.memory_space<hbm>>) target(%arg10 : memref<40x128xf32, #tpu.memory_space<vmem>>) offsets(%dma_start3A_17 : memref<40xi32, #tpu.memory_space<vmem>>) semaphore(%arg16 : memref<!tpu.dma_semaphore, #tpu.memory_space<semaphore_mem>>)
    %dma_start3A_21 = arith.constant 3 : i32
    %dma_start3A_22 = arith.constant 0 : i32
    %dma_start3A_23 = tpu.memref_slice %arg6[%dma_start3A_21, %dma_start3A_22] : memref<250x40xi32, #tpu.memory_space<vmem>> -> memref<1x40xi32, #tpu.memory_space<vmem>>
    %dma_start3A_24 = tpu.memref_squeeze %dma_start3A_23 : memref<1x40xi32, #tpu.memory_space<vmem>> -> memref<40xi32, #tpu.memory_space<vmem>>
    %dma_start3A_25 = arith.constant 0 : i32
    %dma_start3A_26 = arith.constant 0 : i32
    %dma_start3A_27 = tpu.memref_slice %arg2[%dma_start3A_25, %dma_start3A_26] : memref<10000x128xf32, #tpu.memory_space<hbm>> -> memref<10000x128xf32, #tpu.memory_space<hbm>>
    tpu.enqueue_indirect_dma source(%dma_start3A_27 : memref<10000x128xf32, #tpu.memory_space<hbm>>) target(%arg11 : memref<40x128xf32, #tpu.memory_space<vmem>>) offsets(%dma_start3A_24 : memref<40xi32, #tpu.memory_space<vmem>>) semaphore(%arg17 : memref<!tpu.dma_semaphore, #tpu.memory_space<semaphore_mem>>)
    %dma_start3A_28 = arith.constant 4 : i32
    %dma_start3A_29 = arith.constant 0 : i32
    %dma_start3A_30 = tpu.memref_slice %arg6[%dma_start3A_28, %dma_start3A_29] : memref<250x40xi32, #tpu.memory_space<vmem>> -> memref<1x40xi32, #tpu.memory_space<vmem>>
    %dma_start3A_31 = tpu.memref_squeeze %dma_start3A_30 : memref<1x40xi32, #tpu.memory_space<vmem>> -> memref<40xi32, #tpu.memory_space<vmem>>
    %dma_start3A_32 = arith.constant 0 : i32
    %dma_start3A_33 = arith.constant 0 : i32
    %dma_start3A_34 = tpu.memref_slice %arg2[%dma_start3A_32, %dma_start3A_33] : memref<10000x128xf32, #tpu.memory_space<hbm>> -> memref<10000x128xf32, #tpu.memory_space<hbm>>
    tpu.enqueue_indirect_dma source(%dma_start3A_34 : memref<10000x128xf32, #tpu.memory_space<hbm>>) target(%arg12 : memref<40x128xf32, #tpu.memory_space<vmem>>) offsets(%dma_start3A_31 : memref<40xi32, #tpu.memory_space<vmem>>) semaphore(%arg18 : memref<!tpu.dma_semaphore, #tpu.memory_space<semaphore_mem>>)
    %run_scoped3A_35 = arith.constant 1 : i32
    "tpu.region"() ({
      %run_scoped3A_293 = tpu.sem_alloc : memref<!tpu.dma_semaphore, #tpu.memory_space<semaphore_mem>>
      %dma_start3A_294 = arith.constant 0 : i32
      %dma_start3A_295 = arith.constant 0 : i32
      %dma_start3A_296 = tpu.memref_slice %arg3[%run_scoped3A_35, %arg0, %arg1, %dma_start3A_294, %dma_start3A_295] : memref<2x2x16x250x40xi32, #tpu.memory_space<hbm>> -> memref<1x1x1x250x40xi32, #tpu.memory_space<hbm>>
      %dma_start3A_297 = tpu.memref_squeeze %dma_start3A_296 : memref<1x1x1x250x40xi32, #tpu.memory_space<hbm>> -> memref<250x40xi32, #tpu.memory_space<hbm>>
      %dma_start3A_298 = arith.constant 0 : i32
      %dma_start3A_299 = arith.constant 0 : i32
      %dma_start3A_300 = tpu.memref_slice %arg3[%run_scoped3A_35, %arg0, %arg1, %dma_start3A_298, %dma_start3A_299] : memref<2x2x16x250x40xi32, #tpu.memory_space<hbm>> -> memref<1x1x1x250x40xi32, #tpu.memory_space<hbm>>
      %dma_start3A_301 = tpu.memref_squeeze %dma_start3A_300 : memref<1x1x1x250x40xi32, #tpu.memory_space<hbm>> -> memref<250x40xi32, #tpu.memory_space<hbm>>
      tpu.enqueue_dma source(%dma_start3A_301 : memref<250x40xi32, #tpu.memory_space<hbm>>) target(%arg7 : memref<250x40xi32, #tpu.memory_space<vmem>>) target_semaphore(%run_scoped3A_293 : memref<!tpu.dma_semaphore, #tpu.memory_space<semaphore_mem>>)
      %dma_wait3A_302 = arith.constant 0 : i32
      %dma_wait3A_303 = arith.constant 0 : i32
      %dma_wait3A_304 = tpu.memref_slice %arg3[%run_scoped3A_35, %arg0, %arg1, %dma_wait3A_302, %dma_wait3A_303] : memref<2x2x16x250x40xi32, #tpu.memory_space<hbm>> -> memref<1x1x1x250x40xi32, #tpu.memory_space<hbm>>
      %dma_wait3A_305 = tpu.memref_squeeze %dma_wait3A_304 : memref<1x1x1x250x40xi32, #tpu.memory_space<hbm>> -> memref<250x40xi32, #tpu.memory_space<hbm>>
      %dma_wait3A_306 = arith.constant 0 : i32
      %dma_wait3A_307 = arith.constant 0 : i32
      %dma_wait3A_308 = tpu.memref_slice %arg3[%run_scoped3A_35, %arg0, %arg1, %dma_wait3A_306, %dma_wait3A_307] : memref<2x2x16x250x40xi32, #tpu.memory_space<hbm>> -> memref<1x1x1x250x40xi32, #tpu.memory_space<hbm>>
      %dma_wait3A_309 = tpu.memref_squeeze %dma_wait3A_308 : memref<1x1x1x250x40xi32, #tpu.memory_space<hbm>> -> memref<250x40xi32, #tpu.memory_space<hbm>>
      tpu.wait_dma2 semaphore(%run_scoped3A_293 : memref<!tpu.dma_semaphore, #tpu.memory_space<semaphore_mem>>) src(%dma_wait3A_309 : memref<250x40xi32, #tpu.memory_space<hbm>>) dst(%arg7 : memref<250x40xi32, #tpu.memory_space<vmem>>)
      tpu.yield
    }) : () -> ()
    "tpu.region"() ({
      %run_scoped3A_293 = tpu.sem_alloc : memref<!tpu.dma_semaphore, #tpu.memory_space<semaphore_mem>>
      %dma_start3A_294 = arith.constant 0 : i32
      %dma_start3A_295 = tpu.memref_slice %arg5[%mul3A_0, %dma_start3A_294] : memref<10000x128xf32, #tpu.memory_space<vmem_shared>> -> memref<624x128xf32, #tpu.memory_space<vmem_shared>>
      %dma_start3A_296 = arith.constant 0 : i32
      %dma_start3A_297 = tpu.memref_slice %arg2[%mul3A_0, %dma_start3A_296] : memref<10000x128xf32, #tpu.memory_space<hbm>> -> memref<624x128xf32, #tpu.memory_space<hbm>>
      tpu.enqueue_dma source(%dma_start3A_297 : memref<624x128xf32, #tpu.memory_space<hbm>>) target(%dma_start3A_295 : memref<624x128xf32, #tpu.memory_space<vmem_shared>>) target_semaphore(%run_scoped3A_293 : memref<!tpu.dma_semaphore, #tpu.memory_space<semaphore_mem>>)
      %dma_wait3A_298 = arith.constant 0 : i32
      %dma_wait3A_299 = tpu.memref_slice %arg5[%mul3A_0, %dma_wait3A_298] : memref<10000x128xf32, #tpu.memory_space<vmem_shared>> -> memref<624x128xf32, #tpu.memory_space<vmem_shared>>
      %dma_wait3A_300 = arith.constant 0 : i32
      %dma_wait3A_301 = tpu.memref_slice %arg2[%mul3A_0, %dma_wait3A_300] : memref<10000x128xf32, #tpu.memory_space<hbm>> -> memref<624x128xf32, #tpu.memory_space<hbm>>
      tpu.wait_dma2 semaphore(%run_scoped3A_293 : memref<!tpu.dma_semaphore, #tpu.memory_space<semaphore_mem>>) src(%dma_wait3A_301 : memref<624x128xf32, #tpu.memory_space<hbm>>) dst(%dma_wait3A_299 : memref<624x128xf32, #tpu.memory_space<vmem_shared>>)
      tpu.yield
    }) : () -> ()
    %eq3A = arith.constant 0 : i32
    %eq3A_36 = arith.cmpi eq, %arg1, %eq3A : i32
    %convert_element_type3A = arith.extui %eq3A_36 : i1 to i32
    %cond3A = arith.constant 0 : i32
    %cond3A_37 = arith.cmpi ne, %convert_element_type3A, %cond3A : i32
    scf.if %cond3A_37 {
      "tpu.region"() ({
        %run_scoped3A_293 = tpu.sem_alloc : memref<!tpu.dma_semaphore, #tpu.memory_space<semaphore_mem>>
        %dma_start3A_294 = arith.constant 9984 : i32
        %dma_start3A_295 = arith.constant 0 : i32
        %dma_start3A_296 = tpu.memref_slice %arg5[%dma_start3A_294, %dma_start3A_295] : memref<10000x128xf32, #tpu.memory_space<vmem_shared>> -> memref<16x128xf32, #tpu.memory_space<vmem_shared>>
        %dma_start3A_297 = arith.constant 9984 : i32
        %dma_start3A_298 = arith.constant 0 : i32
        %dma_start3A_299 = tpu.memref_slice %arg2[%dma_start3A_297, %dma_start3A_298] : memref<10000x128xf32, #tpu.memory_space<hbm>> -> memref<16x128xf32, #tpu.memory_space<hbm>>
        tpu.enqueue_dma source(%dma_start3A_299 : memref<16x128xf32, #tpu.memory_space<hbm>>) target(%dma_start3A_296 : memref<16x128xf32, #tpu.memory_space<vmem_shared>>) target_semaphore(%run_scoped3A_293 : memref<!tpu.dma_semaphore, #tpu.memory_space<semaphore_mem>>)
        %dma_wait3A_300 = arith.constant 9984 : i32
        %dma_wait3A_301 = arith.constant 0 : i32
        %dma_wait3A_302 = tpu.memref_slice %arg5[%dma_wait3A_300, %dma_wait3A_301] : memref<10000x128xf32, #tpu.memory_space<vmem_shared>> -> memref<16x128xf32, #tpu.memory_space<vmem_shared>>
        %dma_wait3A_303 = arith.constant 9984 : i32
        %dma_wait3A_304 = arith.constant 0 : i32
        %dma_wait3A_305 = tpu.memref_slice %arg2[%dma_wait3A_303, %dma_wait3A_304] : memref<10000x128xf32, #tpu.memory_space<hbm>> -> memref<16x128xf32, #tpu.memory_space<hbm>>
        tpu.wait_dma2 semaphore(%run_scoped3A_293 : memref<!tpu.dma_semaphore, #tpu.memory_space<semaphore_mem>>) src(%dma_wait3A_305 : memref<16x128xf32, #tpu.memory_space<hbm>>) dst(%dma_wait3A_302 : memref<16x128xf32, #tpu.memory_space<vmem_shared>>)
        tpu.yield
      }) : () -> ()
    } else {
    }
    %barrier3A = arith.constant 0 : index
    tpu.barrier barrier_id(%barrier3A)
    %dma_wait3A = arith.constant 0 : i32
    %dma_wait3A_38 = arith.constant 0 : i32
    %dma_wait3A_39 = tpu.memref_slice %arg6[%dma_wait3A, %dma_wait3A_38] : memref<250x40xi32, #tpu.memory_space<vmem>> -> memref<1x40xi32, #tpu.memory_space<vmem>>
    %dma_wait3A_40 = tpu.memref_squeeze %dma_wait3A_39 : memref<1x40xi32, #tpu.memory_space<vmem>> -> memref<40xi32, #tpu.memory_space<vmem>>
    %dma_wait3A_41 = arith.constant 0 : i32
    %dma_wait3A_42 = arith.constant 0 : i32
    %dma_wait3A_43 = tpu.memref_slice %arg2[%dma_wait3A_41, %dma_wait3A_42] : memref<10000x128xf32, #tpu.memory_space<hbm>> -> memref<10000x128xf32, #tpu.memory_space<hbm>>
    tpu.wait_indirect_dma semaphore(%arg14 : memref<!tpu.dma_semaphore, #tpu.memory_space<semaphore_mem>>) src(%dma_wait3A_43 : memref<10000x128xf32, #tpu.memory_space<hbm>>) dst(%arg8 : memref<40x128xf32, #tpu.memory_space<vmem>>)
    %dma_start3A_44 = arith.constant 0 : i32
    %dma_start3A_45 = arith.constant 0 : i32
    %dma_start3A_46 = tpu.memref_slice %arg7[%dma_start3A_44, %dma_start3A_45] : memref<250x40xi32, #tpu.memory_space<vmem>> -> memref<1x40xi32, #tpu.memory_space<vmem>>
    %dma_start3A_47 = tpu.memref_squeeze %dma_start3A_46 : memref<1x40xi32, #tpu.memory_space<vmem>> -> memref<40xi32, #tpu.memory_space<vmem>>
    %dma_start3A_48 = arith.constant 0 : i32
    %dma_start3A_49 = arith.constant 0 : i32
    %dma_start3A_50 = tpu.memref_slice %arg5[%dma_start3A_48, %dma_start3A_49] : memref<10000x128xf32, #tpu.memory_space<vmem_shared>> -> memref<10000x128xf32, #tpu.memory_space<vmem_shared>>
    tpu.enqueue_indirect_dma source(%arg8 : memref<40x128xf32, #tpu.memory_space<vmem>>) target(%dma_start3A_50 : memref<10000x128xf32, #tpu.memory_space<vmem_shared>>) offsets(%dma_start3A_47 : memref<40xi32, #tpu.memory_space<vmem>>) semaphore(%arg20 : memref<!tpu.dma_semaphore, #tpu.memory_space<semaphore_mem>>) {add = true}
    %dma_start3A_51 = arith.constant 5 : i32
    %dma_start3A_52 = arith.constant 0 : i32
    %dma_start3A_53 = tpu.memref_slice %arg6[%dma_start3A_51, %dma_start3A_52] : memref<250x40xi32, #tpu.memory_space<vmem>> -> memref<1x40xi32, #tpu.memory_space<vmem>>
    %dma_start3A_54 = tpu.memref_squeeze %dma_start3A_53 : memref<1x40xi32, #tpu.memory_space<vmem>> -> memref<40xi32, #tpu.memory_space<vmem>>
    %dma_start3A_55 = arith.constant 0 : i32
    %dma_start3A_56 = arith.constant 0 : i32
    %dma_start3A_57 = tpu.memref_slice %arg2[%dma_start3A_55, %dma_start3A_56] : memref<10000x128xf32, #tpu.memory_space<hbm>> -> memref<10000x128xf32, #tpu.memory_space<hbm>>
    tpu.enqueue_indirect_dma source(%dma_start3A_57 : memref<10000x128xf32, #tpu.memory_space<hbm>>) target(%arg13 : memref<40x128xf32, #tpu.memory_space<vmem>>) offsets(%dma_start3A_54 : memref<40xi32, #tpu.memory_space<vmem>>) semaphore(%arg19 : memref<!tpu.dma_semaphore, #tpu.memory_space<semaphore_mem>>)
    %dma_wait3A_58 = arith.constant 1 : i32
    %dma_wait3A_59 = arith.constant 0 : i32
    %dma_wait3A_60 = tpu.memref_slice %arg6[%dma_wait3A_58, %dma_wait3A_59] : memref<250x40xi32, #tpu.memory_space<vmem>> -> memref<1x40xi32, #tpu.memory_space<vmem>>
    %dma_wait3A_61 = tpu.memref_squeeze %dma_wait3A_60 : memref<1x40xi32, #tpu.memory_space<vmem>> -> memref<40xi32, #tpu.memory_space<vmem>>
    %dma_wait3A_62 = arith.constant 0 : i32
    %dma_wait3A_63 = arith.constant 0 : i32
    %dma_wait3A_64 = tpu.memref_slice %arg2[%dma_wait3A_62, %dma_wait3A_63] : memref<10000x128xf32, #tpu.memory_space<hbm>> -> memref<10000x128xf32, #tpu.memory_space<hbm>>
    tpu.wait_indirect_dma semaphore(%arg15 : memref<!tpu.dma_semaphore, #tpu.memory_space<semaphore_mem>>) src(%dma_wait3A_64 : memref<10000x128xf32, #tpu.memory_space<hbm>>) dst(%arg9 : memref<40x128xf32, #tpu.memory_space<vmem>>)
    %dma_start3A_65 = arith.constant 1 : i32
    %dma_start3A_66 = arith.constant 0 : i32
    %dma_start3A_67 = tpu.memref_slice %arg7[%dma_start3A_65, %dma_start3A_66] : memref<250x40xi32, #tpu.memory_space<vmem>> -> memref<1x40xi32, #tpu.memory_space<vmem>>
    %dma_start3A_68 = tpu.memref_squeeze %dma_start3A_67 : memref<1x40xi32, #tpu.memory_space<vmem>> -> memref<40xi32, #tpu.memory_space<vmem>>
    %dma_start3A_69 = arith.constant 0 : i32
    %dma_start3A_70 = arith.constant 0 : i32
    %dma_start3A_71 = tpu.memref_slice %arg5[%dma_start3A_69, %dma_start3A_70] : memref<10000x128xf32, #tpu.memory_space<vmem_shared>> -> memref<10000x128xf32, #tpu.memory_space<vmem_shared>>
    tpu.enqueue_indirect_dma source(%arg9 : memref<40x128xf32, #tpu.memory_space<vmem>>) target(%dma_start3A_71 : memref<10000x128xf32, #tpu.memory_space<vmem_shared>>) offsets(%dma_start3A_68 : memref<40xi32, #tpu.memory_space<vmem>>) semaphore(%arg21 : memref<!tpu.dma_semaphore, #tpu.memory_space<semaphore_mem>>) {add = true}
    %dma_wait3A_72 = arith.constant 0 : i32
    %dma_wait3A_73 = arith.constant 0 : i32
    %dma_wait3A_74 = tpu.memref_slice %arg7[%dma_wait3A_72, %dma_wait3A_73] : memref<250x40xi32, #tpu.memory_space<vmem>> -> memref<1x40xi32, #tpu.memory_space<vmem>>
    %dma_wait3A_75 = tpu.memref_squeeze %dma_wait3A_74 : memref<1x40xi32, #tpu.memory_space<vmem>> -> memref<40xi32, #tpu.memory_space<vmem>>
    %dma_wait3A_76 = arith.constant 0 : i32
    %dma_wait3A_77 = arith.constant 0 : i32
    %dma_wait3A_78 = tpu.memref_slice %arg5[%dma_wait3A_76, %dma_wait3A_77] : memref<10000x128xf32, #tpu.memory_space<vmem_shared>> -> memref<10000x128xf32, #tpu.memory_space<vmem_shared>>
    tpu.wait_indirect_dma semaphore(%arg20 : memref<!tpu.dma_semaphore, #tpu.memory_space<semaphore_mem>>) src(%arg8 : memref<40x128xf32, #tpu.memory_space<vmem>>) dst(%dma_wait3A_78 : memref<10000x128xf32, #tpu.memory_space<vmem_shared>>)
    %dma_start3A_79 = arith.constant 6 : i32
    %dma_start3A_80 = arith.constant 0 : i32
    %dma_start3A_81 = tpu.memref_slice %arg6[%dma_start3A_79, %dma_start3A_80] : memref<250x40xi32, #tpu.memory_space<vmem>> -> memref<1x40xi32, #tpu.memory_space<vmem>>
    %dma_start3A_82 = tpu.memref_squeeze %dma_start3A_81 : memref<1x40xi32, #tpu.memory_space<vmem>> -> memref<40xi32, #tpu.memory_space<vmem>>
    %dma_start3A_83 = arith.constant 0 : i32
    %dma_start3A_84 = arith.constant 0 : i32
    %dma_start3A_85 = tpu.memref_slice %arg2[%dma_start3A_83, %dma_start3A_84] : memref<10000x128xf32, #tpu.memory_space<hbm>> -> memref<10000x128xf32, #tpu.memory_space<hbm>>
    tpu.enqueue_indirect_dma source(%dma_start3A_85 : memref<10000x128xf32, #tpu.memory_space<hbm>>) target(%arg8 : memref<40x128xf32, #tpu.memory_space<vmem>>) offsets(%dma_start3A_82 : memref<40xi32, #tpu.memory_space<vmem>>) semaphore(%arg14 : memref<!tpu.dma_semaphore, #tpu.memory_space<semaphore_mem>>)
    %dma_wait3A_86 = arith.constant 2 : i32
    %dma_wait3A_87 = arith.constant 0 : i32
    %dma_wait3A_88 = tpu.memref_slice %arg6[%dma_wait3A_86, %dma_wait3A_87] : memref<250x40xi32, #tpu.memory_space<vmem>> -> memref<1x40xi32, #tpu.memory_space<vmem>>
    %dma_wait3A_89 = tpu.memref_squeeze %dma_wait3A_88 : memref<1x40xi32, #tpu.memory_space<vmem>> -> memref<40xi32, #tpu.memory_space<vmem>>
    %dma_wait3A_90 = arith.constant 0 : i32
    %dma_wait3A_91 = arith.constant 0 : i32
    %dma_wait3A_92 = tpu.memref_slice %arg2[%dma_wait3A_90, %dma_wait3A_91] : memref<10000x128xf32, #tpu.memory_space<hbm>> -> memref<10000x128xf32, #tpu.memory_space<hbm>>
    tpu.wait_indirect_dma semaphore(%arg16 : memref<!tpu.dma_semaphore, #tpu.memory_space<semaphore_mem>>) src(%dma_wait3A_92 : memref<10000x128xf32, #tpu.memory_space<hbm>>) dst(%arg10 : memref<40x128xf32, #tpu.memory_space<vmem>>)
    %dma_start3A_93 = arith.constant 2 : i32
    %dma_start3A_94 = arith.constant 0 : i32
    %dma_start3A_95 = tpu.memref_slice %arg7[%dma_start3A_93, %dma_start3A_94] : memref<250x40xi32, #tpu.memory_space<vmem>> -> memref<1x40xi32, #tpu.memory_space<vmem>>
    %dma_start3A_96 = tpu.memref_squeeze %dma_start3A_95 : memref<1x40xi32, #tpu.memory_space<vmem>> -> memref<40xi32, #tpu.memory_space<vmem>>
    %dma_start3A_97 = arith.constant 0 : i32
    %dma_start3A_98 = arith.constant 0 : i32
    %dma_start3A_99 = tpu.memref_slice %arg5[%dma_start3A_97, %dma_start3A_98] : memref<10000x128xf32, #tpu.memory_space<vmem_shared>> -> memref<10000x128xf32, #tpu.memory_space<vmem_shared>>
    tpu.enqueue_indirect_dma source(%arg10 : memref<40x128xf32, #tpu.memory_space<vmem>>) target(%dma_start3A_99 : memref<10000x128xf32, #tpu.memory_space<vmem_shared>>) offsets(%dma_start3A_96 : memref<40xi32, #tpu.memory_space<vmem>>) semaphore(%arg22 : memref<!tpu.dma_semaphore, #tpu.memory_space<semaphore_mem>>) {add = true}
    %dma_wait3A_100 = arith.constant 1 : i32
    %dma_wait3A_101 = arith.constant 0 : i32
    %dma_wait3A_102 = tpu.memref_slice %arg7[%dma_wait3A_100, %dma_wait3A_101] : memref<250x40xi32, #tpu.memory_space<vmem>> -> memref<1x40xi32, #tpu.memory_space<vmem>>
    %dma_wait3A_103 = tpu.memref_squeeze %dma_wait3A_102 : memref<1x40xi32, #tpu.memory_space<vmem>> -> memref<40xi32, #tpu.memory_space<vmem>>
    %dma_wait3A_104 = arith.constant 0 : i32
    %dma_wait3A_105 = arith.constant 0 : i32
    %dma_wait3A_106 = tpu.memref_slice %arg5[%dma_wait3A_104, %dma_wait3A_105] : memref<10000x128xf32, #tpu.memory_space<vmem_shared>> -> memref<10000x128xf32, #tpu.memory_space<vmem_shared>>
    tpu.wait_indirect_dma semaphore(%arg21 : memref<!tpu.dma_semaphore, #tpu.memory_space<semaphore_mem>>) src(%arg9 : memref<40x128xf32, #tpu.memory_space<vmem>>) dst(%dma_wait3A_106 : memref<10000x128xf32, #tpu.memory_space<vmem_shared>>)
    %dma_start3A_107 = arith.constant 7 : i32
    %dma_start3A_108 = arith.constant 0 : i32
    %dma_start3A_109 = tpu.memref_slice %arg6[%dma_start3A_107, %dma_start3A_108] : memref<250x40xi32, #tpu.memory_space<vmem>> -> memref<1x40xi32, #tpu.memory_space<vmem>>
    %dma_start3A_110 = tpu.memref_squeeze %dma_start3A_109 : memref<1x40xi32, #tpu.memory_space<vmem>> -> memref<40xi32, #tpu.memory_space<vmem>>
    %dma_start3A_111 = arith.constant 0 : i32
    %dma_start3A_112 = arith.constant 0 : i32
    %dma_start3A_113 = tpu.memref_slice %arg2[%dma_start3A_111, %dma_start3A_112] : memref<10000x128xf32, #tpu.memory_space<hbm>> -> memref<10000x128xf32, #tpu.memory_space<hbm>>
    tpu.enqueue_indirect_dma source(%dma_start3A_113 : memref<10000x128xf32, #tpu.memory_space<hbm>>) target(%arg9 : memref<40x128xf32, #tpu.memory_space<vmem>>) offsets(%dma_start3A_110 : memref<40xi32, #tpu.memory_space<vmem>>) semaphore(%arg15 : memref<!tpu.dma_semaphore, #tpu.memory_space<semaphore_mem>>)
    %dma_wait3A_114 = arith.constant 3 : i32
    %dma_wait3A_115 = arith.constant 0 : i32
    %dma_wait3A_116 = tpu.memref_slice %arg6[%dma_wait3A_114, %dma_wait3A_115] : memref<250x40xi32, #tpu.memory_space<vmem>> -> memref<1x40xi32, #tpu.memory_space<vmem>>
    %dma_wait3A_117 = tpu.memref_squeeze %dma_wait3A_116 : memref<1x40xi32, #tpu.memory_space<vmem>> -> memref<40xi32, #tpu.memory_space<vmem>>
    %dma_wait3A_118 = arith.constant 0 : i32
    %dma_wait3A_119 = arith.constant 0 : i32
    %dma_wait3A_120 = tpu.memref_slice %arg2[%dma_wait3A_118, %dma_wait3A_119] : memref<10000x128xf32, #tpu.memory_space<hbm>> -> memref<10000x128xf32, #tpu.memory_space<hbm>>
    tpu.wait_indirect_dma semaphore(%arg17 : memref<!tpu.dma_semaphore, #tpu.memory_space<semaphore_mem>>) src(%dma_wait3A_120 : memref<10000x128xf32, #tpu.memory_space<hbm>>) dst(%arg11 : memref<40x128xf32, #tpu.memory_space<vmem>>)
    %dma_start3A_121 = arith.constant 3 : i32
    %dma_start3A_122 = arith.constant 0 : i32
    %dma_start3A_123 = tpu.memref_slice %arg7[%dma_start3A_121, %dma_start3A_122] : memref<250x40xi32, #tpu.memory_space<vmem>> -> memref<1x40xi32, #tpu.memory_space<vmem>>
    %dma_start3A_124 = tpu.memref_squeeze %dma_start3A_123 : memref<1x40xi32, #tpu.memory_space<vmem>> -> memref<40xi32, #tpu.memory_space<vmem>>
    %dma_start3A_125 = arith.constant 0 : i32
    %dma_start3A_126 = arith.constant 0 : i32
    %dma_start3A_127 = tpu.memref_slice %arg5[%dma_start3A_125, %dma_start3A_126] : memref<10000x128xf32, #tpu.memory_space<vmem_shared>> -> memref<10000x128xf32, #tpu.memory_space<vmem_shared>>
    tpu.enqueue_indirect_dma source(%arg11 : memref<40x128xf32, #tpu.memory_space<vmem>>) target(%dma_start3A_127 : memref<10000x128xf32, #tpu.memory_space<vmem_shared>>) offsets(%dma_start3A_124 : memref<40xi32, #tpu.memory_space<vmem>>) semaphore(%arg23 : memref<!tpu.dma_semaphore, #tpu.memory_space<semaphore_mem>>) {add = true}
    %dma_wait3A_128 = arith.constant 2 : i32
    %dma_wait3A_129 = arith.constant 0 : i32
    %dma_wait3A_130 = tpu.memref_slice %arg7[%dma_wait3A_128, %dma_wait3A_129] : memref<250x40xi32, #tpu.memory_space<vmem>> -> memref<1x40xi32, #tpu.memory_space<vmem>>
    %dma_wait3A_131 = tpu.memref_squeeze %dma_wait3A_130 : memref<1x40xi32, #tpu.memory_space<vmem>> -> memref<40xi32, #tpu.memory_space<vmem>>
    %dma_wait3A_132 = arith.constant 0 : i32
    %dma_wait3A_133 = arith.constant 0 : i32
    %dma_wait3A_134 = tpu.memref_slice %arg5[%dma_wait3A_132, %dma_wait3A_133] : memref<10000x128xf32, #tpu.memory_space<vmem_shared>> -> memref<10000x128xf32, #tpu.memory_space<vmem_shared>>
    tpu.wait_indirect_dma semaphore(%arg22 : memref<!tpu.dma_semaphore, #tpu.memory_space<semaphore_mem>>) src(%arg10 : memref<40x128xf32, #tpu.memory_space<vmem>>) dst(%dma_wait3A_134 : memref<10000x128xf32, #tpu.memory_space<vmem_shared>>)
    %dma_start3A_135 = arith.constant 8 : i32
    %dma_start3A_136 = arith.constant 0 : i32
    %dma_start3A_137 = tpu.memref_slice %arg6[%dma_start3A_135, %dma_start3A_136] : memref<250x40xi32, #tpu.memory_space<vmem>> -> memref<1x40xi32, #tpu.memory_space<vmem>>
    %dma_start3A_138 = tpu.memref_squeeze %dma_start3A_137 : memref<1x40xi32, #tpu.memory_space<vmem>> -> memref<40xi32, #tpu.memory_space<vmem>>
    %dma_start3A_139 = arith.constant 0 : i32
    %dma_start3A_140 = arith.constant 0 : i32
    %dma_start3A_141 = tpu.memref_slice %arg2[%dma_start3A_139, %dma_start3A_140] : memref<10000x128xf32, #tpu.memory_space<hbm>> -> memref<10000x128xf32, #tpu.memory_space<hbm>>
    tpu.enqueue_indirect_dma source(%dma_start3A_141 : memref<10000x128xf32, #tpu.memory_space<hbm>>) target(%arg10 : memref<40x128xf32, #tpu.memory_space<vmem>>) offsets(%dma_start3A_138 : memref<40xi32, #tpu.memory_space<vmem>>) semaphore(%arg16 : memref<!tpu.dma_semaphore, #tpu.memory_space<semaphore_mem>>)
    %dma_wait3A_142 = arith.constant 4 : i32
    %dma_wait3A_143 = arith.constant 0 : i32
    %dma_wait3A_144 = tpu.memref_slice %arg6[%dma_wait3A_142, %dma_wait3A_143] : memref<250x40xi32, #tpu.memory_space<vmem>> -> memref<1x40xi32, #tpu.memory_space<vmem>>
    %dma_wait3A_145 = tpu.memref_squeeze %dma_wait3A_144 : memref<1x40xi32, #tpu.memory_space<vmem>> -> memref<40xi32, #tpu.memory_space<vmem>>
    %dma_wait3A_146 = arith.constant 0 : i32
    %dma_wait3A_147 = arith.constant 0 : i32
    %dma_wait3A_148 = tpu.memref_slice %arg2[%dma_wait3A_146, %dma_wait3A_147] : memref<10000x128xf32, #tpu.memory_space<hbm>> -> memref<10000x128xf32, #tpu.memory_space<hbm>>
    tpu.wait_indirect_dma semaphore(%arg18 : memref<!tpu.dma_semaphore, #tpu.memory_space<semaphore_mem>>) src(%dma_wait3A_148 : memref<10000x128xf32, #tpu.memory_space<hbm>>) dst(%arg12 : memref<40x128xf32, #tpu.memory_space<vmem>>)
    %dma_start3A_149 = arith.constant 4 : i32
    %dma_start3A_150 = arith.constant 0 : i32
    %dma_start3A_151 = tpu.memref_slice %arg7[%dma_start3A_149, %dma_start3A_150] : memref<250x40xi32, #tpu.memory_space<vmem>> -> memref<1x40xi32, #tpu.memory_space<vmem>>
    %dma_start3A_152 = tpu.memref_squeeze %dma_start3A_151 : memref<1x40xi32, #tpu.memory_space<vmem>> -> memref<40xi32, #tpu.memory_space<vmem>>
    %dma_start3A_153 = arith.constant 0 : i32
    %dma_start3A_154 = arith.constant 0 : i32
    %dma_start3A_155 = tpu.memref_slice %arg5[%dma_start3A_153, %dma_start3A_154] : memref<10000x128xf32, #tpu.memory_space<vmem_shared>> -> memref<10000x128xf32, #tpu.memory_space<vmem_shared>>
    tpu.enqueue_indirect_dma source(%arg12 : memref<40x128xf32, #tpu.memory_space<vmem>>) target(%dma_start3A_155 : memref<10000x128xf32, #tpu.memory_space<vmem_shared>>) offsets(%dma_start3A_152 : memref<40xi32, #tpu.memory_space<vmem>>) semaphore(%arg24 : memref<!tpu.dma_semaphore, #tpu.memory_space<semaphore_mem>>) {add = true}
    %dma_wait3A_156 = arith.constant 3 : i32
    %dma_wait3A_157 = arith.constant 0 : i32
    %dma_wait3A_158 = tpu.memref_slice %arg7[%dma_wait3A_156, %dma_wait3A_157] : memref<250x40xi32, #tpu.memory_space<vmem>> -> memref<1x40xi32, #tpu.memory_space<vmem>>
    %dma_wait3A_159 = tpu.memref_squeeze %dma_wait3A_158 : memref<1x40xi32, #tpu.memory_space<vmem>> -> memref<40xi32, #tpu.memory_space<vmem>>
    %dma_wait3A_160 = arith.constant 0 : i32
    %dma_wait3A_161 = arith.constant 0 : i32
    %dma_wait3A_162 = tpu.memref_slice %arg5[%dma_wait3A_160, %dma_wait3A_161] : memref<10000x128xf32, #tpu.memory_space<vmem_shared>> -> memref<10000x128xf32, #tpu.memory_space<vmem_shared>>
    tpu.wait_indirect_dma semaphore(%arg23 : memref<!tpu.dma_semaphore, #tpu.memory_space<semaphore_mem>>) src(%arg11 : memref<40x128xf32, #tpu.memory_space<vmem>>) dst(%dma_wait3A_162 : memref<10000x128xf32, #tpu.memory_space<vmem_shared>>)
    %dma_start3A_163 = arith.constant 9 : i32
    %dma_start3A_164 = arith.constant 0 : i32
    %dma_start3A_165 = tpu.memref_slice %arg6[%dma_start3A_163, %dma_start3A_164] : memref<250x40xi32, #tpu.memory_space<vmem>> -> memref<1x40xi32, #tpu.memory_space<vmem>>
    %dma_start3A_166 = tpu.memref_squeeze %dma_start3A_165 : memref<1x40xi32, #tpu.memory_space<vmem>> -> memref<40xi32, #tpu.memory_space<vmem>>
    %dma_start3A_167 = arith.constant 0 : i32
    %dma_start3A_168 = arith.constant 0 : i32
    %dma_start3A_169 = tpu.memref_slice %arg2[%dma_start3A_167, %dma_start3A_168] : memref<10000x128xf32, #tpu.memory_space<hbm>> -> memref<10000x128xf32, #tpu.memory_space<hbm>>
    tpu.enqueue_indirect_dma source(%dma_start3A_169 : memref<10000x128xf32, #tpu.memory_space<hbm>>) target(%arg11 : memref<40x128xf32, #tpu.memory_space<vmem>>) offsets(%dma_start3A_166 : memref<40xi32, #tpu.memory_space<vmem>>) semaphore(%arg17 : memref<!tpu.dma_semaphore, #tpu.memory_space<semaphore_mem>>)
    %scan3A = arith.constant 0 : i32
    %scan3A_170 = arith.constant 0 : i32
    %scan3A_171 = arith.constant 40 : i32
    %scan3A_172 = arith.addi %scan3A_170, %scan3A_171 : i32
    %scan3A_173 = arith.constant 1 : i32
    scf.for %scan3A_293 = %scan3A_170 to %scan3A_172 step %scan3A_173  : i32 {
      %mul3A_294 = arith.constant 6 : i32
      %mul3A_295 = arith.muli %scan3A_293, %mul3A_294 : i32
      %add3A = arith.constant 5 : i32
      %add3A_296 = arith.addi %add3A, %mul3A_295 : i32
      %add3A_297 = arith.constant 0 : i32
      %add3A_298 = arith.addi %add3A_296, %add3A_297 : i32
      %dma_wait3A_299 = arith.constant 0 : i32
      %dma_wait3A_300 = tpu.memref_slice %arg6[%add3A_298, %dma_wait3A_299] : memref<250x40xi32, #tpu.memory_space<vmem>> -> memref<1x40xi32, #tpu.memory_space<vmem>>
      %dma_wait3A_301 = tpu.memref_squeeze %dma_wait3A_300 : memref<1x40xi32, #tpu.memory_space<vmem>> -> memref<40xi32, #tpu.memory_space<vmem>>
      %dma_wait3A_302 = arith.constant 0 : i32
      %dma_wait3A_303 = arith.constant 0 : i32
      %dma_wait3A_304 = tpu.memref_slice %arg2[%dma_wait3A_302, %dma_wait3A_303] : memref<10000x128xf32, #tpu.memory_space<hbm>> -> memref<10000x128xf32, #tpu.memory_space<hbm>>
      tpu.wait_indirect_dma semaphore(%arg19 : memref<!tpu.dma_semaphore, #tpu.memory_space<semaphore_mem>>) src(%dma_wait3A_304 : memref<10000x128xf32, #tpu.memory_space<hbm>>) dst(%arg13 : memref<40x128xf32, #tpu.memory_space<vmem>>)
      %dma_start3A_305 = arith.constant 0 : i32
      %dma_start3A_306 = tpu.memref_slice %arg7[%add3A_298, %dma_start3A_305] : memref<250x40xi32, #tpu.memory_space<vmem>> -> memref<1x40xi32, #tpu.memory_space<vmem>>
      %dma_start3A_307 = tpu.memref_squeeze %dma_start3A_306 : memref<1x40xi32, #tpu.memory_space<vmem>> -> memref<40xi32, #tpu.memory_space<vmem>>
      %dma_start3A_308 = arith.constant 0 : i32
      %dma_start3A_309 = arith.constant 0 : i32
      %dma_start3A_310 = tpu.memref_slice %arg5[%dma_start3A_308, %dma_start3A_309] : memref<10000x128xf32, #tpu.memory_space<vmem_shared>> -> memref<10000x128xf32, #tpu.memory_space<vmem_shared>>
      tpu.enqueue_indirect_dma source(%arg13 : memref<40x128xf32, #tpu.memory_space<vmem>>) target(%dma_start3A_310 : memref<10000x128xf32, #tpu.memory_space<vmem_shared>>) offsets(%dma_start3A_307 : memref<40xi32, #tpu.memory_space<vmem>>) semaphore(%arg25 : memref<!tpu.dma_semaphore, #tpu.memory_space<semaphore_mem>>) {add = true}
      %add3A_311 = arith.constant 5 : i32
      %add3A_312 = arith.addi %add3A_298, %add3A_311 : i32
      %sub3A = arith.constant 6 : i32
      %sub3A_313 = arith.subi %add3A_312, %sub3A : i32
      %dma_wait3A_314 = arith.constant 0 : i32
      %dma_wait3A_315 = tpu.memref_slice %arg7[%sub3A_313, %dma_wait3A_314] : memref<250x40xi32, #tpu.memory_space<vmem>> -> memref<1x40xi32, #tpu.memory_space<vmem>>
      %dma_wait3A_316 = tpu.memref_squeeze %dma_wait3A_315 : memref<1x40xi32, #tpu.memory_space<vmem>> -> memref<40xi32, #tpu.memory_space<vmem>>
      %dma_wait3A_317 = arith.constant 0 : i32
      %dma_wait3A_318 = arith.constant 0 : i32
      %dma_wait3A_319 = tpu.memref_slice %arg5[%dma_wait3A_317, %dma_wait3A_318] : memref<10000x128xf32, #tpu.memory_space<vmem_shared>> -> memref<10000x128xf32, #tpu.memory_space<vmem_shared>>
      tpu.wait_indirect_dma semaphore(%arg24 : memref<!tpu.dma_semaphore, #tpu.memory_space<semaphore_mem>>) src(%arg12 : memref<40x128xf32, #tpu.memory_space<vmem>>) dst(%dma_wait3A_319 : memref<10000x128xf32, #tpu.memory_space<vmem_shared>>)
      %add3A_320 = arith.constant 5 : i32
      %add3A_321 = arith.addi %add3A_298, %add3A_320 : i32
      %dma_start3A_322 = arith.constant 0 : i32
      %dma_start3A_323 = tpu.memref_slice %arg6[%add3A_321, %dma_start3A_322] : memref<250x40xi32, #tpu.memory_space<vmem>> -> memref<1x40xi32, #tpu.memory_space<vmem>>
      %dma_start3A_324 = tpu.memref_squeeze %dma_start3A_323 : memref<1x40xi32, #tpu.memory_space<vmem>> -> memref<40xi32, #tpu.memory_space<vmem>>
      %dma_start3A_325 = arith.constant 0 : i32
      %dma_start3A_326 = arith.constant 0 : i32
      %dma_start3A_327 = tpu.memref_slice %arg2[%dma_start3A_325, %dma_start3A_326] : memref<10000x128xf32, #tpu.memory_space<hbm>> -> memref<10000x128xf32, #tpu.memory_space<hbm>>
      tpu.enqueue_indirect_dma source(%dma_start3A_327 : memref<10000x128xf32, #tpu.memory_space<hbm>>) target(%arg12 : memref<40x128xf32, #tpu.memory_space<vmem>>) offsets(%dma_start3A_324 : memref<40xi32, #tpu.memory_space<vmem>>) semaphore(%arg18 : memref<!tpu.dma_semaphore, #tpu.memory_space<semaphore_mem>>)
      %add3A_328 = arith.constant 1 : i32
      %add3A_329 = arith.addi %add3A_296, %add3A_328 : i32
      %dma_wait3A_330 = arith.constant 0 : i32
      %dma_wait3A_331 = tpu.memref_slice %arg6[%add3A_329, %dma_wait3A_330] : memref<250x40xi32, #tpu.memory_space<vmem>> -> memref<1x40xi32, #tpu.memory_space<vmem>>
      %dma_wait3A_332 = tpu.memref_squeeze %dma_wait3A_331 : memref<1x40xi32, #tpu.memory_space<vmem>> -> memref<40xi32, #tpu.memory_space<vmem>>
      %dma_wait3A_333 = arith.constant 0 : i32
      %dma_wait3A_334 = arith.constant 0 : i32
      %dma_wait3A_335 = tpu.memref_slice %arg2[%dma_wait3A_333, %dma_wait3A_334] : memref<10000x128xf32, #tpu.memory_space<hbm>> -> memref<10000x128xf32, #tpu.memory_space<hbm>>
      tpu.wait_indirect_dma semaphore(%arg14 : memref<!tpu.dma_semaphore, #tpu.memory_space<semaphore_mem>>) src(%dma_wait3A_335 : memref<10000x128xf32, #tpu.memory_space<hbm>>) dst(%arg8 : memref<40x128xf32, #tpu.memory_space<vmem>>)
      %dma_start3A_336 = arith.constant 0 : i32
      %dma_start3A_337 = tpu.memref_slice %arg7[%add3A_329, %dma_start3A_336] : memref<250x40xi32, #tpu.memory_space<vmem>> -> memref<1x40xi32, #tpu.memory_space<vmem>>
      %dma_start3A_338 = tpu.memref_squeeze %dma_start3A_337 : memref<1x40xi32, #tpu.memory_space<vmem>> -> memref<40xi32, #tpu.memory_space<vmem>>
      %dma_start3A_339 = arith.constant 0 : i32
      %dma_start3A_340 = arith.constant 0 : i32
      %dma_start3A_341 = tpu.memref_slice %arg5[%dma_start3A_339, %dma_start3A_340] : memref<10000x128xf32, #tpu.memory_space<vmem_shared>> -> memref<10000x128xf32, #tpu.memory_space<vmem_shared>>
      tpu.enqueue_indirect_dma source(%arg8 : memref<40x128xf32, #tpu.memory_space<vmem>>) target(%dma_start3A_341 : memref<10000x128xf32, #tpu.memory_space<vmem_shared>>) offsets(%dma_start3A_338 : memref<40xi32, #tpu.memory_space<vmem>>) semaphore(%arg20 : memref<!tpu.dma_semaphore, #tpu.memory_space<semaphore_mem>>) {add = true}
      %add3A_342 = arith.constant 5 : i32
      %add3A_343 = arith.addi %add3A_329, %add3A_342 : i32
      %sub3A_344 = arith.constant 6 : i32
      %sub3A_345 = arith.subi %add3A_343, %sub3A_344 : i32
      %dma_wait3A_346 = arith.constant 0 : i32
      %dma_wait3A_347 = tpu.memref_slice %arg7[%sub3A_345, %dma_wait3A_346] : memref<250x40xi32, #tpu.memory_space<vmem>> -> memref<1x40xi32, #tpu.memory_space<vmem>>
      %dma_wait3A_348 = tpu.memref_squeeze %dma_wait3A_347 : memref<1x40xi32, #tpu.memory_space<vmem>> -> memref<40xi32, #tpu.memory_space<vmem>>
      %dma_wait3A_349 = arith.constant 0 : i32
      %dma_wait3A_350 = arith.constant 0 : i32
      %dma_wait3A_351 = tpu.memref_slice %arg5[%dma_wait3A_349, %dma_wait3A_350] : memref<10000x128xf32, #tpu.memory_space<vmem_shared>> -> memref<10000x128xf32, #tpu.memory_space<vmem_shared>>
      tpu.wait_indirect_dma semaphore(%arg25 : memref<!tpu.dma_semaphore, #tpu.memory_space<semaphore_mem>>) src(%arg13 : memref<40x128xf32, #tpu.memory_space<vmem>>) dst(%dma_wait3A_351 : memref<10000x128xf32, #tpu.memory_space<vmem_shared>>)
      %add3A_352 = arith.constant 5 : i32
      %add3A_353 = arith.addi %add3A_329, %add3A_352 : i32
      %dma_start3A_354 = arith.constant 0 : i32
      %dma_start3A_355 = tpu.memref_slice %arg6[%add3A_353, %dma_start3A_354] : memref<250x40xi32, #tpu.memory_space<vmem>> -> memref<1x40xi32, #tpu.memory_space<vmem>>
      %dma_start3A_356 = tpu.memref_squeeze %dma_start3A_355 : memref<1x40xi32, #tpu.memory_space<vmem>> -> memref<40xi32, #tpu.memory_space<vmem>>
      %dma_start3A_357 = arith.constant 0 : i32
      %dma_start3A_358 = arith.constant 0 : i32
      %dma_start3A_359 = tpu.memref_slice %arg2[%dma_start3A_357, %dma_start3A_358] : memref<10000x128xf32, #tpu.memory_space<hbm>> -> memref<10000x128xf32, #tpu.memory_space<hbm>>
      tpu.enqueue_indirect_dma source(%dma_start3A_359 : memref<10000x128xf32, #tpu.memory_space<hbm>>) target(%arg13 : memref<40x128xf32, #tpu.memory_space<vmem>>) offsets(%dma_start3A_356 : memref<40xi32, #tpu.memory_space<vmem>>) semaphore(%arg19 : memref<!tpu.dma_semaphore, #tpu.memory_space<semaphore_mem>>)
      %add3A_360 = arith.constant 2 : i32
      %add3A_361 = arith.addi %add3A_296, %add3A_360 : i32
      %dma_wait3A_362 = arith.constant 0 : i32
      %dma_wait3A_363 = tpu.memref_slice %arg6[%add3A_361, %dma_wait3A_362] : memref<250x40xi32, #tpu.memory_space<vmem>> -> memref<1x40xi32, #tpu.memory_space<vmem>>
      %dma_wait3A_364 = tpu.memref_squeeze %dma_wait3A_363 : memref<1x40xi32, #tpu.memory_space<vmem>> -> memref<40xi32, #tpu.memory_space<vmem>>
      %dma_wait3A_365 = arith.constant 0 : i32
      %dma_wait3A_366 = arith.constant 0 : i32
      %dma_wait3A_367 = tpu.memref_slice %arg2[%dma_wait3A_365, %dma_wait3A_366] : memref<10000x128xf32, #tpu.memory_space<hbm>> -> memref<10000x128xf32, #tpu.memory_space<hbm>>
      tpu.wait_indirect_dma semaphore(%arg15 : memref<!tpu.dma_semaphore, #tpu.memory_space<semaphore_mem>>) src(%dma_wait3A_367 : memref<10000x128xf32, #tpu.memory_space<hbm>>) dst(%arg9 : memref<40x128xf32, #tpu.memory_space<vmem>>)
      %dma_start3A_368 = arith.constant 0 : i32
      %dma_start3A_369 = tpu.memref_slice %arg7[%add3A_361, %dma_start3A_368] : memref<250x40xi32, #tpu.memory_space<vmem>> -> memref<1x40xi32, #tpu.memory_space<vmem>>
      %dma_start3A_370 = tpu.memref_squeeze %dma_start3A_369 : memref<1x40xi32, #tpu.memory_space<vmem>> -> memref<40xi32, #tpu.memory_space<vmem>>
      %dma_start3A_371 = arith.constant 0 : i32
      %dma_start3A_372 = arith.constant 0 : i32
      %dma_start3A_373 = tpu.memref_slice %arg5[%dma_start3A_371, %dma_start3A_372] : memref<10000x128xf32, #tpu.memory_space<vmem_shared>> -> memref<10000x128xf32, #tpu.memory_space<vmem_shared>>
      tpu.enqueue_indirect_dma source(%arg9 : memref<40x128xf32, #tpu.memory_space<vmem>>) target(%dma_start3A_373 : memref<10000x128xf32, #tpu.memory_space<vmem_shared>>) offsets(%dma_start3A_370 : memref<40xi32, #tpu.memory_space<vmem>>) semaphore(%arg21 : memref<!tpu.dma_semaphore, #tpu.memory_space<semaphore_mem>>) {add = true}
      %add3A_374 = arith.constant 5 : i32
      %add3A_375 = arith.addi %add3A_361, %add3A_374 : i32
      %sub3A_376 = arith.constant 6 : i32
      %sub3A_377 = arith.subi %add3A_375, %sub3A_376 : i32
      %dma_wait3A_378 = arith.constant 0 : i32
      %dma_wait3A_379 = tpu.memref_slice %arg7[%sub3A_377, %dma_wait3A_378] : memref<250x40xi32, #tpu.memory_space<vmem>> -> memref<1x40xi32, #tpu.memory_space<vmem>>
      %dma_wait3A_380 = tpu.memref_squeeze %dma_wait3A_379 : memref<1x40xi32, #tpu.memory_space<vmem>> -> memref<40xi32, #tpu.memory_space<vmem>>
      %dma_wait3A_381 = arith.constant 0 : i32
      %dma_wait3A_382 = arith.constant 0 : i32
      %dma_wait3A_383 = tpu.memref_slice %arg5[%dma_wait3A_381, %dma_wait3A_382] : memref<10000x128xf32, #tpu.memory_space<vmem_shared>> -> memref<10000x128xf32, #tpu.memory_space<vmem_shared>>
      tpu.wait_indirect_dma semaphore(%arg20 : memref<!tpu.dma_semaphore, #tpu.memory_space<semaphore_mem>>) src(%arg8 : memref<40x128xf32, #tpu.memory_space<vmem>>) dst(%dma_wait3A_383 : memref<10000x128xf32, #tpu.memory_space<vmem_shared>>)
      %add3A_384 = arith.constant 5 : i32
      %add3A_385 = arith.addi %add3A_361, %add3A_384 : i32
      %dma_start3A_386 = arith.constant 0 : i32
      %dma_start3A_387 = tpu.memref_slice %arg6[%add3A_385, %dma_start3A_386] : memref<250x40xi32, #tpu.memory_space<vmem>> -> memref<1x40xi32, #tpu.memory_space<vmem>>
      %dma_start3A_388 = tpu.memref_squeeze %dma_start3A_387 : memref<1x40xi32, #tpu.memory_space<vmem>> -> memref<40xi32, #tpu.memory_space<vmem>>
      %dma_start3A_389 = arith.constant 0 : i32
      %dma_start3A_390 = arith.constant 0 : i32
      %dma_start3A_391 = tpu.memref_slice %arg2[%dma_start3A_389, %dma_start3A_390] : memref<10000x128xf32, #tpu.memory_space<hbm>> -> memref<10000x128xf32, #tpu.memory_space<hbm>>
      tpu.enqueue_indirect_dma source(%dma_start3A_391 : memref<10000x128xf32, #tpu.memory_space<hbm>>) target(%arg8 : memref<40x128xf32, #tpu.memory_space<vmem>>) offsets(%dma_start3A_388 : memref<40xi32, #tpu.memory_space<vmem>>) semaphore(%arg14 : memref<!tpu.dma_semaphore, #tpu.memory_space<semaphore_mem>>)
      %add3A_392 = arith.constant 3 : i32
      %add3A_393 = arith.addi %add3A_296, %add3A_392 : i32
      %dma_wait3A_394 = arith.constant 0 : i32
      %dma_wait3A_395 = tpu.memref_slice %arg6[%add3A_393, %dma_wait3A_394] : memref<250x40xi32, #tpu.memory_space<vmem>> -> memref<1x40xi32, #tpu.memory_space<vmem>>
      %dma_wait3A_396 = tpu.memref_squeeze %dma_wait3A_395 : memref<1x40xi32, #tpu.memory_space<vmem>> -> memref<40xi32, #tpu.memory_space<vmem>>
      %dma_wait3A_397 = arith.constant 0 : i32
      %dma_wait3A_398 = arith.constant 0 : i32
      %dma_wait3A_399 = tpu.memref_slice %arg2[%dma_wait3A_397, %dma_wait3A_398] : memref<10000x128xf32, #tpu.memory_space<hbm>> -> memref<10000x128xf32, #tpu.memory_space<hbm>>
      tpu.wait_indirect_dma semaphore(%arg16 : memref<!tpu.dma_semaphore, #tpu.memory_space<semaphore_mem>>) src(%dma_wait3A_399 : memref<10000x128xf32, #tpu.memory_space<hbm>>) dst(%arg10 : memref<40x128xf32, #tpu.memory_space<vmem>>)
      %dma_start3A_400 = arith.constant 0 : i32
      %dma_start3A_401 = tpu.memref_slice %arg7[%add3A_393, %dma_start3A_400] : memref<250x40xi32, #tpu.memory_space<vmem>> -> memref<1x40xi32, #tpu.memory_space<vmem>>
      %dma_start3A_402 = tpu.memref_squeeze %dma_start3A_401 : memref<1x40xi32, #tpu.memory_space<vmem>> -> memref<40xi32, #tpu.memory_space<vmem>>
      %dma_start3A_403 = arith.constant 0 : i32
      %dma_start3A_404 = arith.constant 0 : i32
      %dma_start3A_405 = tpu.memref_slice %arg5[%dma_start3A_403, %dma_start3A_404] : memref<10000x128xf32, #tpu.memory_space<vmem_shared>> -> memref<10000x128xf32, #tpu.memory_space<vmem_shared>>
      tpu.enqueue_indirect_dma source(%arg10 : memref<40x128xf32, #tpu.memory_space<vmem>>) target(%dma_start3A_405 : memref<10000x128xf32, #tpu.memory_space<vmem_shared>>) offsets(%dma_start3A_402 : memref<40xi32, #tpu.memory_space<vmem>>) semaphore(%arg22 : memref<!tpu.dma_semaphore, #tpu.memory_space<semaphore_mem>>) {add = true}
      %add3A_406 = arith.constant 5 : i32
      %add3A_407 = arith.addi %add3A_393, %add3A_406 : i32
      %sub3A_408 = arith.constant 6 : i32
      %sub3A_409 = arith.subi %add3A_407, %sub3A_408 : i32
      %dma_wait3A_410 = arith.constant 0 : i32
      %dma_wait3A_411 = tpu.memref_slice %arg7[%sub3A_409, %dma_wait3A_410] : memref<250x40xi32, #tpu.memory_space<vmem>> -> memref<1x40xi32, #tpu.memory_space<vmem>>
      %dma_wait3A_412 = tpu.memref_squeeze %dma_wait3A_411 : memref<1x40xi32, #tpu.memory_space<vmem>> -> memref<40xi32, #tpu.memory_space<vmem>>
      %dma_wait3A_413 = arith.constant 0 : i32
      %dma_wait3A_414 = arith.constant 0 : i32
      %dma_wait3A_415 = tpu.memref_slice %arg5[%dma_wait3A_413, %dma_wait3A_414] : memref<10000x128xf32, #tpu.memory_space<vmem_shared>> -> memref<10000x128xf32, #tpu.memory_space<vmem_shared>>
      tpu.wait_indirect_dma semaphore(%arg21 : memref<!tpu.dma_semaphore, #tpu.memory_space<semaphore_mem>>) src(%arg9 : memref<40x128xf32, #tpu.memory_space<vmem>>) dst(%dma_wait3A_415 : memref<10000x128xf32, #tpu.memory_space<vmem_shared>>)
      %add3A_416 = arith.constant 5 : i32
      %add3A_417 = arith.addi %add3A_393, %add3A_416 : i32
      %dma_start3A_418 = arith.constant 0 : i32
      %dma_start3A_419 = tpu.memref_slice %arg6[%add3A_417, %dma_start3A_418] : memref<250x40xi32, #tpu.memory_space<vmem>> -> memref<1x40xi32, #tpu.memory_space<vmem>>
      %dma_start3A_420 = tpu.memref_squeeze %dma_start3A_419 : memref<1x40xi32, #tpu.memory_space<vmem>> -> memref<40xi32, #tpu.memory_space<vmem>>
      %dma_start3A_421 = arith.constant 0 : i32
      %dma_start3A_422 = arith.constant 0 : i32
      %dma_start3A_423 = tpu.memref_slice %arg2[%dma_start3A_421, %dma_start3A_422] : memref<10000x128xf32, #tpu.memory_space<hbm>> -> memref<10000x128xf32, #tpu.memory_space<hbm>>
      tpu.enqueue_indirect_dma source(%dma_start3A_423 : memref<10000x128xf32, #tpu.memory_space<hbm>>) target(%arg9 : memref<40x128xf32, #tpu.memory_space<vmem>>) offsets(%dma_start3A_420 : memref<40xi32, #tpu.memory_space<vmem>>) semaphore(%arg15 : memref<!tpu.dma_semaphore, #tpu.memory_space<semaphore_mem>>)
      %add3A_424 = arith.constant 4 : i32
      %add3A_425 = arith.addi %add3A_296, %add3A_424 : i32
      %dma_wait3A_426 = arith.constant 0 : i32
      %dma_wait3A_427 = tpu.memref_slice %arg6[%add3A_425, %dma_wait3A_426] : memref<250x40xi32, #tpu.memory_space<vmem>> -> memref<1x40xi32, #tpu.memory_space<vmem>>
      %dma_wait3A_428 = tpu.memref_squeeze %dma_wait3A_427 : memref<1x40xi32, #tpu.memory_space<vmem>> -> memref<40xi32, #tpu.memory_space<vmem>>
      %dma_wait3A_429 = arith.constant 0 : i32
      %dma_wait3A_430 = arith.constant 0 : i32
      %dma_wait3A_431 = tpu.memref_slice %arg2[%dma_wait3A_429, %dma_wait3A_430] : memref<10000x128xf32, #tpu.memory_space<hbm>> -> memref<10000x128xf32, #tpu.memory_space<hbm>>
      tpu.wait_indirect_dma semaphore(%arg17 : memref<!tpu.dma_semaphore, #tpu.memory_space<semaphore_mem>>) src(%dma_wait3A_431 : memref<10000x128xf32, #tpu.memory_space<hbm>>) dst(%arg11 : memref<40x128xf32, #tpu.memory_space<vmem>>)
      %dma_start3A_432 = arith.constant 0 : i32
      %dma_start3A_433 = tpu.memref_slice %arg7[%add3A_425, %dma_start3A_432] : memref<250x40xi32, #tpu.memory_space<vmem>> -> memref<1x40xi32, #tpu.memory_space<vmem>>
      %dma_start3A_434 = tpu.memref_squeeze %dma_start3A_433 : memref<1x40xi32, #tpu.memory_space<vmem>> -> memref<40xi32, #tpu.memory_space<vmem>>
      %dma_start3A_435 = arith.constant 0 : i32
      %dma_start3A_436 = arith.constant 0 : i32
      %dma_start3A_437 = tpu.memref_slice %arg5[%dma_start3A_435, %dma_start3A_436] : memref<10000x128xf32, #tpu.memory_space<vmem_shared>> -> memref<10000x128xf32, #tpu.memory_space<vmem_shared>>
      tpu.enqueue_indirect_dma source(%arg11 : memref<40x128xf32, #tpu.memory_space<vmem>>) target(%dma_start3A_437 : memref<10000x128xf32, #tpu.memory_space<vmem_shared>>) offsets(%dma_start3A_434 : memref<40xi32, #tpu.memory_space<vmem>>) semaphore(%arg23 : memref<!tpu.dma_semaphore, #tpu.memory_space<semaphore_mem>>) {add = true}
      %add3A_438 = arith.constant 5 : i32
      %add3A_439 = arith.addi %add3A_425, %add3A_438 : i32
      %sub3A_440 = arith.constant 6 : i32
      %sub3A_441 = arith.subi %add3A_439, %sub3A_440 : i32
      %dma_wait3A_442 = arith.constant 0 : i32
      %dma_wait3A_443 = tpu.memref_slice %arg7[%sub3A_441, %dma_wait3A_442] : memref<250x40xi32, #tpu.memory_space<vmem>> -> memref<1x40xi32, #tpu.memory_space<vmem>>
      %dma_wait3A_444 = tpu.memref_squeeze %dma_wait3A_443 : memref<1x40xi32, #tpu.memory_space<vmem>> -> memref<40xi32, #tpu.memory_space<vmem>>
      %dma_wait3A_445 = arith.constant 0 : i32
      %dma_wait3A_446 = arith.constant 0 : i32
      %dma_wait3A_447 = tpu.memref_slice %arg5[%dma_wait3A_445, %dma_wait3A_446] : memref<10000x128xf32, #tpu.memory_space<vmem_shared>> -> memref<10000x128xf32, #tpu.memory_space<vmem_shared>>
      tpu.wait_indirect_dma semaphore(%arg22 : memref<!tpu.dma_semaphore, #tpu.memory_space<semaphore_mem>>) src(%arg10 : memref<40x128xf32, #tpu.memory_space<vmem>>) dst(%dma_wait3A_447 : memref<10000x128xf32, #tpu.memory_space<vmem_shared>>)
      %add3A_448 = arith.constant 5 : i32
      %add3A_449 = arith.addi %add3A_425, %add3A_448 : i32
      %dma_start3A_450 = arith.constant 0 : i32
      %dma_start3A_451 = tpu.memref_slice %arg6[%add3A_449, %dma_start3A_450] : memref<250x40xi32, #tpu.memory_space<vmem>> -> memref<1x40xi32, #tpu.memory_space<vmem>>
      %dma_start3A_452 = tpu.memref_squeeze %dma_start3A_451 : memref<1x40xi32, #tpu.memory_space<vmem>> -> memref<40xi32, #tpu.memory_space<vmem>>
      %dma_start3A_453 = arith.constant 0 : i32
      %dma_start3A_454 = arith.constant 0 : i32
      %dma_start3A_455 = tpu.memref_slice %arg2[%dma_start3A_453, %dma_start3A_454] : memref<10000x128xf32, #tpu.memory_space<hbm>> -> memref<10000x128xf32, #tpu.memory_space<hbm>>
      tpu.enqueue_indirect_dma source(%dma_start3A_455 : memref<10000x128xf32, #tpu.memory_space<hbm>>) target(%arg10 : memref<40x128xf32, #tpu.memory_space<vmem>>) offsets(%dma_start3A_452 : memref<40xi32, #tpu.memory_space<vmem>>) semaphore(%arg16 : memref<!tpu.dma_semaphore, #tpu.memory_space<semaphore_mem>>)
      %add3A_456 = arith.constant 5 : i32
      %add3A_457 = arith.addi %add3A_296, %add3A_456 : i32
      %dma_wait3A_458 = arith.constant 0 : i32
      %dma_wait3A_459 = tpu.memref_slice %arg6[%add3A_457, %dma_wait3A_458] : memref<250x40xi32, #tpu.memory_space<vmem>> -> memref<1x40xi32, #tpu.memory_space<vmem>>
      %dma_wait3A_460 = tpu.memref_squeeze %dma_wait3A_459 : memref<1x40xi32, #tpu.memory_space<vmem>> -> memref<40xi32, #tpu.memory_space<vmem>>
      %dma_wait3A_461 = arith.constant 0 : i32
      %dma_wait3A_462 = arith.constant 0 : i32
      %dma_wait3A_463 = tpu.memref_slice %arg2[%dma_wait3A_461, %dma_wait3A_462] : memref<10000x128xf32, #tpu.memory_space<hbm>> -> memref<10000x128xf32, #tpu.memory_space<hbm>>
      tpu.wait_indirect_dma semaphore(%arg18 : memref<!tpu.dma_semaphore, #tpu.memory_space<semaphore_mem>>) src(%dma_wait3A_463 : memref<10000x128xf32, #tpu.memory_space<hbm>>) dst(%arg12 : memref<40x128xf32, #tpu.memory_space<vmem>>)
      %dma_start3A_464 = arith.constant 0 : i32
      %dma_start3A_465 = tpu.memref_slice %arg7[%add3A_457, %dma_start3A_464] : memref<250x40xi32, #tpu.memory_space<vmem>> -> memref<1x40xi32, #tpu.memory_space<vmem>>
      %dma_start3A_466 = tpu.memref_squeeze %dma_start3A_465 : memref<1x40xi32, #tpu.memory_space<vmem>> -> memref<40xi32, #tpu.memory_space<vmem>>
      %dma_start3A_467 = arith.constant 0 : i32
      %dma_start3A_468 = arith.constant 0 : i32
      %dma_start3A_469 = tpu.memref_slice %arg5[%dma_start3A_467, %dma_start3A_468] : memref<10000x128xf32, #tpu.memory_space<vmem_shared>> -> memref<10000x128xf32, #tpu.memory_space<vmem_shared>>
      tpu.enqueue_indirect_dma source(%arg12 : memref<40x128xf32, #tpu.memory_space<vmem>>) target(%dma_start3A_469 : memref<10000x128xf32, #tpu.memory_space<vmem_shared>>) offsets(%dma_start3A_466 : memref<40xi32, #tpu.memory_space<vmem>>) semaphore(%arg24 : memref<!tpu.dma_semaphore, #tpu.memory_space<semaphore_mem>>) {add = true}
      %add3A_470 = arith.constant 5 : i32
      %add3A_471 = arith.addi %add3A_457, %add3A_470 : i32
      %sub3A_472 = arith.constant 6 : i32
      %sub3A_473 = arith.subi %add3A_471, %sub3A_472 : i32
      %dma_wait3A_474 = arith.constant 0 : i32
      %dma_wait3A_475 = tpu.memref_slice %arg7[%sub3A_473, %dma_wait3A_474] : memref<250x40xi32, #tpu.memory_space<vmem>> -> memref<1x40xi32, #tpu.memory_space<vmem>>
      %dma_wait3A_476 = tpu.memref_squeeze %dma_wait3A_475 : memref<1x40xi32, #tpu.memory_space<vmem>> -> memref<40xi32, #tpu.memory_space<vmem>>
      %dma_wait3A_477 = arith.constant 0 : i32
      %dma_wait3A_478 = arith.constant 0 : i32
      %dma_wait3A_479 = tpu.memref_slice %arg5[%dma_wait3A_477, %dma_wait3A_478] : memref<10000x128xf32, #tpu.memory_space<vmem_shared>> -> memref<10000x128xf32, #tpu.memory_space<vmem_shared>>
      tpu.wait_indirect_dma semaphore(%arg23 : memref<!tpu.dma_semaphore, #tpu.memory_space<semaphore_mem>>) src(%arg11 : memref<40x128xf32, #tpu.memory_space<vmem>>) dst(%dma_wait3A_479 : memref<10000x128xf32, #tpu.memory_space<vmem_shared>>)
      %add3A_480 = arith.constant 5 : i32
      %add3A_481 = arith.addi %add3A_457, %add3A_480 : i32
      %dma_start3A_482 = arith.constant 0 : i32
      %dma_start3A_483 = tpu.memref_slice %arg6[%add3A_481, %dma_start3A_482] : memref<250x40xi32, #tpu.memory_space<vmem>> -> memref<1x40xi32, #tpu.memory_space<vmem>>
      %dma_start3A_484 = tpu.memref_squeeze %dma_start3A_483 : memref<1x40xi32, #tpu.memory_space<vmem>> -> memref<40xi32, #tpu.memory_space<vmem>>
      %dma_start3A_485 = arith.constant 0 : i32
      %dma_start3A_486 = arith.constant 0 : i32
      %dma_start3A_487 = tpu.memref_slice %arg2[%dma_start3A_485, %dma_start3A_486] : memref<10000x128xf32, #tpu.memory_space<hbm>> -> memref<10000x128xf32, #tpu.memory_space<hbm>>
      tpu.enqueue_indirect_dma source(%dma_start3A_487 : memref<10000x128xf32, #tpu.memory_space<hbm>>) target(%arg11 : memref<40x128xf32, #tpu.memory_space<vmem>>) offsets(%dma_start3A_484 : memref<40xi32, #tpu.memory_space<vmem>>) semaphore(%arg17 : memref<!tpu.dma_semaphore, #tpu.memory_space<semaphore_mem>>)
    }
    %scan3A_174 = arith.constant 40 : i32
    %dma_wait3A_175 = arith.constant 245 : i32
    %dma_wait3A_176 = arith.constant 0 : i32
    %dma_wait3A_177 = tpu.memref_slice %arg6[%dma_wait3A_175, %dma_wait3A_176] : memref<250x40xi32, #tpu.memory_space<vmem>> -> memref<1x40xi32, #tpu.memory_space<vmem>>
    %dma_wait3A_178 = tpu.memref_squeeze %dma_wait3A_177 : memref<1x40xi32, #tpu.memory_space<vmem>> -> memref<40xi32, #tpu.memory_space<vmem>>
    %dma_wait3A_179 = arith.constant 0 : i32
    %dma_wait3A_180 = arith.constant 0 : i32
    %dma_wait3A_181 = tpu.memref_slice %arg2[%dma_wait3A_179, %dma_wait3A_180] : memref<10000x128xf32, #tpu.memory_space<hbm>> -> memref<10000x128xf32, #tpu.memory_space<hbm>>
    tpu.wait_indirect_dma semaphore(%arg19 : memref<!tpu.dma_semaphore, #tpu.memory_space<semaphore_mem>>) src(%dma_wait3A_181 : memref<10000x128xf32, #tpu.memory_space<hbm>>) dst(%arg13 : memref<40x128xf32, #tpu.memory_space<vmem>>)
    %dma_start3A_182 = arith.constant 245 : i32
    %dma_start3A_183 = arith.constant 0 : i32
    %dma_start3A_184 = tpu.memref_slice %arg7[%dma_start3A_182, %dma_start3A_183] : memref<250x40xi32, #tpu.memory_space<vmem>> -> memref<1x40xi32, #tpu.memory_space<vmem>>
    %dma_start3A_185 = tpu.memref_squeeze %dma_start3A_184 : memref<1x40xi32, #tpu.memory_space<vmem>> -> memref<40xi32, #tpu.memory_space<vmem>>
    %dma_start3A_186 = arith.constant 0 : i32
    %dma_start3A_187 = arith.constant 0 : i32
    %dma_start3A_188 = tpu.memref_slice %arg5[%dma_start3A_186, %dma_start3A_187] : memref<10000x128xf32, #tpu.memory_space<vmem_shared>> -> memref<10000x128xf32, #tpu.memory_space<vmem_shared>>
    tpu.enqueue_indirect_dma source(%arg13 : memref<40x128xf32, #tpu.memory_space<vmem>>) target(%dma_start3A_188 : memref<10000x128xf32, #tpu.memory_space<vmem_shared>>) offsets(%dma_start3A_185 : memref<40xi32, #tpu.memory_space<vmem>>) semaphore(%arg25 : memref<!tpu.dma_semaphore, #tpu.memory_space<semaphore_mem>>) {add = true}
    %dma_wait3A_189 = arith.constant 246 : i32
    %dma_wait3A_190 = arith.constant 0 : i32
    %dma_wait3A_191 = tpu.memref_slice %arg6[%dma_wait3A_189, %dma_wait3A_190] : memref<250x40xi32, #tpu.memory_space<vmem>> -> memref<1x40xi32, #tpu.memory_space<vmem>>
    %dma_wait3A_192 = tpu.memref_squeeze %dma_wait3A_191 : memref<1x40xi32, #tpu.memory_space<vmem>> -> memref<40xi32, #tpu.memory_space<vmem>>
    %dma_wait3A_193 = arith.constant 0 : i32
    %dma_wait3A_194 = arith.constant 0 : i32
    %dma_wait3A_195 = tpu.memref_slice %arg2[%dma_wait3A_193, %dma_wait3A_194] : memref<10000x128xf32, #tpu.memory_space<hbm>> -> memref<10000x128xf32, #tpu.memory_space<hbm>>
    tpu.wait_indirect_dma semaphore(%arg14 : memref<!tpu.dma_semaphore, #tpu.memory_space<semaphore_mem>>) src(%dma_wait3A_195 : memref<10000x128xf32, #tpu.memory_space<hbm>>) dst(%arg8 : memref<40x128xf32, #tpu.memory_space<vmem>>)
    %dma_start3A_196 = arith.constant 246 : i32
    %dma_start3A_197 = arith.constant 0 : i32
    %dma_start3A_198 = tpu.memref_slice %arg7[%dma_start3A_196, %dma_start3A_197] : memref<250x40xi32, #tpu.memory_space<vmem>> -> memref<1x40xi32, #tpu.memory_space<vmem>>
    %dma_start3A_199 = tpu.memref_squeeze %dma_start3A_198 : memref<1x40xi32, #tpu.memory_space<vmem>> -> memref<40xi32, #tpu.memory_space<vmem>>
    %dma_start3A_200 = arith.constant 0 : i32
    %dma_start3A_201 = arith.constant 0 : i32
    %dma_start3A_202 = tpu.memref_slice %arg5[%dma_start3A_200, %dma_start3A_201] : memref<10000x128xf32, #tpu.memory_space<vmem_shared>> -> memref<10000x128xf32, #tpu.memory_space<vmem_shared>>
    tpu.enqueue_indirect_dma source(%arg8 : memref<40x128xf32, #tpu.memory_space<vmem>>) target(%dma_start3A_202 : memref<10000x128xf32, #tpu.memory_space<vmem_shared>>) offsets(%dma_start3A_199 : memref<40xi32, #tpu.memory_space<vmem>>) semaphore(%arg20 : memref<!tpu.dma_semaphore, #tpu.memory_space<semaphore_mem>>) {add = true}
    %dma_wait3A_203 = arith.constant 247 : i32
    %dma_wait3A_204 = arith.constant 0 : i32
    %dma_wait3A_205 = tpu.memref_slice %arg6[%dma_wait3A_203, %dma_wait3A_204] : memref<250x40xi32, #tpu.memory_space<vmem>> -> memref<1x40xi32, #tpu.memory_space<vmem>>
    %dma_wait3A_206 = tpu.memref_squeeze %dma_wait3A_205 : memref<1x40xi32, #tpu.memory_space<vmem>> -> memref<40xi32, #tpu.memory_space<vmem>>
    %dma_wait3A_207 = arith.constant 0 : i32
    %dma_wait3A_208 = arith.constant 0 : i32
    %dma_wait3A_209 = tpu.memref_slice %arg2[%dma_wait3A_207, %dma_wait3A_208] : memref<10000x128xf32, #tpu.memory_space<hbm>> -> memref<10000x128xf32, #tpu.memory_space<hbm>>
    tpu.wait_indirect_dma semaphore(%arg15 : memref<!tpu.dma_semaphore, #tpu.memory_space<semaphore_mem>>) src(%dma_wait3A_209 : memref<10000x128xf32, #tpu.memory_space<hbm>>) dst(%arg9 : memref<40x128xf32, #tpu.memory_space<vmem>>)
    %dma_start3A_210 = arith.constant 247 : i32
    %dma_start3A_211 = arith.constant 0 : i32
    %dma_start3A_212 = tpu.memref_slice %arg7[%dma_start3A_210, %dma_start3A_211] : memref<250x40xi32, #tpu.memory_space<vmem>> -> memref<1x40xi32, #tpu.memory_space<vmem>>
    %dma_start3A_213 = tpu.memref_squeeze %dma_start3A_212 : memref<1x40xi32, #tpu.memory_space<vmem>> -> memref<40xi32, #tpu.memory_space<vmem>>
    %dma_start3A_214 = arith.constant 0 : i32
    %dma_start3A_215 = arith.constant 0 : i32
    %dma_start3A_216 = tpu.memref_slice %arg5[%dma_start3A_214, %dma_start3A_215] : memref<10000x128xf32, #tpu.memory_space<vmem_shared>> -> memref<10000x128xf32, #tpu.memory_space<vmem_shared>>
    tpu.enqueue_indirect_dma source(%arg9 : memref<40x128xf32, #tpu.memory_space<vmem>>) target(%dma_start3A_216 : memref<10000x128xf32, #tpu.memory_space<vmem_shared>>) offsets(%dma_start3A_213 : memref<40xi32, #tpu.memory_space<vmem>>) semaphore(%arg21 : memref<!tpu.dma_semaphore, #tpu.memory_space<semaphore_mem>>) {add = true}
    %dma_wait3A_217 = arith.constant 248 : i32
    %dma_wait3A_218 = arith.constant 0 : i32
    %dma_wait3A_219 = tpu.memref_slice %arg6[%dma_wait3A_217, %dma_wait3A_218] : memref<250x40xi32, #tpu.memory_space<vmem>> -> memref<1x40xi32, #tpu.memory_space<vmem>>
    %dma_wait3A_220 = tpu.memref_squeeze %dma_wait3A_219 : memref<1x40xi32, #tpu.memory_space<vmem>> -> memref<40xi32, #tpu.memory_space<vmem>>
    %dma_wait3A_221 = arith.constant 0 : i32
    %dma_wait3A_222 = arith.constant 0 : i32
    %dma_wait3A_223 = tpu.memref_slice %arg2[%dma_wait3A_221, %dma_wait3A_222] : memref<10000x128xf32, #tpu.memory_space<hbm>> -> memref<10000x128xf32, #tpu.memory_space<hbm>>
    tpu.wait_indirect_dma semaphore(%arg16 : memref<!tpu.dma_semaphore, #tpu.memory_space<semaphore_mem>>) src(%dma_wait3A_223 : memref<10000x128xf32, #tpu.memory_space<hbm>>) dst(%arg10 : memref<40x128xf32, #tpu.memory_space<vmem>>)
    %dma_start3A_224 = arith.constant 248 : i32
    %dma_start3A_225 = arith.constant 0 : i32
    %dma_start3A_226 = tpu.memref_slice %arg7[%dma_start3A_224, %dma_start3A_225] : memref<250x40xi32, #tpu.memory_space<vmem>> -> memref<1x40xi32, #tpu.memory_space<vmem>>
    %dma_start3A_227 = tpu.memref_squeeze %dma_start3A_226 : memref<1x40xi32, #tpu.memory_space<vmem>> -> memref<40xi32, #tpu.memory_space<vmem>>
    %dma_start3A_228 = arith.constant 0 : i32
    %dma_start3A_229 = arith.constant 0 : i32
    %dma_start3A_230 = tpu.memref_slice %arg5[%dma_start3A_228, %dma_start3A_229] : memref<10000x128xf32, #tpu.memory_space<vmem_shared>> -> memref<10000x128xf32, #tpu.memory_space<vmem_shared>>
    tpu.enqueue_indirect_dma source(%arg10 : memref<40x128xf32, #tpu.memory_space<vmem>>) target(%dma_start3A_230 : memref<10000x128xf32, #tpu.memory_space<vmem_shared>>) offsets(%dma_start3A_227 : memref<40xi32, #tpu.memory_space<vmem>>) semaphore(%arg22 : memref<!tpu.dma_semaphore, #tpu.memory_space<semaphore_mem>>) {add = true}
    %dma_wait3A_231 = arith.constant 249 : i32
    %dma_wait3A_232 = arith.constant 0 : i32
    %dma_wait3A_233 = tpu.memref_slice %arg6[%dma_wait3A_231, %dma_wait3A_232] : memref<250x40xi32, #tpu.memory_space<vmem>> -> memref<1x40xi32, #tpu.memory_space<vmem>>
    %dma_wait3A_234 = tpu.memref_squeeze %dma_wait3A_233 : memref<1x40xi32, #tpu.memory_space<vmem>> -> memref<40xi32, #tpu.memory_space<vmem>>
    %dma_wait3A_235 = arith.constant 0 : i32
    %dma_wait3A_236 = arith.constant 0 : i32
    %dma_wait3A_237 = tpu.memref_slice %arg2[%dma_wait3A_235, %dma_wait3A_236] : memref<10000x128xf32, #tpu.memory_space<hbm>> -> memref<10000x128xf32, #tpu.memory_space<hbm>>
    tpu.wait_indirect_dma semaphore(%arg17 : memref<!tpu.dma_semaphore, #tpu.memory_space<semaphore_mem>>) src(%dma_wait3A_237 : memref<10000x128xf32, #tpu.memory_space<hbm>>) dst(%arg11 : memref<40x128xf32, #tpu.memory_space<vmem>>)
    %dma_start3A_238 = arith.constant 249 : i32
    %dma_start3A_239 = arith.constant 0 : i32
    %dma_start3A_240 = tpu.memref_slice %arg7[%dma_start3A_238, %dma_start3A_239] : memref<250x40xi32, #tpu.memory_space<vmem>> -> memref<1x40xi32, #tpu.memory_space<vmem>>
    %dma_start3A_241 = tpu.memref_squeeze %dma_start3A_240 : memref<1x40xi32, #tpu.memory_space<vmem>> -> memref<40xi32, #tpu.memory_space<vmem>>
    %dma_start3A_242 = arith.constant 0 : i32
    %dma_start3A_243 = arith.constant 0 : i32
    %dma_start3A_244 = tpu.memref_slice %arg5[%dma_start3A_242, %dma_start3A_243] : memref<10000x128xf32, #tpu.memory_space<vmem_shared>> -> memref<10000x128xf32, #tpu.memory_space<vmem_shared>>
    tpu.enqueue_indirect_dma source(%arg11 : memref<40x128xf32, #tpu.memory_space<vmem>>) target(%dma_start3A_244 : memref<10000x128xf32, #tpu.memory_space<vmem_shared>>) offsets(%dma_start3A_241 : memref<40xi32, #tpu.memory_space<vmem>>) semaphore(%arg23 : memref<!tpu.dma_semaphore, #tpu.memory_space<semaphore_mem>>) {add = true}
    %dma_wait3A_245 = arith.constant 244 : i32
    %dma_wait3A_246 = arith.constant 0 : i32
    %dma_wait3A_247 = tpu.memref_slice %arg7[%dma_wait3A_245, %dma_wait3A_246] : memref<250x40xi32, #tpu.memory_space<vmem>> -> memref<1x40xi32, #tpu.memory_space<vmem>>
    %dma_wait3A_248 = tpu.memref_squeeze %dma_wait3A_247 : memref<1x40xi32, #tpu.memory_space<vmem>> -> memref<40xi32, #tpu.memory_space<vmem>>
    %dma_wait3A_249 = arith.constant 0 : i32
    %dma_wait3A_250 = arith.constant 0 : i32
    %dma_wait3A_251 = tpu.memref_slice %arg5[%dma_wait3A_249, %dma_wait3A_250] : memref<10000x128xf32, #tpu.memory_space<vmem_shared>> -> memref<10000x128xf32, #tpu.memory_space<vmem_shared>>
    tpu.wait_indirect_dma semaphore(%arg20 : memref<!tpu.dma_semaphore, #tpu.memory_space<semaphore_mem>>) src(%arg8 : memref<40x128xf32, #tpu.memory_space<vmem>>) dst(%dma_wait3A_251 : memref<10000x128xf32, #tpu.memory_space<vmem_shared>>)
    %dma_wait3A_252 = arith.constant 245 : i32
    %dma_wait3A_253 = arith.constant 0 : i32
    %dma_wait3A_254 = tpu.memref_slice %arg7[%dma_wait3A_252, %dma_wait3A_253] : memref<250x40xi32, #tpu.memory_space<vmem>> -> memref<1x40xi32, #tpu.memory_space<vmem>>
    %dma_wait3A_255 = tpu.memref_squeeze %dma_wait3A_254 : memref<1x40xi32, #tpu.memory_space<vmem>> -> memref<40xi32, #tpu.memory_space<vmem>>
    %dma_wait3A_256 = arith.constant 0 : i32
    %dma_wait3A_257 = arith.constant 0 : i32
    %dma_wait3A_258 = tpu.memref_slice %arg5[%dma_wait3A_256, %dma_wait3A_257] : memref<10000x128xf32, #tpu.memory_space<vmem_shared>> -> memref<10000x128xf32, #tpu.memory_space<vmem_shared>>
    tpu.wait_indirect_dma semaphore(%arg21 : memref<!tpu.dma_semaphore, #tpu.memory_space<semaphore_mem>>) src(%arg9 : memref<40x128xf32, #tpu.memory_space<vmem>>) dst(%dma_wait3A_258 : memref<10000x128xf32, #tpu.memory_space<vmem_shared>>)
    %dma_wait3A_259 = arith.constant 246 : i32
    %dma_wait3A_260 = arith.constant 0 : i32
    %dma_wait3A_261 = tpu.memref_slice %arg7[%dma_wait3A_259, %dma_wait3A_260] : memref<250x40xi32, #tpu.memory_space<vmem>> -> memref<1x40xi32, #tpu.memory_space<vmem>>
    %dma_wait3A_262 = tpu.memref_squeeze %dma_wait3A_261 : memref<1x40xi32, #tpu.memory_space<vmem>> -> memref<40xi32, #tpu.memory_space<vmem>>
    %dma_wait3A_263 = arith.constant 0 : i32
    %dma_wait3A_264 = arith.constant 0 : i32
    %dma_wait3A_265 = tpu.memref_slice %arg5[%dma_wait3A_263, %dma_wait3A_264] : memref<10000x128xf32, #tpu.memory_space<vmem_shared>> -> memref<10000x128xf32, #tpu.memory_space<vmem_shared>>
    tpu.wait_indirect_dma semaphore(%arg22 : memref<!tpu.dma_semaphore, #tpu.memory_space<semaphore_mem>>) src(%arg10 : memref<40x128xf32, #tpu.memory_space<vmem>>) dst(%dma_wait3A_265 : memref<10000x128xf32, #tpu.memory_space<vmem_shared>>)
    %dma_wait3A_266 = arith.constant 247 : i32
    %dma_wait3A_267 = arith.constant 0 : i32
    %dma_wait3A_268 = tpu.memref_slice %arg7[%dma_wait3A_266, %dma_wait3A_267] : memref<250x40xi32, #tpu.memory_space<vmem>> -> memref<1x40xi32, #tpu.memory_space<vmem>>
    %dma_wait3A_269 = tpu.memref_squeeze %dma_wait3A_268 : memref<1x40xi32, #tpu.memory_space<vmem>> -> memref<40xi32, #tpu.memory_space<vmem>>
    %dma_wait3A_270 = arith.constant 0 : i32
    %dma_wait3A_271 = arith.constant 0 : i32
    %dma_wait3A_272 = tpu.memref_slice %arg5[%dma_wait3A_270, %dma_wait3A_271] : memref<10000x128xf32, #tpu.memory_space<vmem_shared>> -> memref<10000x128xf32, #tpu.memory_space<vmem_shared>>
    tpu.wait_indirect_dma semaphore(%arg23 : memref<!tpu.dma_semaphore, #tpu.memory_space<semaphore_mem>>) src(%arg11 : memref<40x128xf32, #tpu.memory_space<vmem>>) dst(%dma_wait3A_272 : memref<10000x128xf32, #tpu.memory_space<vmem_shared>>)
    %dma_wait3A_273 = arith.constant 248 : i32
    %dma_wait3A_274 = arith.constant 0 : i32
    %dma_wait3A_275 = tpu.memref_slice %arg7[%dma_wait3A_273, %dma_wait3A_274] : memref<250x40xi32, #tpu.memory_space<vmem>> -> memref<1x40xi32, #tpu.memory_space<vmem>>
    %dma_wait3A_276 = tpu.memref_squeeze %dma_wait3A_275 : memref<1x40xi32, #tpu.memory_space<vmem>> -> memref<40xi32, #tpu.memory_space<vmem>>
    %dma_wait3A_277 = arith.constant 0 : i32
    %dma_wait3A_278 = arith.constant 0 : i32
    %dma_wait3A_279 = tpu.memref_slice %arg5[%dma_wait3A_277, %dma_wait3A_278] : memref<10000x128xf32, #tpu.memory_space<vmem_shared>> -> memref<10000x128xf32, #tpu.memory_space<vmem_shared>>
    tpu.wait_indirect_dma semaphore(%arg24 : memref<!tpu.dma_semaphore, #tpu.memory_space<semaphore_mem>>) src(%arg12 : memref<40x128xf32, #tpu.memory_space<vmem>>) dst(%dma_wait3A_279 : memref<10000x128xf32, #tpu.memory_space<vmem_shared>>)
    %dma_wait3A_280 = arith.constant 249 : i32
    %dma_wait3A_281 = arith.constant 0 : i32
    %dma_wait3A_282 = tpu.memref_slice %arg7[%dma_wait3A_280, %dma_wait3A_281] : memref<250x40xi32, #tpu.memory_space<vmem>> -> memref<1x40xi32, #tpu.memory_space<vmem>>
    %dma_wait3A_283 = tpu.memref_squeeze %dma_wait3A_282 : memref<1x40xi32, #tpu.memory_space<vmem>> -> memref<40xi32, #tpu.memory_space<vmem>>
    %dma_wait3A_284 = arith.constant 0 : i32
    %dma_wait3A_285 = arith.constant 0 : i32
    %dma_wait3A_286 = tpu.memref_slice %arg5[%dma_wait3A_284, %dma_wait3A_285] : memref<10000x128xf32, #tpu.memory_space<vmem_shared>> -> memref<10000x128xf32, #tpu.memory_space<vmem_shared>>
    tpu.wait_indirect_dma semaphore(%arg25 : memref<!tpu.dma_semaphore, #tpu.memory_space<semaphore_mem>>) src(%arg13 : memref<40x128xf32, #tpu.memory_space<vmem>>) dst(%dma_wait3A_286 : memref<10000x128xf32, #tpu.memory_space<vmem_shared>>)
    %barrier3A_287 = arith.constant 0 : index
    tpu.barrier barrier_id(%barrier3A_287)
    "tpu.region"() ({
      %run_scoped3A_293 = tpu.sem_alloc : memref<!tpu.dma_semaphore, #tpu.memory_space<semaphore_mem>>
      %dma_start3A_294 = arith.constant 0 : i32
      %dma_start3A_295 = tpu.memref_slice %arg4[%arg0, %mul3A_0, %dma_start3A_294] : memref<2x10000x128xf32, #tpu.memory_space<hbm>> -> memref<1x624x128xf32, #tpu.memory_space<hbm>>
      %dma_start3A_296 = tpu.memref_squeeze %dma_start3A_295 : memref<1x624x128xf32, #tpu.memory_space<hbm>> -> memref<624x128xf32, #tpu.memory_space<hbm>>
      %dma_start3A_297 = arith.constant 0 : i32
      %dma_start3A_298 = tpu.memref_slice %arg5[%mul3A_0, %dma_start3A_297] : memref<10000x128xf32, #tpu.memory_space<vmem_shared>> -> memref<624x128xf32, #tpu.memory_space<vmem_shared>>
      tpu.enqueue_dma source(%dma_start3A_298 : memref<624x128xf32, #tpu.memory_space<vmem_shared>>) target(%dma_start3A_296 : memref<624x128xf32, #tpu.memory_space<hbm>>) target_semaphore(%run_scoped3A_293 : memref<!tpu.dma_semaphore, #tpu.memory_space<semaphore_mem>>)
      %dma_wait3A_299 = arith.constant 0 : i32
      %dma_wait3A_300 = tpu.memref_slice %arg4[%arg0, %mul3A_0, %dma_wait3A_299] : memref<2x10000x128xf32, #tpu.memory_space<hbm>> -> memref<1x624x128xf32, #tpu.memory_space<hbm>>
      %dma_wait3A_301 = tpu.memref_squeeze %dma_wait3A_300 : memref<1x624x128xf32, #tpu.memory_space<hbm>> -> memref<624x128xf32, #tpu.memory_space<hbm>>
      %dma_wait3A_302 = arith.constant 0 : i32
      %dma_wait3A_303 = tpu.memref_slice %arg5[%mul3A_0, %dma_wait3A_302] : memref<10000x128xf32, #tpu.memory_space<vmem_shared>> -> memref<624x128xf32, #tpu.memory_space<vmem_shared>>
      tpu.wait_dma2 semaphore(%run_scoped3A_293 : memref<!tpu.dma_semaphore, #tpu.memory_space<semaphore_mem>>) src(%dma_wait3A_303 : memref<624x128xf32, #tpu.memory_space<vmem_shared>>) dst(%dma_wait3A_301 : memref<624x128xf32, #tpu.memory_space<hbm>>)
      tpu.yield
    }) : () -> ()
    %eq3A_288 = arith.constant 0 : i32
    %eq3A_289 = arith.cmpi eq, %arg1, %eq3A_288 : i32
    %convert_element_type3A_290 = arith.extui %eq3A_289 : i1 to i32
    %cond3A_291 = arith.constant 0 : i32
    %cond3A_292 = arith.cmpi ne, %convert_element_type3A_290, %cond3A_291 : i32
    scf.if %cond3A_292 {
      "tpu.region"() ({
        %run_scoped3A_293 = tpu.sem_alloc : memref<!tpu.dma_semaphore, #tpu.memory_space<semaphore_mem>>
        %dma_start3A_294 = arith.constant 9984 : i32
        %dma_start3A_295 = arith.constant 0 : i32
        %dma_start3A_296 = tpu.memref_slice %arg4[%arg0, %dma_start3A_294, %dma_start3A_295] : memref<2x10000x128xf32, #tpu.memory_space<hbm>> -> memref<1x16x128xf32, #tpu.memory_space<hbm>>
        %dma_start3A_297 = tpu.memref_squeeze %dma_start3A_296 : memref<1x16x128xf32, #tpu.memory_space<hbm>> -> memref<16x128xf32, #tpu.memory_space<hbm>>
        %dma_start3A_298 = arith.constant 9984 : i32
        %dma_start3A_299 = arith.constant 0 : i32
        %dma_start3A_300 = tpu.memref_slice %arg5[%dma_start3A_298, %dma_start3A_299] : memref<10000x128xf32, #tpu.memory_space<vmem_shared>> -> memref<16x128xf32, #tpu.memory_space<vmem_shared>>
        tpu.enqueue_dma source(%dma_start3A_300 : memref<16x128xf32, #tpu.memory_space<vmem_shared>>) target(%dma_start3A_297 : memref<16x128xf32, #tpu.memory_space<hbm>>) target_semaphore(%run_scoped3A_293 : memref<!tpu.dma_semaphore, #tpu.memory_space<semaphore_mem>>)
        %dma_wait3A_301 = arith.constant 9984 : i32
        %dma_wait3A_302 = arith.constant 0 : i32
        %dma_wait3A_303 = tpu.memref_slice %arg4[%arg0, %dma_wait3A_301, %dma_wait3A_302] : memref<2x10000x128xf32, #tpu.memory_space<hbm>> -> memref<1x16x128xf32, #tpu.memory_space<hbm>>
        %dma_wait3A_304 = tpu.memref_squeeze %dma_wait3A_303 : memref<1x16x128xf32, #tpu.memory_space<hbm>> -> memref<16x128xf32, #tpu.memory_space<hbm>>
        %dma_wait3A_305 = arith.constant 9984 : i32
        %dma_wait3A_306 = arith.constant 0 : i32
        %dma_wait3A_307 = tpu.memref_slice %arg5[%dma_wait3A_305, %dma_wait3A_306] : memref<10000x128xf32, #tpu.memory_space<vmem_shared>> -> memref<16x128xf32, #tpu.memory_space<vmem_shared>>
        tpu.wait_dma2 semaphore(%run_scoped3A_293 : memref<!tpu.dma_semaphore, #tpu.memory_space<semaphore_mem>>) src(%dma_wait3A_307 : memref<16x128xf32, #tpu.memory_space<vmem_shared>>) dst(%dma_wait3A_304 : memref<16x128xf32, #tpu.memory_space<hbm>>)
        tpu.yield
      }) : () -> ()
    } else {
    }
    return
  }
}

module attributes {stable_mosaic.version = 14 : i64} {
  func.func @_final_body(%arg0: i32, %arg1: memref<1x2000x128xf32, #tpu.memory_space<vmem>>, %arg2: memref<1x2000x128xf32, #tpu.memory_space<vmem>>, %arg3: memref<2000x128xf32, #tpu.memory_space<vmem>>, %arg4: memref<1x1x2000xi32, #tpu.memory_space<vmem>>, %arg5: memref<128x128xf32, #tpu.memory_space<vmem>>, %arg6: memref<1x128xf32, #tpu.memory_space<vmem>>, %arg7: memref<128x128xf32, #tpu.memory_space<vmem>>, %arg8: memref<1x128xf32, #tpu.memory_space<vmem>>, %arg9: memref<128x10xf32, #tpu.memory_space<vmem>>, %arg10: memref<1x10xf32, #tpu.memory_space<vmem>>, %arg11: memref<64x10xf32, #tpu.memory_space<vmem>>, %arg12: memref<64x128xf32, #tpu.memory_space<vmem>>) attributes {dimension_semantics = [#tpu.dimension_semantics<arbitrary>], iteration_bounds = array<i64: 5>, scalar_prefetch = 0 : i64, scratch_operands = 1 : i64, tpu.core_type = #tpu.core_type<tc>, window_params = [{transform_indices = @transform_0, window_bounds = array<i64: 1, 2000, 128>}, {transform_indices = @transform_1, window_bounds = array<i64: 1, 2000, 128>}, {transform_indices = @transform_2, window_bounds = array<i64: 2000, 128>}, {transform_indices = @transform_3, window_bounds = array<i64: 1, 1, 2000>}, {pipeline_mode = #tpu.pipeline_mode<synchronous>, transform_indices = @transform_4, window_bounds = array<i64: 128, 128>}, {pipeline_mode = #tpu.pipeline_mode<synchronous>, transform_indices = @transform_5, window_bounds = array<i64: 1, 128>}, {pipeline_mode = #tpu.pipeline_mode<synchronous>, transform_indices = @transform_6, window_bounds = array<i64: 128, 128>}, {pipeline_mode = #tpu.pipeline_mode<synchronous>, transform_indices = @transform_7, window_bounds = array<i64: 1, 128>}, {pipeline_mode = #tpu.pipeline_mode<synchronous>, transform_indices = @transform_8, window_bounds = array<i64: 128, 10>}, {pipeline_mode = #tpu.pipeline_mode<synchronous>, transform_indices = @transform_9, window_bounds = array<i64: 1, 10>}, {pipeline_mode = #tpu.pipeline_mode<synchronous>, transform_indices = @transform_10, window_bounds = array<i64: 64, 10>}]} {
    %get3A = arith.constant 0 : index
    %get3A_0 = arith.constant 0 : index
    %get3A_1 = arith.constant 0 : index
    %get3A_2 = vector.load %arg1[%get3A, %get3A_0, %get3A_1] : memref<1x2000x128xf32, #tpu.memory_space<vmem>>, vector<1x2000x128xf32>
    %get3A_3 = vector.shape_cast %get3A_2 : vector<1x2000x128xf32> to vector<2000x128xf32>
    %get3A_4 = arith.constant 0 : index
    %get3A_5 = arith.constant 0 : index
    %get3A_6 = arith.constant 0 : index
    %get3A_7 = vector.load %arg2[%get3A_4, %get3A_5, %get3A_6] : memref<1x2000x128xf32, #tpu.memory_space<vmem>>, vector<1x2000x128xf32>
    %get3A_8 = vector.shape_cast %get3A_7 : vector<1x2000x128xf32> to vector<2000x128xf32>
    %add3A = arith.addf %get3A_3, %get3A_8 : vector<2000x128xf32>
    %get3A_9 = arith.constant 0 : index
    %get3A_10 = arith.constant 0 : index
    %get3A_11 = vector.load %arg3[%get3A_9, %get3A_10] : memref<2000x128xf32, #tpu.memory_space<vmem>>, vector<2000x128xf32>
    %sub3A = arith.subf %add3A, %get3A_11 : vector<2000x128xf32>
    %get3A_12 = arith.constant 0 : index
    %get3A_13 = arith.constant 0 : index
    %get3A_14 = vector.load %arg5[%get3A_12, %get3A_13] : memref<128x128xf32, #tpu.memory_space<vmem>>, vector<128x128xf32>
    %dot_general3A = arith.constant dense<0.000000e+00> : vector<2000x128xf32>
    %dot_general3A_15 = tpu.matmul %sub3A, %get3A_14, %dot_general3A {dimension_numbers = #tpu.dot_dimension_numbers<[1], [0], [0], [1], [0, 0, 1, 1], [], []>, transpose_lhs_hint = false} : vector<2000x128xf32>, vector<128x128xf32>, vector<2000x128xf32> -> vector<2000x128xf32>
    %get3A_16 = arith.constant 0 : index
    %get3A_17 = arith.constant 0 : index
    %get3A_18 = vector.load %arg6[%get3A_16, %get3A_17] : memref<1x128xf32, #tpu.memory_space<vmem>>, vector<1x128xf32>
    %add3A_19 = vector.broadcast %get3A_18 : vector<1x128xf32> to vector<2000x128xf32>
    %add3A_20 = arith.addf %dot_general3A_15, %add3A_19 : vector<2000x128xf32>
    %max3A = arith.constant 0.000000e+00 : f32
    %max3A_21 = vector.broadcast %max3A : f32 to vector<2000x128xf32>
    %max3A_22 = arith.maximumf %add3A_20, %max3A_21 : vector<2000x128xf32>
    %get3A_23 = arith.constant 0 : index
    %get3A_24 = arith.constant 0 : index
    %get3A_25 = vector.load %arg7[%get3A_23, %get3A_24] : memref<128x128xf32, #tpu.memory_space<vmem>>, vector<128x128xf32>
    %dot_general3A_26 = arith.constant dense<0.000000e+00> : vector<2000x128xf32>
    %dot_general3A_27 = tpu.matmul %max3A_22, %get3A_25, %dot_general3A_26 {dimension_numbers = #tpu.dot_dimension_numbers<[1], [0], [0], [1], [0, 0, 1, 1], [], []>, transpose_lhs_hint = false} : vector<2000x128xf32>, vector<128x128xf32>, vector<2000x128xf32> -> vector<2000x128xf32>
    %get3A_28 = arith.constant 0 : index
    %get3A_29 = arith.constant 0 : index
    %get3A_30 = vector.load %arg8[%get3A_28, %get3A_29] : memref<1x128xf32, #tpu.memory_space<vmem>>, vector<1x128xf32>
    %add3A_31 = vector.broadcast %get3A_30 : vector<1x128xf32> to vector<2000x128xf32>
    %add3A_32 = arith.addf %dot_general3A_27, %add3A_31 : vector<2000x128xf32>
    %max3A_33 = arith.constant 0.000000e+00 : f32
    %max3A_34 = vector.broadcast %max3A_33 : f32 to vector<2000x128xf32>
    %max3A_35 = arith.maximumf %add3A_32, %max3A_34 : vector<2000x128xf32>
    %iota3A = tpu.iota {dimensions = array<i32: 0>} : vector<64x2000xi32>
    %get3A_36 = arith.constant 0 : index
    %get3A_37 = arith.constant 0 : index
    %get3A_38 = arith.constant 0 : index
    %get3A_39 = vector.load %arg4[%get3A_36, %get3A_37, %get3A_38] : memref<1x1x2000xi32, #tpu.memory_space<vmem>>, vector<1x1x2000xi32>
    %get3A_40 = vector.shape_cast %get3A_39 : vector<1x1x2000xi32> to vector<1x2000xi32>
    %eq3A = vector.broadcast %get3A_40 : vector<1x2000xi32> to vector<64x2000xi32>
    %eq3A_41 = arith.cmpi eq, %iota3A, %eq3A : vector<64x2000xi32>
    %convert_element_type3A = arith.extui %eq3A_41 : vector<64x2000xi1> to vector<64x2000xi32>
    %convert_element_type3A_42 = arith.sitofp %convert_element_type3A : vector<64x2000xi32> to vector<64x2000xf32>
    %dot_general3A_43 = arith.constant dense<0.000000e+00> : vector<64x128xf32>
    %dot_general3A_44 = tpu.matmul %convert_element_type3A_42, %max3A_35, %dot_general3A_43 {dimension_numbers = #tpu.dot_dimension_numbers<[1], [0], [0], [1], [0, 0, 1, 1], [], []>, transpose_lhs_hint = false} : vector<64x2000xf32>, vector<2000x128xf32>, vector<64x128xf32> -> vector<64x128xf32>
    %eq3A_45 = arith.constant 0 : i32
    %eq3A_46 = arith.cmpi eq, %arg0, %eq3A_45 : i32
    %convert_element_type3A_47 = arith.extui %eq3A_46 : i1 to i32
    %cond3A = arith.constant 0 : i32
    %cond3A_48 = arith.cmpi ne, %convert_element_type3A_47, %cond3A : i32
    scf.if %cond3A_48 {
      %broadcast_in_dim3A = arith.constant 0.000000e+00 : f32
      %broadcast_in_dim3A_60 = vector.broadcast %broadcast_in_dim3A : f32 to vector<64x128xf32>
      %swap3A_61 = arith.constant 0 : index
      %swap3A_62 = arith.constant 0 : index
      %swap3A_63 = vector.load %arg12[%swap3A_61, %swap3A_62] : memref<64x128xf32, #tpu.memory_space<vmem>>, vector<64x128xf32>
      tpu.vector_store %arg12[%swap3A_61, %swap3A_62], %broadcast_in_dim3A_60 {strides = array<i32>} : memref<64x128xf32, #tpu.memory_space<vmem>>, vector<64x128xf32>,
    } else {
    }
    %get3A_49 = arith.constant 0 : index
    %get3A_50 = arith.constant 0 : index
    %get3A_51 = vector.load %arg12[%get3A_49, %get3A_50] : memref<64x128xf32, #tpu.memory_space<vmem>>, vector<64x128xf32>
    %add3A_52 = arith.addf %get3A_51, %dot_general3A_44 : vector<64x128xf32>
    %swap3A = arith.constant 0 : index
    %swap3A_53 = arith.constant 0 : index
    %swap3A_54 = vector.load %arg12[%swap3A, %swap3A_53] : memref<64x128xf32, #tpu.memory_space<vmem>>, vector<64x128xf32>
    tpu.vector_store %arg12[%swap3A, %swap3A_53], %add3A_52 {strides = array<i32>} : memref<64x128xf32, #tpu.memory_space<vmem>>, vector<64x128xf32>,
    %eq3A_55 = arith.constant 4 : i32
    %eq3A_56 = arith.cmpi eq, %arg0, %eq3A_55 : i32
    %convert_element_type3A_57 = arith.extui %eq3A_56 : i1 to i32
    %cond3A_58 = arith.constant 0 : i32
    %cond3A_59 = arith.cmpi ne, %convert_element_type3A_57, %cond3A_58 : i32
    scf.if %cond3A_59 {
      %get3A_60 = arith.constant 0 : index
      %get3A_61 = arith.constant 0 : index
      %get3A_62 = vector.load %arg12[%get3A_60, %get3A_61] : memref<64x128xf32, #tpu.memory_space<vmem>>, vector<64x128xf32>
      %get3A_63 = arith.constant 0 : index
      %get3A_64 = arith.constant 0 : index
      %get3A_65 = vector.load %arg9[%get3A_63, %get3A_64] : memref<128x10xf32, #tpu.memory_space<vmem>>, vector<128x10xf32>
      %dot_general3A_66 = arith.constant dense<0.000000e+00> : vector<64x10xf32>
      %dot_general3A_67 = tpu.matmul %get3A_62, %get3A_65, %dot_general3A_66 {dimension_numbers = #tpu.dot_dimension_numbers<[1], [0], [0], [1], [0, 0, 1, 1], [], []>, transpose_lhs_hint = false} : vector<64x128xf32>, vector<128x10xf32>, vector<64x10xf32> -> vector<64x10xf32>
      %get3A_68 = arith.constant 0 : index
      %get3A_69 = arith.constant 0 : index
      %get3A_70 = vector.load %arg10[%get3A_68, %get3A_69] : memref<1x10xf32, #tpu.memory_space<vmem>>, vector<1x10xf32>
      %add3A_71 = vector.broadcast %get3A_70 : vector<1x10xf32> to vector<64x10xf32>
      %add3A_72 = arith.addf %dot_general3A_67, %add3A_71 : vector<64x10xf32>
      %swap3A_73 = arith.constant 0 : index
      %swap3A_74 = arith.constant 0 : index
      %swap3A_75 = vector.load %arg11[%swap3A_73, %swap3A_74] : memref<64x10xf32, #tpu.memory_space<vmem>>, vector<64x10xf32>
      tpu.vector_store %arg11[%swap3A_73, %swap3A_74], %add3A_72 {strides = array<i32>} : memref<64x10xf32, #tpu.memory_space<vmem>>, vector<64x10xf32>,
    } else {
    }
    return
  }
  func.func @transform_0(%arg0: i32) -> (i32, i32, i32) {
    %c0_i32 = arith.constant 0 : i32
    %c0_i32_0 = arith.constant 0 : i32
    %c0_i32_1 = arith.constant 0 : i32
    return %c0_i32, %arg0, %c0_i32_0 : i32, i32, i32
  }
  func.func @transform_1(%arg0: i32) -> (i32, i32, i32) {
    %c1_i32 = arith.constant 1 : i32
    %c0_i32 = arith.constant 0 : i32
    %c0_i32_0 = arith.constant 0 : i32
    return %c1_i32, %arg0, %c0_i32 : i32, i32, i32
  }
  func.func @transform_2(%arg0: i32) -> (i32, i32) {
    %c0_i32 = arith.constant 0 : i32
    %c0_i32_0 = arith.constant 0 : i32
    return %arg0, %c0_i32 : i32, i32
  }
  func.func @transform_3(%arg0: i32) -> (i32, i32, i32) {
    %c0_i32 = arith.constant 0 : i32
    %c0_i32_0 = arith.constant 0 : i32
    %c0_i32_1 = arith.constant 0 : i32
    return %arg0, %c0_i32, %c0_i32_0 : i32, i32, i32
  }
  func.func @transform_4(%arg0: i32) -> (i32, i32) {
    %c0_i32 = arith.constant 0 : i32
    %c0_i32_0 = arith.constant 0 : i32
    %c0_i32_1 = arith.constant 0 : i32
    return %c0_i32, %c0_i32_0 : i32, i32
  }
  func.func @transform_5(%arg0: i32) -> (i32, i32) {
    %c0_i32 = arith.constant 0 : i32
    %c0_i32_0 = arith.constant 0 : i32
    %c0_i32_1 = arith.constant 0 : i32
    return %c0_i32, %c0_i32_0 : i32, i32
  }
  func.func @transform_6(%arg0: i32) -> (i32, i32) {
    %c0_i32 = arith.constant 0 : i32
    %c0_i32_0 = arith.constant 0 : i32
    %c0_i32_1 = arith.constant 0 : i32
    return %c0_i32, %c0_i32_0 : i32, i32
  }
  func.func @transform_7(%arg0: i32) -> (i32, i32) {
    %c0_i32 = arith.constant 0 : i32
    %c0_i32_0 = arith.constant 0 : i32
    %c0_i32_1 = arith.constant 0 : i32
    return %c0_i32, %c0_i32_0 : i32, i32
  }
  func.func @transform_8(%arg0: i32) -> (i32, i32) {
    %c0_i32 = arith.constant 0 : i32
    %c0_i32_0 = arith.constant 0 : i32
    %c0_i32_1 = arith.constant 0 : i32
    return %c0_i32, %c0_i32_0 : i32, i32
  }
  func.func @transform_9(%arg0: i32) -> (i32, i32) {
    %c0_i32 = arith.constant 0 : i32
    %c0_i32_0 = arith.constant 0 : i32
    %c0_i32_1 = arith.constant 0 : i32
    return %c0_i32, %c0_i32_0 : i32, i32
  }
  func.func @transform_10(%arg0: i32) -> (i32, i32) {
    %c0_i32 = arith.constant 0 : i32
    %c0_i32_0 = arith.constant 0 : i32
    %c0_i32_1 = arith.constant 0 : i32
    return %c0_i32, %c0_i32_0 : i32, i32
  }
}

module attributes {stable_mosaic.version = 14 : i64} {
  func.func @_mlp_body(%arg0: i32, %arg1: memref<1x2000x128xf32, #tpu.memory_space<vmem>>, %arg2: memref<1x2000x128xf32, #tpu.memory_space<vmem>>, %arg3: memref<2000x128xf32, #tpu.memory_space<vmem>>, %arg4: memref<128x128xf32, #tpu.memory_space<vmem>>, %arg5: memref<1x128xf32, #tpu.memory_space<vmem>>, %arg6: memref<128x128xf32, #tpu.memory_space<vmem>>, %arg7: memref<1x128xf32, #tpu.memory_space<vmem>>, %arg8: memref<2000x128xf32, #tpu.memory_space<vmem>>) attributes {dimension_semantics = [#tpu.dimension_semantics<arbitrary>], iteration_bounds = array<i64: 5>, scalar_prefetch = 0 : i64, scratch_operands = 0 : i64, tpu.core_type = #tpu.core_type<tc>, window_params = [{transform_indices = @transform_0, window_bounds = array<i64: 1, 2000, 128>}, {transform_indices = @transform_1, window_bounds = array<i64: 1, 2000, 128>}, {transform_indices = @transform_2, window_bounds = array<i64: 2000, 128>}, {pipeline_mode = #tpu.pipeline_mode<synchronous>, transform_indices = @transform_3, window_bounds = array<i64: 128, 128>}, {pipeline_mode = #tpu.pipeline_mode<synchronous>, transform_indices = @transform_4, window_bounds = array<i64: 1, 128>}, {pipeline_mode = #tpu.pipeline_mode<synchronous>, transform_indices = @transform_5, window_bounds = array<i64: 128, 128>}, {pipeline_mode = #tpu.pipeline_mode<synchronous>, transform_indices = @transform_6, window_bounds = array<i64: 1, 128>}, {transform_indices = @transform_7, window_bounds = array<i64: 2000, 128>}]} {
    %get3A = arith.constant 0 : index
    %get3A_0 = arith.constant 0 : index
    %get3A_1 = arith.constant 0 : index
    %get3A_2 = vector.load %arg1[%get3A, %get3A_0, %get3A_1] : memref<1x2000x128xf32, #tpu.memory_space<vmem>>, vector<1x2000x128xf32>
    %get3A_3 = vector.shape_cast %get3A_2 : vector<1x2000x128xf32> to vector<2000x128xf32>
    %get3A_4 = arith.constant 0 : index
    %get3A_5 = arith.constant 0 : index
    %get3A_6 = arith.constant 0 : index
    %get3A_7 = vector.load %arg2[%get3A_4, %get3A_5, %get3A_6] : memref<1x2000x128xf32, #tpu.memory_space<vmem>>, vector<1x2000x128xf32>
    %get3A_8 = vector.shape_cast %get3A_7 : vector<1x2000x128xf32> to vector<2000x128xf32>
    %add3A = arith.addf %get3A_3, %get3A_8 : vector<2000x128xf32>
    %get3A_9 = arith.constant 0 : index
    %get3A_10 = arith.constant 0 : index
    %get3A_11 = vector.load %arg3[%get3A_9, %get3A_10] : memref<2000x128xf32, #tpu.memory_space<vmem>>, vector<2000x128xf32>
    %sub3A = arith.subf %add3A, %get3A_11 : vector<2000x128xf32>
    %get3A_12 = arith.constant 0 : index
    %get3A_13 = arith.constant 0 : index
    %get3A_14 = vector.load %arg4[%get3A_12, %get3A_13] : memref<128x128xf32, #tpu.memory_space<vmem>>, vector<128x128xf32>
    %dot_general3A = arith.constant dense<0.000000e+00> : vector<2000x128xf32>
    %dot_general3A_15 = tpu.matmul %sub3A, %get3A_14, %dot_general3A {dimension_numbers = #tpu.dot_dimension_numbers<[1], [0], [0], [1], [0, 0, 1, 1], [], []>, transpose_lhs_hint = false} : vector<2000x128xf32>, vector<128x128xf32>, vector<2000x128xf32> -> vector<2000x128xf32>
    %get3A_16 = arith.constant 0 : index
    %get3A_17 = arith.constant 0 : index
    %get3A_18 = vector.load %arg5[%get3A_16, %get3A_17] : memref<1x128xf32, #tpu.memory_space<vmem>>, vector<1x128xf32>
    %add3A_19 = vector.broadcast %get3A_18 : vector<1x128xf32> to vector<2000x128xf32>
    %add3A_20 = arith.addf %dot_general3A_15, %add3A_19 : vector<2000x128xf32>
    %max3A = arith.constant 0.000000e+00 : f32
    %max3A_21 = vector.broadcast %max3A : f32 to vector<2000x128xf32>
    %max3A_22 = arith.maximumf %add3A_20, %max3A_21 : vector<2000x128xf32>
    %get3A_23 = arith.constant 0 : index
    %get3A_24 = arith.constant 0 : index
    %get3A_25 = vector.load %arg6[%get3A_23, %get3A_24] : memref<128x128xf32, #tpu.memory_space<vmem>>, vector<128x128xf32>
    %dot_general3A_26 = arith.constant dense<0.000000e+00> : vector<2000x128xf32>
    %dot_general3A_27 = tpu.matmul %max3A_22, %get3A_25, %dot_general3A_26 {dimension_numbers = #tpu.dot_dimension_numbers<[1], [0], [0], [1], [0, 0, 1, 1], [], []>, transpose_lhs_hint = false} : vector<2000x128xf32>, vector<128x128xf32>, vector<2000x128xf32> -> vector<2000x128xf32>
    %get3A_28 = arith.constant 0 : index
    %get3A_29 = arith.constant 0 : index
    %get3A_30 = vector.load %arg7[%get3A_28, %get3A_29] : memref<1x128xf32, #tpu.memory_space<vmem>>, vector<1x128xf32>
    %add3A_31 = vector.broadcast %get3A_30 : vector<1x128xf32> to vector<2000x128xf32>
    %add3A_32 = arith.addf %dot_general3A_27, %add3A_31 : vector<2000x128xf32>
    %max3A_33 = arith.constant 0.000000e+00 : f32
    %max3A_34 = vector.broadcast %max3A_33 : f32 to vector<2000x128xf32>
    %max3A_35 = arith.maximumf %add3A_32, %max3A_34 : vector<2000x128xf32>
    %swap3A = arith.constant 0 : index
    %swap3A_36 = arith.constant 0 : index
    %swap3A_37 = vector.load %arg8[%swap3A, %swap3A_36] : memref<2000x128xf32, #tpu.memory_space<vmem>>, vector<2000x128xf32>
    tpu.vector_store %arg8[%swap3A, %swap3A_36], %max3A_35 {strides = array<i32>} : memref<2000x128xf32, #tpu.memory_space<vmem>>, vector<2000x128xf32>,
    return
  }
  func.func @transform_0(%arg0: i32) -> (i32, i32, i32) {
    %c0_i32 = arith.constant 0 : i32
    %c0_i32_0 = arith.constant 0 : i32
    %c0_i32_1 = arith.constant 0 : i32
    return %c0_i32, %arg0, %c0_i32_0 : i32, i32, i32
  }
  func.func @transform_1(%arg0: i32) -> (i32, i32, i32) {
    %c1_i32 = arith.constant 1 : i32
    %c0_i32 = arith.constant 0 : i32
    %c0_i32_0 = arith.constant 0 : i32
    return %c1_i32, %arg0, %c0_i32 : i32, i32, i32
  }
  func.func @transform_2(%arg0: i32) -> (i32, i32) {
    %c0_i32 = arith.constant 0 : i32
    %c0_i32_0 = arith.constant 0 : i32
    return %arg0, %c0_i32 : i32, i32
  }
  func.func @transform_3(%arg0: i32) -> (i32, i32) {
    %c0_i32 = arith.constant 0 : i32
    %c0_i32_0 = arith.constant 0 : i32
    %c0_i32_1 = arith.constant 0 : i32
    return %c0_i32, %c0_i32_0 : i32, i32
  }
  func.func @transform_4(%arg0: i32) -> (i32, i32) {
    %c0_i32 = arith.constant 0 : i32
    %c0_i32_0 = arith.constant 0 : i32
    %c0_i32_1 = arith.constant 0 : i32
    return %c0_i32, %c0_i32_0 : i32, i32
  }
  func.func @transform_5(%arg0: i32) -> (i32, i32) {
    %c0_i32 = arith.constant 0 : i32
    %c0_i32_0 = arith.constant 0 : i32
    %c0_i32_1 = arith.constant 0 : i32
    return %c0_i32, %c0_i32_0 : i32, i32
  }
  func.func @transform_6(%arg0: i32) -> (i32, i32) {
    %c0_i32 = arith.constant 0 : i32
    %c0_i32_0 = arith.constant 0 : i32
    %c0_i32_1 = arith.constant 0 : i32
    return %c0_i32, %c0_i32_0 : i32, i32
  }
  func.func @transform_7(%arg0: i32) -> (i32, i32) {
    %c0_i32 = arith.constant 0 : i32
    %c0_i32_0 = arith.constant 0 : i32
    return %arg0, %c0_i32 : i32, i32
  }
}

</mosaic_0001>

<sc_bundles>
// kernel: kernel.6.cloned.1.call-start
scs
__scs_entry_jumppad:
0x0: {  	(pc) =	sbr.rel $0x88, $3  }
0x1: {  	(tag) =	ssettag $0x0;
	lr =	simm.s32 $0x1  }
0x2: {  	[smem:$0x3F94] =	sst lr;
	_ =	strace $0xD0000000  }
0x3: {  	_ = 	snop  }
0x4: {  	_ = 	snop  }
0x5: {  	_ = 	snop  }
0x6: {  	_ = 	snop  }
0x7: {  	_ = 	snop  }
__scs_overlays_trampoline_lowered:
0x8: {  	[smem:$0x3FA3] =	sst s0  }
0x9: {  	[smem:$0x3FA4] =	sst s1  }
0xa: {  	[smem:$0x3FA5] =	sst s2  }
0xb: {  	[smem:$0x3FA6] =	sst s3  }
0xc: {  	[smem:$0x3FA7] =	sst s4  }
0xd: {  	[smem:$0x3FA8] =	sst s5  }
0xe: {  	[smem:$0x3FA9] =	sst s6  }
0xf: {  	[smem:$0x3FAA] =	sst s7  }
0x10: {  	[smem:$0x3FAB] =	sst s8  }
0x11: {  	[smem:$0x3FAC] =	sst s9;
	s0 =	simm.s32 @!p0 $0x0  }
0x12: {  	s1 =	sld [smem:$0x3F92];
	s0 =	simm.s32 @p0 $0x1  }
0x13: {  	[smem:$0x3FAD] =	sst s0;
	s0 =	simm.s32 @!p1 $0x0  }
0x14: {  	s2 =	sld [smem:$0x3F91];
	s0 =	simm.s32 @p1 $0x1  }
0x15: {  	[smem:$0x3FAE] =	sst s0;
	s0 =	simm.s32 @!p2 $0x0  }
0x16: {  	s3 =	sld [smem:$0x3FDB];
	s0 =	simm.s32 @p2 $0x1  }
0x17: {  	s4 =	simm.s32 $0x1BF5;
	[smem:$0x3FB0] =	sst s0  }
0x18: {  	s0 =	sld [smem:$0x3F93];
	_ =	swait.ge [sflag:s4], $0x0  }
0x19: {  	s7 =	sld [smem:$0x3F94]  }
0x1a: {  	s8 =	sadd.s32 $0xFFFFE003, lr  }
0x1b: {  	s9 =	sadd.s32 $0xFFFFFEF7, lr;
	s5 =	simm.s32 $0xFFFFFFFF;
	p2 =	slt.u32 s8, $0xFFFFF086  }
0x1c: {  	p1 =	slt.u32 s9, $0xF7A;
	s5 =	simm.s32 @!p2 $0x0  }
0x1d: {  	s5 =	simm.s32 @p1 $0x1;
	p0 =	seq.s32 s7, s2  }
0x1e: {  	s7 =	smul.u32 @!p0 $0xF7A, s2;
	p2 =	seq.s32 @!p0 s5, $0x0  }
0x1f: {  	s9 =	smul.u32 $0xF7A, s1;
	s8 =	simm.s32 @!p0 $0x1BF5;
	p2 =	por !p2, p0  }
0x20: {  	[sflag:s8] =	ssyncset.s32 @!p0 $0xFFFFF086;
	s6 =	sadd.s32 @!p0 s3, s7;
	s7 =	simm.s32 @!p0 $0x108  }
0x21: {  	s3 =	sadd.s32 s3, s9;
	s6 =	sadd.s32 @!p0 $0x88, s6;
	s7 =	simm.s32 @p2 $0x1082  }
0x22: {  	[simem:s7], [sflag:s8] =	dma.local @!p0 [hbm:s6], $0xF7A  }
0x23: {  	s9 =	sor.u32 $0xD0000000, s2;
	s6 =	simm.s32 $0x108;
	_ =	swait.ge @!p0 [sflag:s8], $0x0  }
0x24: {  	s3 =	sadd.s32 $0x88, s3;
	s6 =	simm.s32 @!p1 $0x1082;
	[sflag:s4] =	ssyncset.s32 $0xFFFFF086  }
0x25: {  	[simem:s6], [sflag:s4] =	dma.local [hbm:s3], $0xF7A  }
0x26: {  	[smem:$0x3F94] =	sst s1;
	(tag) =	ssettag s2;
	_ =	strace s9  }
0x27: {  	s1 =	sld [smem:$0x3FA4]  }
0x28: {  	s2 =	sld [smem:$0x3FA5]  }
0x29: {  	s4 =	sld [smem:$0x3FA7]  }
0x2a: {  	p0 =	seq.s32 s5, $0x0;
	s5 =	sld [smem:$0x3FA8]  }
0x2b: {  	s6 =	sld [smem:$0x3FA9]  }
0x2c: {  	s7 =	sld [smem:$0x3FAA]  }
0x2d: {  	s3 =	simm.s32 $0x108;
	s8 =	sld [smem:$0x3FAB]  }
0x2e: {  	s3 =	simm.s32 @!p0 $0x1082;
	s9 =	sld [smem:$0x3FAC]  }
0x2f: {  	lr =	sadd.s32 s0, s3;
	s0 =	sld [smem:$0x3FA3]  }
0x30: {  	s3 =	sld [smem:$0x3FA6]  }
0x31: {  	[smem:$0x3FAF] =	sst s10  }
0x32: {  	s10 =	sld [smem:$0x3FAD];
	_ =	sdelay $0x3  }
0x33: {  	p0 =	seq.s32 s10, $0x1;
	s10 =	sld [smem:$0x3FAF];
	_ =	sdelay $0x3  }
0x34: {  	[smem:$0x3FAF] =	sst s10  }
0x35: {  	s10 =	sld [smem:$0x3FAE];
	_ =	sdelay $0x3  }
0x36: {  	p1 =	seq.s32 s10, $0x1;
	s10 =	sld [smem:$0x3FAF];
	_ =	sdelay $0x3  }
0x37: {  	[smem:$0x3FAF] =	sst s10  }
0x38: {  	s10 =	sld [smem:$0x3FB0]  }
0x39: {  	_ = 	snop;
	(pc) =	sbr.ind lr, $3  }
0x3a: {  	_ = 	snop  }
0x3b: {  	_ = 	snop  }
0x3c: {  	p2 =	seq.s32 s10, $0x1;
	s10 =	sld [smem:$0x3FAF]  }
0x3d: {  	_ =	shalt  }
0x3e: {  	_ =	shalt  }
0x3f: {  	_ =	shalt  }
0x40: {  	_ =	shalt  }
0x41: {  	_ =	shalt  }
0x42: {  	_ =	shalt  }
0x43: {  	_ =	shalt  }
0x44: {  	_ =	shalt  }
0x45: {  	_ =	shalt  }
0x46: {  	_ =	shalt  }
0x47: {  	_ =	shalt  }
0x48: {  	_ =	shalt  }
0x49: {  	_ =	shalt  }
0x4a: {  	_ =	shalt  }
0x4b: {  	_ =	shalt  }
0x4c: {  	_ =	shalt  }
0x4d: {  	_ =	shalt  }
0x4e: {  	_ =	shalt  }
0x4f: {  	_ =	shalt  }
0x50: {  	_ =	shalt  }
0x51: {  	_ =	shalt  }
0x52: {  	_ =	shalt  }
0x53: {  	_ =	shalt  }
0x54: {  	_ =	shalt  }
0x55: {  	_ =	shalt  }
0x56: {  	_ =	shalt  }
0x57: {  	_ =	shalt  }
0x58: {  	_ =	shalt  }
0x59: {  	_ =	shalt  }
0x5a: {  	_ =	shalt  }
0x5b: {  	_ =	shalt  }
0x5c: {  	_ =	shalt  }
0x5d: {  	_ =	shalt  }
0x5e: {  	_ =	shalt  }
0x5f: {  	_ =	shalt  }
0x60: {  	_ =	shalt  }
0x61: {  	_ =	shalt  }
0x62: {  	_ =	shalt  }
0x63: {  	_ =	shalt  }
0x64: {  	_ =	shalt  }
0x65: {  	_ =	shalt  }
0x66: {  	_ =	shalt  }
0x67: {  	_ =	shalt  }
0x68: {  	_ =	shalt  }
0x69: {  	_ =	shalt  }
0x6a: {  	_ =	shalt  }
0x6b: {  	_ =	shalt  }
0x6c: {  	_ =	shalt  }
0x6d: {  	_ =	shalt  }
0x6e: {  	_ =	shalt  }
0x6f: {  	_ =	shalt  }
0x70: {  	_ =	shalt  }
0x71: {  	_ =	shalt  }
0x72: {  	_ =	shalt  }
0x73: {  	_ =	shalt  }
0x74: {  	_ =	shalt  }
0x75: {  	_ =	shalt  }
0x76: {  	_ =	shalt  }
0x77: {  	_ =	shalt  }
0x78: {  	_ =	shalt  }
0x79: {  	_ =	shalt  }
0x7a: {  	_ =	shalt  }
0x7b: {  	_ =	shalt  }
0x7c: {  	_ =	shalt  }
0x7d: {  	_ =	shalt  }
0x7e: {  	_ =	shalt  }
0x7f: {  	_ =	shalt  }
0x80: {  	_ =	shalt  }
0x81: {  	_ =	shalt  }
0x82: {  	_ =	shalt  }
0x83: {  	_ =	shalt  }
0x84: {  	_ =	shalt  }
0x85: {  	_ =	shalt  }
0x86: {  	_ =	shalt  }
0x87: {  	_ =	shalt  }
.Lfunc_end0:
.L_simem_size_0:
called_computation_lowered:
.L_overlay_start_0:
0x88: {  	s2 =	sld [smem:$0x3FD9]  }
0x89: {  	s3 =	sld [smem:$0x3FFE];
	_ =	sdelay $0x1  }
0x8a: {  	s1 =	srdreg.scid  }
0x8b: {  	s0 =	sand.u32 $0x1, s1  }
0x8c: {  	s17 =	sshll.u32 s0, $0xA;
	s2 =	sadd.s32 s3, s2  }
0x8d: {  	s2 =	sadd.s32 s2, s17  }
0x8e: {  	[smem:$0x3FBB] =	sst s2  }
0x8f: {  	_ = 	snop  }
0x90: {  	s2 =	sld [smem:$0x3FC9];
	(tm) =	ssettm $0x1  }
0x91: {  	s18 =	sld [smem:$0x3FFB];
	_ =	sdelay $0x3  }
0x92: {  	_ =	strace s18  }
0x93: {  	s3 =	sld [smem:$0x3FFC];
	_ =	sdelay $0x3  }
0x94: {  	_ =	strace s3  }
0x95: {  	s3 =	sld [smem:$0x3FFD];
	_ =	sdelay $0x3  }
0x96: {  	_ =	strace s3  }
0x97: {  	_ =	strace $0x8FFFFFFF  }
0x98: {  	s19 =	sld [smem:$0x3FDB];
	_ =	sdelay $0x1  }
0x99: {  	s4 =	simm.s32 $_scs_section_size  }
0x9a: {  	s5 =	simm.s32 $_size__tile_overlayer_lowered;
	s6 =	simm.s32 $_tile_overlayer_lowered  }
0x9b: {  	s22 =	simm.s32 $0x1BFF;
	s21 =	sshll.u32 s6, $0x1;
	s3 =	sadd.s32 s4, s19  }
0x9c: {  	s7 =	simm.s32 $0x0;
	s20 =	sshll.u32 s5, $0x1;
	s5 =	sadd.s32 s21, s3  }
0x9d: {  	[timem:s7], [sflag:s22] =	dma.local [hbm:s5], s20  }
0x9e: {  	_ =	swait.ge [sflag:s22], s20  }
0x9f: {  	s4 =	ssub.s32 $0x0, s20;
	[sflag:s22] =	ssyncset.done $0x0  }
0xa0: {  	[sflag:s22] =	ssyncadd.s32 s4;
	_ =	sdelay $0x1  }
0xa1: {  	s23 =	simm.s32 $0x1B8B  }
0xa2: {  	_ =	swait.ge [sflag:s23], $0x1  }
0xa3: {  	[sflag:s23] =	ssyncset.done $0x0  }
0xa4: {  	s25 =	simm.s32 $0x1B8E;
	s24 =	sld [smem:$0x3FFE];
	[sflag:s23] =	ssyncadd.s32 $0xFFFFFFFF  }
0xa5: {  	s26 =	simm.s32 $execute0_lowered;
	[smem:$0x3FD2] =	sst s25  }
0xa6: {  	s5 =	sshll.u32 s26, $0x1;
	_ =	strace $0x80000046;
	[dreg:$0x1] =	wrdreg $0xFFFFFFFF  }
0xa7: {  	s28 =	simm.s32 $_size_execute0_lowered;
	s3 =	sadd.s32 s3, s5;
	[dreg:$0x0] =	wrdreg $0x0  }
0xa8: {  	s5 =	sshll.u32 s28, $0x1;
	[dreg:$0x2] =	wrdreg s3  }
0xa9: {  	[dreg:$0x3] =	wrdreg s5  }
0xaa: {  	[dreg:$0x4] =	wrdreg $0xC0  }
0xab: {  	_ =	task [dreg:s7], $0x5FFFF  }
0xac: {  	[dreg:$0x1] =	wrdreg $0xFFFFFFFF  }
0xad: {  	[dreg:$0x0] =	wrdreg $0x60  }
0xae: {  	[dreg:$0x2] =	wrdreg s2  }
0xaf: {  	[dreg:$0x3] =	wrdreg s24  }
0xb0: {  	[dreg:$0x4] =	wrdreg $0x0  }
0xb1: {  	[dreg:$0x5] =	wrdreg $0x9  }
0xb2: {  	_ =	task.clear_ibuf [dreg:s7], $0x6FFFF;
	_ =	strace $0x90000046  }
0xb3: {  	s29 =	simm.s32 $0x9;
	_ =	strace $0x80000048  }
0xb4: {  	_ =	swait.ge [sflag:s29], $0x1  }
0xb5: {  	[sflag:s29] =	ssyncadd.s32 $0xFFFFFFFF  }
0xb6: {  	_ =	strace $0x90000048  }
0xb7: {  	_ =	sfence  }
0xb8: {  	s30 =	sld [smem:$0x0];
	_ =	sdelay $0x2  }
0xb9: {  	s31 =	sshll.u32 s1, $0xD;
	s1 =	sshrl.u32 s1, $0x2  }
0xba: {  	s3 =	sand.u32 $0x4000, s31;
	s1 =	sadd.s32 s1, s30  }
0xbb: {  	s0 =	sor.u32 s3, s0;
	s1 =	sshll.u32 s1, $0x11  }
0xbc: {  	s0 =	sor.u32 s1, s0  }
0xbd: {  	s0 =	sadd.s32 $0x8F2B, s0  }
0xbe: {  	[sflag:s0] =	ssyncadd.remote.s32 $0x1  }
0xbf: {  	_ =	sfence.sel $0xFFFF  }
0xc0: {  	[dreg:$0x0] =	wrdreg $0xFFFFFFFF;
	(pc) =	sbr.abs _section_cstart, $3  }
0xc1: {  	[dreg:$0x1] =	wrdreg $0xFFFFFFFF  }
0xc2: {  	_ =	task.clear_ibuf [dreg:s7], $0x2FFFF;
	_ =	strace $0x9FFFFFFF  }
0xc3: {  	(tm) =	ssettm $0x7FFFFFFF  }
tec
execute0_lowered:
.L_overlay_start_1:
0x0: {  	(tag) =	ssettag $0x1  }
0x1: {  	s0 =	rddreg [dreg:$0x0]  }
0x2: {  	s1 =	rddreg [dreg:$0x1];
	s3 =	srdreg.scid  }
0x3: {  	s2 =	rddreg [dreg:$0x2];
	s8 =	stileid.u32  }
0x4: {  	s6 =	simm.s32 $0x0;
	s15 =	simm.s32 $0xD;
	s16 =	simm.s32 $0x28  }
0x5: {  	s28 =	simm.s32 $0x1;
	s30 =	simm.s32 $0x1EAA0;
	s31 =	simm.s32 $0x2  }
0x6: {  	s29 =	simm.s32 $0xA;
	s3 =	sand.u32 $0x1, s3;
	s5 =	smul.u32 $0x2710, s8  }
0x7: {  	[smem:$0x7FF] =	sst s6;
	s7 =	smul.u32 $0x13800, s8;
	s23 =	sadd.s32 $0x138000, s2  }
0x8: {  	s25 =	sadd.s32 $0x27000, s0;
	p0 =	sne.s32 s8, $0x0;
	s6 =	simm.s32 $0xC  }
0x9: {  	s4 =	smul.u32 $0x27100, s3;
	_ =	strace $0x80000047;
	[dreg:$0x8] =	wrdreg s23  }
0xa: {  	s17 =	ssub.s32 $0x2, s3;
	s3 =	smul.u32 $0x138800, s3;
	[dreg:$0x9] =	wrdreg s25  }
0xb: {  	s23 =	simm.s32 $0x1C2A0;
	s25 =	simm.s32 $0x1D6A0;
	s18 =	sshrl.u32 s17, $0x1  }
0xc: {  	s20 =	sshrl.u32 s7, $0x3;
	s21 =	sadd.s32 s7, s2;
	s4 =	sadd.s32 s5, s4  }
0xd: {  	s5 =	ssub.s32 s17, s18;
	[dreg:$0x6] =	wrdreg s21;
	s22 =	sadd.s32 s0, s20  }
0xe: {  	s24 =	sadd.s32 s7, s3;
	s3 =	sshrl.u32 s3, $0x3;
	s17 =	simm.s32 $0x186A0  }
0xf: {  	s21 =	simm.s32 $0x1AEA0;
	s20 =	simm.s32 $0x3;
	s18 =	simm.s32 $0x5  }
0x10: {  	s7 =	simm.s32 $0x0;
	s4 =	sshrl.u32 s4, $0x3;
	[dreg:$0x7] =	wrdreg s22  }
0x11: {  	s13 =	smax.u32 s5, $0x1;
	s22 =	simm.s32 $0x9;
	s4 =	sadd.s32 s4, s1  }
0x12: {  	s5 =	simm.s32 $0xB;
	s1 =	sadd.s32 $0x16800, s1;
	s19 =	sadd.s32 $0x2E00, s4  }
0x13: {  	s4 =	sadd.s32 $0xCA40, s4;
	s3 =	sadd.s32 s1, s3;
	[dreg:$0x4] =	wrdreg s19  }
0x14: {  	[dreg:$0x5] =	wrdreg s4;
	s4 =	sshrl.u32 s24, $0x3;
	s26 =	sadd.s32 $0x27000, s3  }
0x15: {  	s19 =	simm.s32 $0x19AA0;
	s3 =	simm.s32 $0x7;
	s24 =	simm.s32 $0x8  }
0x16: {  	s1 =	sadd.s32 s1, s4;
	[dreg:$0xb] =	wrdreg s26;
	s26 =	simm.s32 $0x15F90  }
0x17: {  	s4 =	simm.s32 $0x6;
	[dreg:$0xa] =	wrdreg s1;
	s1 =	simm.s32 $0x4  }
.LBB2_1:
0x18: {  	s8 =	simm.s32 $0x0;
	s9 =	rddreg [dreg:$0x4];
	s10 =	simm.s32 $0x13880  }
0x19: {  	[tilespmem:s10], [sflag:$0xD] =	stream.linear.gather [hbm4b:s9+s8], $0x2710, $0x38;
	[tilespmem:$0x1FEA0] =	vst v63  }
0x1a: {  	_ =	swait.ge [sflag:s15], $0x2710  }
0x1b: {  	[sflag:s15] =	ssyncset.done $0x0  }
0x1c: {  	[sflag:s15] =	ssyncadd.s32 $0xFFFFD8F0  }
0x1d: {  	[tilespmem:s17], [sflag:$0x1] =	stream.indirect.gather [hbm4b:s0+s16], $0x80, s10, s16, $0xb8;
	[tilespmem:$0x1FEA0] =	vst v63  }
0x1e: {  	s14 =	simm.s32 $0x138A8  }
0x1f: {  	[tilespmem:s19], [sflag:$0x2] =	stream.indirect.gather [hbm4b:s0+s16], $0x80, s14, s16, $0xb8;
	[tilespmem:$0x1FEA0] =	vst v63  }
0x20: {  	s10 =	simm.s32 $0x138D0  }
0x21: {  	[tilespmem:s21], [sflag:$0x3] =	stream.indirect.gather [hbm4b:s0+s16], $0x80, s10, s16, $0xb8;
	[tilespmem:$0x1FEA0] =	vst v63  }
0x22: {  	s11 =	simm.s32 $0x138F8  }
0x23: {  	[tilespmem:s23], [sflag:$0x4] =	stream.indirect.gather [hbm4b:s0+s16], $0x80, s11, s16, $0xb8;
	[tilespmem:$0x1FEA0] =	vst v63  }
0x24: {  	s12 =	simm.s32 $0x13920  }
0x25: {  	[tilespmem:s25], [sflag:$0x5] =	stream.indirect.gather [hbm4b:s0+s16], $0x80, s12, s16, $0xb8;
	[tilespmem:$0x1FEA0] =	vst v63  }
0x26: {  	s9 =	stileid.u32;
	s14 =	rddreg [dreg:$0x5]  }
0x27: {  	[tilespmem:s26], [sflag:$0xD] =	stream.linear.gather [hbm4b:s14+s8], $0x2710, $0x38;
	[tilespmem:$0x1FEA0] =	vst v63  }
0x28: {  	s8 =	sshll.u32 s9, $0x6;
	_ =	swait.ge [sflag:s15], $0x2710  }
0x29: {  	s8 =	sor.u32 $0x1C0D, s8;
	[sflag:s15] =	ssyncset.done $0x0;
	s10 =	rddreg [dreg:$0x6]  }
0x2a: {  	s11 =	rddreg [dreg:$0x7];
	[sflag:s15] =	ssyncadd.s32 $0xFFFFD8F0;
	s9 =	sshrl.u32 s10, $0x3  }
0x2b: {  	[spmem:s9], [sflag:s8] =	dma.local [hbm:s11], $0x2700  }
0x2c: {  	_ =	swait.ge [sflag:s15], $0x2700  }
0x2d: {  	[sflag:s15] =	ssyncset.done $0x0;
	s10 =	rddreg [dreg:$0x8]  }
0x2e: {  	s11 =	rddreg [dreg:$0x9];
	[sflag:s15] =	ssyncadd.s32 $0xFFFFD900;
	s10 =	sshrl.u32 @!p0 s10, $0x3  }
0x2f: {  	[spmem:s10], [sflag:s8] =	dma.local @!p0 [hbm:s11], $0x100  }
0x30: {  	s11 =	simm.s32 @!p0 $0xD  }
0x31: {  	_ =	swait.ge @!p0 [sflag:s11], $0x100  }
0x32: {  	[sflag:s11] =	ssyncset.done @!p0 $0x0  }
0x33: {  	[sflag:s11] =	ssyncadd.s32 @!p0 $0xFFFFFF00  }
0x34: {  	[bflag:$0x0] =	sbarrier.arrive $0xFFFF  }
0x35: {  	_ =	swait.ge [sflag:s28], $0x1400  }
0x36: {  	[sflag:s28] =	ssyncset.done $0x0  }
0x37: {  	[sflag:s28] =	ssyncadd.s32 $0xFFFFEC00  }
0x38: {  	[spmem:s2] =	stream.indirect.scatter.add.f32 [tilespmem:s17], [sflag:$0x7], $0x80, s26, s16, $0xb8;
	[tilespmem:$0x1FEA0] =	vst v63  }
0x39: {  	s12 =	simm.s32 $0x13948  }
0x3a: {  	[tilespmem:s30], [sflag:$0x6] =	stream.indirect.gather [hbm4b:s0+s16], $0x80, s12, s16, $0xb8;
	[tilespmem:$0x1FEA0] =	vst v63  }
0x3b: {  	_ =	swait.ge [sflag:s31], $0x1400  }
0x3c: {  	[sflag:s31] =	ssyncset.done $0x0  }
0x3d: {  	s14 =	simm.s32 $0x15FB8;
	[sflag:s31] =	ssyncadd.s32 $0xFFFFEC00  }
0x3e: {  	[spmem:s2] =	stream.indirect.scatter.add.f32 [tilespmem:s19], [sflag:$0x8], $0x80, s14, s16, $0xb8;
	[tilespmem:$0x1FEA0] =	vst v63  }
0x3f: {  	_ =	swait.ge [sflag:s3], $0x1400  }
0x40: {  	[sflag:s3] =	ssyncset.done $0x0  }
0x41: {  	s12 =	simm.s32 $0x13970;
	[sflag:s3] =	ssyncadd.s32 $0xFFFFEC00  }
0x42: {  	[tilespmem:s17], [sflag:$0x1] =	stream.indirect.gather [hbm4b:s0+s16], $0x80, s12, s16, $0xb8;
	[tilespmem:$0x1FEA0] =	vst v63  }
0x43: {  	_ =	swait.ge [sflag:s20], $0x1400  }
0x44: {  	[sflag:s20] =	ssyncset.done $0x0  }
0x45: {  	s14 =	simm.s32 $0x15FE0;
	[sflag:s20] =	ssyncadd.s32 $0xFFFFEC00  }
0x46: {  	[spmem:s2] =	stream.indirect.scatter.add.f32 [tilespmem:s21], [sflag:$0x9], $0x80, s14, s16, $0xb8;
	[tilespmem:$0x1FEA0] =	vst v63  }
0x47: {  	_ =	swait.ge [sflag:s24], $0x1400  }
0x48: {  	[sflag:s24] =	ssyncset.done $0x0  }
0x49: {  	s12 =	simm.s32 $0x13998;
	[sflag:s24] =	ssyncadd.s32 $0xFFFFEC00  }
0x4a: {  	[tilespmem:s19], [sflag:$0x2] =	stream.indirect.gather [hbm4b:s0+s16], $0x80, s12, s16, $0xb8;
	[tilespmem:$0x1FEA0] =	vst v63  }
0x4b: {  	_ =	swait.ge [sflag:s1], $0x1400  }
0x4c: {  	[sflag:s1] =	ssyncset.done $0x0  }
0x4d: {  	s14 =	simm.s32 $0x16008;
	[sflag:s1] =	ssyncadd.s32 $0xFFFFEC00  }
0x4e: {  	[spmem:s2] =	stream.indirect.scatter.add.f32 [tilespmem:s23], [sflag:$0xA], $0x80, s14, s16, $0xb8;
	[tilespmem:$0x1FEA0] =	vst v63  }
0x4f: {  	_ =	swait.ge [sflag:s22], $0x1400  }
0x50: {  	[sflag:s22] =	ssyncset.done $0x0  }
0x51: {  	s12 =	simm.s32 $0x139C0;
	[sflag:s22] =	ssyncadd.s32 $0xFFFFEC00  }
0x52: {  	[tilespmem:s21], [sflag:$0x3] =	stream.indirect.gather [hbm4b:s0+s16], $0x80, s12, s16, $0xb8;
	[tilespmem:$0x1FEA0] =	vst v63  }
0x53: {  	_ =	swait.ge [sflag:s18], $0x1400  }
0x54: {  	[sflag:s18] =	ssyncset.done $0x0  }
0x55: {  	s14 =	simm.s32 $0x16030;
	[sflag:s18] =	ssyncadd.s32 $0xFFFFEC00  }
0x56: {  	[spmem:s2] =	stream.indirect.scatter.add.f32 [tilespmem:s25], [sflag:$0xB], $0x80, s14, s16, $0xb8;
	[tilespmem:$0x1FEA0] =	vst v63  }
0x57: {  	_ =	swait.ge [sflag:s29], $0x1400  }
0x58: {  	[sflag:s29] =	ssyncset.done $0x0  }
0x59: {  	s12 =	simm.s32 $0x139E8;
	[sflag:s29] =	ssyncadd.s32 $0xFFFFEC00  }
0x5a: {  	[tilespmem:s23], [sflag:$0x4] =	stream.indirect.gather [hbm4b:s0+s16], $0x80, s12, s16, $0xb8;
	[tilespmem:$0x1FEA0] =	vst v63  }
0x5b: {  	_ =	swait.ge [sflag:s4], $0x1400  }
0x5c: {  	[sflag:s4] =	ssyncset.done $0x0  }
0x5d: {  	s14 =	simm.s32 $0x16058;
	[sflag:s4] =	ssyncadd.s32 $0xFFFFEC00  }
0x5e: {  	[spmem:s2] =	stream.indirect.scatter.add.f32 [tilespmem:s30], [sflag:$0xC], $0x80, s14, s16, $0xb8;
	[tilespmem:$0x1FEA0] =	vst v63  }
0x5f: {  	_ =	swait.ge [sflag:s5], $0x1400  }
0x60: {  	[sflag:s5] =	ssyncset.done $0x0  }
0x61: {  	s12 =	simm.s32 $0x13A10;
	[sflag:s5] =	ssyncadd.s32 $0xFFFFEC00  }
0x62: {  	[tilespmem:s25], [sflag:$0x5] =	stream.indirect.gather [hbm4b:s0+s16], $0x80, s12, s16, $0xb8;
	[tilespmem:$0x1FEA0] =	vst v63  }
0x63: {  	_ =	swait.ge [sflag:s28], $0x1400  }
0x64: {  	[sflag:s28] =	ssyncset.done $0x0  }
0x65: {  	s14 =	simm.s32 $0x16080;
	[sflag:s28] =	ssyncadd.s32 $0xFFFFEC00  }
0x66: {  	[spmem:s2] =	stream.indirect.scatter.add.f32 [tilespmem:s17], [sflag:$0x7], $0x80, s14, s16, $0xb8;
	[tilespmem:$0x1FEA0] =	vst v63  }
0x67: {  	_ =	swait.ge [sflag:s6], $0x1400  }
0x68: {  	[sflag:s6] =	ssyncset.done $0x0  }
0x69: {  	s12 =	simm.s32 $0x13A38;
	[sflag:s6] =	ssyncadd.s32 $0xFFFFEC00  }
0x6a: {  	[tilespmem:s30], [sflag:$0x6] =	stream.indirect.gather [hbm4b:s0+s16], $0x80, s12, s16, $0xb8;
	[tilespmem:$0x1FEA0] =	vst v63  }
0x6b: {  	_ =	swait.ge [sflag:s31], $0x1400  }
0x6c: {  	[sflag:s31] =	ssyncset.done $0x0  }
0x6d: {  	s14 =	simm.s32 $0x160A8;
	[sflag:s31] =	ssyncadd.s32 $0xFFFFEC00  }
0x6e: {  	[spmem:s2] =	stream.indirect.scatter.add.f32 [tilespmem:s19], [sflag:$0x8], $0x80, s14, s16, $0xb8;
	[tilespmem:$0x1FEA0] =	vst v63  }
0x6f: {  	_ =	swait.ge [sflag:s3], $0x1400  }
0x70: {  	[sflag:s3] =	ssyncset.done $0x0  }
0x71: {  	s12 =	simm.s32 $0x13A60;
	[sflag:s3] =	ssyncadd.s32 $0xFFFFEC00  }
0x72: {  	[tilespmem:s17], [sflag:$0x1] =	stream.indirect.gather [hbm4b:s0+s16], $0x80, s12, s16, $0xb8;
	[tilespmem:$0x1FEA0] =	vst v63  }
0x73: {  	_ =	swait.ge [sflag:s20], $0x1400  }
0x74: {  	[sflag:s20] =	ssyncset.done $0x0  }
0x75: {  	s14 =	simm.s32 $0x160D0;
	[sflag:s20] =	ssyncadd.s32 $0xFFFFEC00  }
0x76: {  	[spmem:s2] =	stream.indirect.scatter.add.f32 [tilespmem:s21], [sflag:$0x9], $0x80, s14, s16, $0xb8;
	[tilespmem:$0x1FEA0] =	vst v63  }
0x77: {  	_ =	swait.ge [sflag:s24], $0x1400  }
0x78: {  	[sflag:s24] =	ssyncset.done $0x0  }
0x79: {  	s12 =	simm.s32 $0x13A88;
	[sflag:s24] =	ssyncadd.s32 $0xFFFFEC00  }
0x7a: {  	[tilespmem:s19], [sflag:$0x2] =	stream.indirect.gather [hbm4b:s0+s16], $0x80, s12, s16, $0xb8;
	[tilespmem:$0x1FEA0] =	vst v63  }
0x7b: {  	_ =	swait.ge [sflag:s1], $0x1400  }
0x7c: {  	[sflag:s1] =	ssyncset.done $0x0  }
0x7d: {  	s14 =	simm.s32 $0x160F8;
	[sflag:s1] =	ssyncadd.s32 $0xFFFFEC00  }
0x7e: {  	[spmem:s2] =	stream.indirect.scatter.add.f32 [tilespmem:s23], [sflag:$0xA], $0x80, s14, s16, $0xb8;
	[tilespmem:$0x1FEA0] =	vst v63  }
0x7f: {  	_ =	swait.ge [sflag:s22], $0x1400  }
0x80: {  	[sflag:s22] =	ssyncset.done $0x0  }
0x81: {  	s12 =	simm.s32 $0x13AB0;
	[sflag:s22] =	ssyncadd.s32 $0xFFFFEC00  }
0x82: {  	[tilespmem:s21], [sflag:$0x3] =	stream.indirect.gather [hbm4b:s0+s16], $0x80, s12, s16, $0xb8;
	[tilespmem:$0x1FEA0] =	vst v63  }
0x83: {  	_ =	swait.ge [sflag:s18], $0x1400  }
0x84: {  	[sflag:s18] =	ssyncset.done $0x0  }
0x85: {  	s14 =	simm.s32 $0x16120;
	[sflag:s18] =	ssyncadd.s32 $0xFFFFEC00  }
0x86: {  	[spmem:s2] =	stream.indirect.scatter.add.f32 [tilespmem:s25], [sflag:$0xB], $0x80, s14, s16, $0xb8;
	[tilespmem:$0x1FEA0] =	vst v63  }
0x87: {  	_ =	swait.ge [sflag:s29], $0x1400  }
0x88: {  	[sflag:s29] =	ssyncset.done $0x0  }
0x89: {  	s11 =	simm.s32 $0x13AD8;
	s14 =	simm.s32 $0x3C0;
	[sflag:s29] =	ssyncadd.s32 $0xFFFFEC00  }
.LBB2_2:
0x8a: {  	[tilespmem:s23], [sflag:$0x4] =	stream.indirect.gather [hbm4b:s0+s16], $0x80, s11, s16, $0xb8;
	[tilespmem:$0x1FEA0] =	vst v63  }
0x8b: {  	s11 =	smov.u32 s14  }
0x8c: {  	p1 =	sne.s32 s14, $0x9240;
	s14 =	sadd.s32 $0x3C0, s14;
	_ =	swait.ge [sflag:s4], $0x1400  }
0x8d: {  	s11 =	sshra.s32 s11, $0x2;
	[sflag:s4] =	ssyncset.done $0x0  }
0x8e: {  	s12 =	sadd.s32 $0x16058, s11;
	[sflag:s4] =	ssyncadd.s32 $0xFFFFEC00  }
0x8f: {  	[spmem:s2] =	stream.indirect.scatter.add.f32 [tilespmem:s30], [sflag:$0xC], $0x80, s12, s16, $0xb8;
	[tilespmem:$0x1FEA0] =	vst v63  }
0x90: {  	_ =	swait.ge [sflag:s5], $0x1400  }
0x91: {  	[sflag:s5] =	ssyncset.done $0x0  }
0x92: {  	s12 =	sadd.s32 $0x13A10, s11;
	[sflag:s5] =	ssyncadd.s32 $0xFFFFEC00  }
0x93: {  	[tilespmem:s25], [sflag:$0x5] =	stream.indirect.gather [hbm4b:s0+s16], $0x80, s12, s16, $0xb8;
	[tilespmem:$0x1FEA0] =	vst v63  }
0x94: {  	_ =	swait.ge [sflag:s28], $0x1400  }
0x95: {  	[sflag:s28] =	ssyncset.done $0x0  }
0x96: {  	s12 =	sadd.s32 $0x16080, s11;
	[sflag:s28] =	ssyncadd.s32 $0xFFFFEC00  }
0x97: {  	[spmem:s2] =	stream.indirect.scatter.add.f32 [tilespmem:s17], [sflag:$0x7], $0x80, s12, s16, $0xb8;
	[tilespmem:$0x1FEA0] =	vst v63  }
0x98: {  	_ =	swait.ge [sflag:s6], $0x1400  }
0x99: {  	[sflag:s6] =	ssyncset.done $0x0  }
0x9a: {  	s12 =	sadd.s32 $0x13A38, s11;
	[sflag:s6] =	ssyncadd.s32 $0xFFFFEC00  }
0x9b: {  	[tilespmem:s30], [sflag:$0x6] =	stream.indirect.gather [hbm4b:s0+s16], $0x80, s12, s16, $0xb8;
	[tilespmem:$0x1FEA0] =	vst v63  }
0x9c: {  	_ =	swait.ge [sflag:s31], $0x1400  }
0x9d: {  	[sflag:s31] =	ssyncset.done $0x0  }
0x9e: {  	s12 =	sadd.s32 $0x160A8, s11;
	[sflag:s31] =	ssyncadd.s32 $0xFFFFEC00  }
0x9f: {  	[spmem:s2] =	stream.indirect.scatter.add.f32 [tilespmem:s19], [sflag:$0x8], $0x80, s12, s16, $0xb8;
	[tilespmem:$0x1FEA0] =	vst v63  }
0xa0: {  	_ =	swait.ge [sflag:s3], $0x1400  }
0xa1: {  	[sflag:s3] =	ssyncset.done $0x0  }
0xa2: {  	s12 =	sadd.s32 $0x13A60, s11;
	[sflag:s3] =	ssyncadd.s32 $0xFFFFEC00  }
0xa3: {  	[tilespmem:s17], [sflag:$0x1] =	stream.indirect.gather [hbm4b:s0+s16], $0x80, s12, s16, $0xb8;
	[tilespmem:$0x1FEA0] =	vst v63  }
0xa4: {  	_ =	swait.ge [sflag:s20], $0x1400  }
0xa5: {  	[sflag:s20] =	ssyncset.done $0x0  }
0xa6: {  	s12 =	sadd.s32 $0x160D0, s11;
	[sflag:s20] =	ssyncadd.s32 $0xFFFFEC00  }
0xa7: {  	[spmem:s2] =	stream.indirect.scatter.add.f32 [tilespmem:s21], [sflag:$0x9], $0x80, s12, s16, $0xb8;
	[tilespmem:$0x1FEA0] =	vst v63  }
0xa8: {  	_ =	swait.ge [sflag:s24], $0x1400  }
0xa9: {  	[sflag:s24] =	ssyncset.done $0x0  }
0xaa: {  	s12 =	sadd.s32 $0x13A88, s11;
	[sflag:s24] =	ssyncadd.s32 $0xFFFFEC00  }
0xab: {  	[tilespmem:s19], [sflag:$0x2] =	stream.indirect.gather [hbm4b:s0+s16], $0x80, s12, s16, $0xb8;
	[tilespmem:$0x1FEA0] =	vst v63  }
0xac: {  	_ =	swait.ge [sflag:s1], $0x1400  }
0xad: {  	[sflag:s1] =	ssyncset.done $0x0  }
0xae: {  	s12 =	sadd.s32 $0x160F8, s11;
	[sflag:s1] =	ssyncadd.s32 $0xFFFFEC00  }
0xaf: {  	[spmem:s2] =	stream.indirect.scatter.add.f32 [tilespmem:s23], [sflag:$0xA], $0x80, s12, s16, $0xb8;
	[tilespmem:$0x1FEA0] =	vst v63  }
0xb0: {  	_ =	swait.ge [sflag:s22], $0x1400  }
0xb1: {  	[sflag:s22] =	ssyncset.done $0x0  }
0xb2: {  	s12 =	sadd.s32 $0x13AB0, s11;
	[sflag:s22] =	ssyncadd.s32 $0xFFFFEC00  }
0xb3: {  	[tilespmem:s21], [sflag:$0x3] =	stream.indirect.gather [hbm4b:s0+s16], $0x80, s12, s16, $0xb8;
	[tilespmem:$0x1FEA0] =	vst v63  }
0xb4: {  	_ =	swait.ge [sflag:s18], $0x1400  }
0xb5: {  	[sflag:s18] =	ssyncset.done $0x0  }
.Ltmp0:
0xb6: {  	s12 =	sadd.s32 $0x16120, s11;
	[sflag:s18] =	ssyncadd.s32 $0xFFFFEC00;
	(pc) =	sbr.rel @p1 .LBB2_2-.Ltmp0, $4  }
0xb7: {  	[spmem:s2] =	stream.indirect.scatter.add.f32 [tilespmem:s25], [sflag:$0xB], $0x80, s12, s16, $0xb8;
	[tilespmem:$0x1FEA0] =	vst v63  }
0xb8: {  	_ =	swait.ge [sflag:s29], $0x1400  }
0xb9: {  	[sflag:s29] =	ssyncset.done $0x0  }
0xba: {  	s11 =	sadd.s32 $0x13AD8, s11;
	[sflag:s29] =	ssyncadd.s32 $0xFFFFEC00  }
0xbb: {  	[tilespmem:s23], [sflag:$0x4] =	stream.indirect.gather [hbm4b:s0+s16], $0x80, s11, s16, $0xb8;
	[tilespmem:$0x1FEA0] =	vst v63  }
0xbc: {  	_ =	swait.ge [sflag:s4], $0x1400  }
0xbd: {  	[sflag:s4] =	ssyncset.done $0x0  }
0xbe: {  	s12 =	simm.s32 $0x185D8;
	[sflag:s4] =	ssyncadd.s32 $0xFFFFEC00  }
0xbf: {  	[spmem:s2] =	stream.indirect.scatter.add.f32 [tilespmem:s30], [sflag:$0xC], $0x80, s12, s16, $0xb8;
	[tilespmem:$0x1FEA0] =	vst v63  }
0xc0: {  	_ =	swait.ge [sflag:s28], $0x1400  }
0xc1: {  	[sflag:s28] =	ssyncset.done $0x0  }
0xc2: {  	s14 =	simm.s32 $0x18600;
	[sflag:s28] =	ssyncadd.s32 $0xFFFFEC00  }
0xc3: {  	[spmem:s2] =	stream.indirect.scatter.add.f32 [tilespmem:s17], [sflag:$0x7], $0x80, s14, s16, $0xb8;
	[tilespmem:$0x1FEA0] =	vst v63  }
0xc4: {  	_ =	swait.ge [sflag:s31], $0x1400  }
0xc5: {  	[sflag:s31] =	ssyncset.done $0x0  }
0xc6: {  	s12 =	simm.s32 $0x18628;
	[sflag:s31] =	ssyncadd.s32 $0xFFFFEC00  }
0xc7: {  	[spmem:s2] =	stream.indirect.scatter.add.f32 [tilespmem:s19], [sflag:$0x8], $0x80, s12, s16, $0xb8;
	[tilespmem:$0x1FEA0] =	vst v63  }
0xc8: {  	_ =	swait.ge [sflag:s20], $0x1400  }
0xc9: {  	[sflag:s20] =	ssyncset.done $0x0  }
0xca: {  	s14 =	simm.s32 $0x18650;
	[sflag:s20] =	ssyncadd.s32 $0xFFFFEC00  }
0xcb: {  	[spmem:s2] =	stream.indirect.scatter.add.f32 [tilespmem:s21], [sflag:$0x9], $0x80, s14, s16, $0xb8;
	[tilespmem:$0x1FEA0] =	vst v63  }
0xcc: {  	_ =	swait.ge [sflag:s1], $0x1400  }
0xcd: {  	[sflag:s1] =	ssyncset.done $0x0  }
0xce: {  	s12 =	simm.s32 $0x18678;
	[sflag:s1] =	ssyncadd.s32 $0xFFFFEC00  }
0xcf: {  	[spmem:s2] =	stream.indirect.scatter.add.f32 [tilespmem:s23], [sflag:$0xA], $0x80, s12, s16, $0xb8;
	[tilespmem:$0x1FEA0] =	vst v63  }
0xd0: {  	_ =	swait.ge [sflag:s3], $0x1400  }
0xd1: {  	[sflag:s3] =	ssyncset.done $0x0  }
0xd2: {  	[sflag:s3] =	ssyncadd.s32 $0xFFFFEC00  }
0xd3: {  	_ =	swait.ge [sflag:s24], $0x1400  }
0xd4: {  	[sflag:s24] =	ssyncset.done $0x0  }
0xd5: {  	[sflag:s24] =	ssyncadd.s32 $0xFFFFEC00  }
0xd6: {  	_ =	swait.ge [sflag:s22], $0x1400  }
0xd7: {  	[sflag:s22] =	ssyncset.done $0x0  }
0xd8: {  	[sflag:s22] =	ssyncadd.s32 $0xFFFFEC00  }
0xd9: {  	_ =	swait.ge [sflag:s29], $0x1400  }
0xda: {  	[sflag:s29] =	ssyncset.done $0x0  }
0xdb: {  	[sflag:s29] =	ssyncadd.s32 $0xFFFFEC00  }
0xdc: {  	_ =	swait.ge [sflag:s5], $0x1400  }
0xdd: {  	[sflag:s5] =	ssyncset.done $0x0  }
0xde: {  	[sflag:s5] =	ssyncadd.s32 $0xFFFFEC00  }
0xdf: {  	_ =	swait.ge [sflag:s6], $0x1400  }
0xe0: {  	[sflag:s6] =	ssyncset.done $0x0  }
0xe1: {  	[sflag:s6] =	ssyncadd.s32 $0xFFFFEC00  }
0xe2: {  	[bflag:$0x0] =	sbarrier.arrive $0xFFFF  }
0xe3: {  	s14 =	rddreg [dreg:$0xa]  }
0xe4: {  	[hbm:s14], [sflag:s8] =	dma.local [spmem:s9], $0x2700  }
0xe5: {  	_ =	swait.ge [sflag:s15], $0x2700  }
0xe6: {  	s7 =	sadd.s32 $0x1, s7;
	[sflag:s15] =	ssyncset.done $0x0  }
0xe7: {  	p1 =	sne.s32 s7, s13;
	s9 =	rddreg [dreg:$0xb];
	[sflag:s15] =	ssyncadd.s32 $0xFFFFD900  }
0xe8: {  	[hbm:s9], [sflag:s8] =	dma.local @!p0 [spmem:s10], $0x100  }
.Ltmp1:
0xe9: {  	_ = 	snop;
	(pc) =	sbr.rel @p1 .LBB2_1-.Ltmp1, $4  }
0xea: {  	s8 =	simm.s32 @!p0 $0xD  }
0xeb: {  	_ =	swait.ge @!p0 [sflag:s8], $0x100  }
0xec: {  	[sflag:s8] =	ssyncset.done @!p0 $0x0  }
0xed: {  	[sflag:s8] =	ssyncadd.s32 @!p0 $0xFFFFFF00  }
0xee: {  	_ =	sfence.sel $0x180000  }
0xef: {  	[bflag:$0x0] =	sbarrier.arrive $0xFFFF  }
0xf0: {  	_ =	strace $0x90000047  }
0xf1: {  	[bflag:$0x2] =	sbarrier.arrive $0xFFFF  }
0xf2: {  	s0 =	rddreg [dreg:$0x3]  }
0xf3: {  	s0 =	sadd.s32 @!p0 $0x100000, s0  }
0xf4: {  	[sflag:s0] =	ssyncadd.tile.s32 @!p0 $0x1;
	_ =	shalt  }
.Lfunc_end2:
_tile_overlayer_lowered:
.L_overlay_start_2:
0xf5: {  	(tag) =	ssettag $0x2  }
0xf6: {  	s0 =	rddreg [dreg:$0x0];
	s2 =	stileid.u32  }
0xf7: {  	s1 =	rddreg [dreg:$0x1];
	p0 =	sne.s32 s2, $0x0  }
0xf8: {  	s3 =	rddreg [dreg:$0x2];
	[bflag:$0x3] =	sbarrier.arrive $0xFFFF;
	s2 =	simm.s32 @!p0 $0x1C0D  }
0xf9: {  	[timem:s3], [sflag:s2] =	dma.local @!p0 [hbm:s0], s1  }
0xfa: {  	s0 =	simm.s32 @!p0 $0xD  }
0xfb: {  	_ =	swait.ge @!p0 [sflag:s0], s1  }
0xfc: {  	s1 =	ssub.s32 @!p0 $0x0, s1;
	[sflag:s0] =	ssyncset.done @!p0 $0x0  }
0xfd: {  	[sflag:s0] =	ssyncadd.s32 @!p0 s1  }
0xfe: {  	[bflag:$0x3] =	sbarrier.arrive $0xFFFF  }
0xff: {  	_ =	shalt  }

// kernel: kernel.9.cloned.1.call-start
scs
__scs_entry_jumppad:
0x0: {  	(pc) =	sbr.rel $0x88, $3  }
0x1: {  	(tag) =	ssettag $0x0;
	lr =	simm.s32 $0x1  }
0x2: {  	[smem:$0x3F94] =	sst lr;
	_ =	strace $0xD0000000  }
0x3: {  	_ = 	snop  }
0x4: {  	_ = 	snop  }
0x5: {  	_ = 	snop  }
0x6: {  	_ = 	snop  }
0x7: {  	_ = 	snop  }
__scs_overlays_trampoline_lowered:
0x8: {  	[smem:$0x3FA3] =	sst s0  }
0x9: {  	[smem:$0x3FA4] =	sst s1  }
0xa: {  	[smem:$0x3FA5] =	sst s2  }
0xb: {  	[smem:$0x3FA6] =	sst s3  }
0xc: {  	[smem:$0x3FA7] =	sst s4  }
0xd: {  	[smem:$0x3FA8] =	sst s5  }
0xe: {  	[smem:$0x3FA9] =	sst s6  }
0xf: {  	[smem:$0x3FAA] =	sst s7  }
0x10: {  	[smem:$0x3FAB] =	sst s8  }
0x11: {  	[smem:$0x3FAC] =	sst s9;
	s0 =	simm.s32 @!p0 $0x0  }
0x12: {  	s1 =	sld [smem:$0x3F92];
	s0 =	simm.s32 @p0 $0x1  }
0x13: {  	[smem:$0x3FAD] =	sst s0;
	s0 =	simm.s32 @!p1 $0x0  }
0x14: {  	s2 =	sld [smem:$0x3F91];
	s0 =	simm.s32 @p1 $0x1  }
0x15: {  	[smem:$0x3FAE] =	sst s0;
	s0 =	simm.s32 @!p2 $0x0  }
0x16: {  	s3 =	sld [smem:$0x3FDB];
	s0 =	simm.s32 @p2 $0x1  }
0x17: {  	s4 =	simm.s32 $0x1BF5;
	[smem:$0x3FB0] =	sst s0  }
0x18: {  	s0 =	sld [smem:$0x3F93];
	_ =	swait.ge [sflag:s4], $0x0  }
0x19: {  	s7 =	sld [smem:$0x3F94]  }
0x1a: {  	s8 =	sadd.s32 $0xFFFFE003, lr  }
0x1b: {  	s9 =	sadd.s32 $0xFFFFFEF7, lr;
	s5 =	simm.s32 $0xFFFFFFFF;
	p2 =	slt.u32 s8, $0xFFFFF086  }
0x1c: {  	p1 =	slt.u32 s9, $0xF7A;
	s5 =	simm.s32 @!p2 $0x0  }
0x1d: {  	s5 =	simm.s32 @p1 $0x1;
	p0 =	seq.s32 s7, s2  }
0x1e: {  	s7 =	smul.u32 @!p0 $0xF7A, s2;
	p2 =	seq.s32 @!p0 s5, $0x0  }
0x1f: {  	s9 =	smul.u32 $0xF7A, s1;
	s8 =	simm.s32 @!p0 $0x1BF5;
	p2 =	por !p2, p0  }
0x20: {  	[sflag:s8] =	ssyncset.s32 @!p0 $0xFFFFF086;
	s6 =	sadd.s32 @!p0 s3, s7;
	s7 =	simm.s32 @!p0 $0x108  }
0x21: {  	s3 =	sadd.s32 s3, s9;
	s6 =	sadd.s32 @!p0 $0x88, s6;
	s7 =	simm.s32 @p2 $0x1082  }
0x22: {  	[simem:s7], [sflag:s8] =	dma.local @!p0 [hbm:s6], $0xF7A  }
0x23: {  	s9 =	sor.u32 $0xD0000000, s2;
	s6 =	simm.s32 $0x108;
	_ =	swait.ge @!p0 [sflag:s8], $0x0  }
0x24: {  	s3 =	sadd.s32 $0x88, s3;
	s6 =	simm.s32 @!p1 $0x1082;
	[sflag:s4] =	ssyncset.s32 $0xFFFFF086  }
0x25: {  	[simem:s6], [sflag:s4] =	dma.local [hbm:s3], $0xF7A  }
0x26: {  	[smem:$0x3F94] =	sst s1;
	(tag) =	ssettag s2;
	_ =	strace s9  }
0x27: {  	s1 =	sld [smem:$0x3FA4]  }
0x28: {  	s2 =	sld [smem:$0x3FA5]  }
0x29: {  	s4 =	sld [smem:$0x3FA7]  }
0x2a: {  	p0 =	seq.s32 s5, $0x0;
	s5 =	sld [smem:$0x3FA8]  }
0x2b: {  	s6 =	sld [smem:$0x3FA9]  }
0x2c: {  	s7 =	sld [smem:$0x3FAA]  }
0x2d: {  	s3 =	simm.s32 $0x108;
	s8 =	sld [smem:$0x3FAB]  }
0x2e: {  	s3 =	simm.s32 @!p0 $0x1082;
	s9 =	sld [smem:$0x3FAC]  }
0x2f: {  	lr =	sadd.s32 s0, s3;
	s0 =	sld [smem:$0x3FA3]  }
0x30: {  	s3 =	sld [smem:$0x3FA6]  }
0x31: {  	[smem:$0x3FAF] =	sst s10  }
0x32: {  	s10 =	sld [smem:$0x3FAD];
	_ =	sdelay $0x3  }
0x33: {  	p0 =	seq.s32 s10, $0x1;
	s10 =	sld [smem:$0x3FAF];
	_ =	sdelay $0x3  }
0x34: {  	[smem:$0x3FAF] =	sst s10  }
0x35: {  	s10 =	sld [smem:$0x3FAE];
	_ =	sdelay $0x3  }
0x36: {  	p1 =	seq.s32 s10, $0x1;
	s10 =	sld [smem:$0x3FAF];
	_ =	sdelay $0x3  }
0x37: {  	[smem:$0x3FAF] =	sst s10  }
0x38: {  	s10 =	sld [smem:$0x3FB0]  }
0x39: {  	_ = 	snop;
	(pc) =	sbr.ind lr, $3  }
0x3a: {  	_ = 	snop  }
0x3b: {  	_ = 	snop  }
0x3c: {  	p2 =	seq.s32 s10, $0x1;
	s10 =	sld [smem:$0x3FAF]  }
0x3d: {  	_ =	shalt  }
0x3e: {  	_ =	shalt  }
0x3f: {  	_ =	shalt  }
0x40: {  	_ =	shalt  }
0x41: {  	_ =	shalt  }
0x42: {  	_ =	shalt  }
0x43: {  	_ =	shalt  }
0x44: {  	_ =	shalt  }
0x45: {  	_ =	shalt  }
0x46: {  	_ =	shalt  }
0x47: {  	_ =	shalt  }
0x48: {  	_ =	shalt  }
0x49: {  	_ =	shalt  }
0x4a: {  	_ =	shalt  }
0x4b: {  	_ =	shalt  }
0x4c: {  	_ =	shalt  }
0x4d: {  	_ =	shalt  }
0x4e: {  	_ =	shalt  }
0x4f: {  	_ =	shalt  }
0x50: {  	_ =	shalt  }
0x51: {  	_ =	shalt  }
0x52: {  	_ =	shalt  }
0x53: {  	_ =	shalt  }
0x54: {  	_ =	shalt  }
0x55: {  	_ =	shalt  }
0x56: {  	_ =	shalt  }
0x57: {  	_ =	shalt  }
0x58: {  	_ =	shalt  }
0x59: {  	_ =	shalt  }
0x5a: {  	_ =	shalt  }
0x5b: {  	_ =	shalt  }
0x5c: {  	_ =	shalt  }
0x5d: {  	_ =	shalt  }
0x5e: {  	_ =	shalt  }
0x5f: {  	_ =	shalt  }
0x60: {  	_ =	shalt  }
0x61: {  	_ =	shalt  }
0x62: {  	_ =	shalt  }
0x63: {  	_ =	shalt  }
0x64: {  	_ =	shalt  }
0x65: {  	_ =	shalt  }
0x66: {  	_ =	shalt  }
0x67: {  	_ =	shalt  }
0x68: {  	_ =	shalt  }
0x69: {  	_ =	shalt  }
0x6a: {  	_ =	shalt  }
0x6b: {  	_ =	shalt  }
0x6c: {  	_ =	shalt  }
0x6d: {  	_ =	shalt  }
0x6e: {  	_ =	shalt  }
0x6f: {  	_ =	shalt  }
0x70: {  	_ =	shalt  }
0x71: {  	_ =	shalt  }
0x72: {  	_ =	shalt  }
0x73: {  	_ =	shalt  }
0x74: {  	_ =	shalt  }
0x75: {  	_ =	shalt  }
0x76: {  	_ =	shalt  }
0x77: {  	_ =	shalt  }
0x78: {  	_ =	shalt  }
0x79: {  	_ =	shalt  }
0x7a: {  	_ =	shalt  }
0x7b: {  	_ =	shalt  }
0x7c: {  	_ =	shalt  }
0x7d: {  	_ =	shalt  }
0x7e: {  	_ =	shalt  }
0x7f: {  	_ =	shalt  }
0x80: {  	_ =	shalt  }
0x81: {  	_ =	shalt  }
0x82: {  	_ =	shalt  }
0x83: {  	_ =	shalt  }
0x84: {  	_ =	shalt  }
0x85: {  	_ =	shalt  }
0x86: {  	_ =	shalt  }
0x87: {  	_ =	shalt  }
.Lfunc_end0:
.L_simem_size_0:
called_computation.1_lowered:
.L_overlay_start_0:
0x88: {  	s2 =	sld [smem:$0x3FD9]  }
0x89: {  	s3 =	sld [smem:$0x3FFE];
	_ =	sdelay $0x1  }
0x8a: {  	s1 =	srdreg.scid  }
0x8b: {  	s0 =	sand.u32 $0x1, s1  }
0x8c: {  	s16 =	sshll.u32 s0, $0xA;
	s2 =	sadd.s32 s3, s2  }
0x8d: {  	s2 =	sadd.s32 s2, s16  }
0x8e: {  	[smem:$0x3FBB] =	sst s2  }
0x8f: {  	_ = 	snop  }
0x90: {  	(tm) =	ssettm $0x1  }
0x91: {  	s17 =	sld [smem:$0x3FFB];
	_ =	sdelay $0x3  }
0x92: {  	_ =	strace s17  }
0x93: {  	s2 =	sld [smem:$0x3FFC];
	_ =	sdelay $0x3  }
0x94: {  	_ =	strace s2  }
0x95: {  	s2 =	sld [smem:$0x3FFD];
	_ =	sdelay $0x3  }
0x96: {  	_ =	strace s2  }
0x97: {  	_ =	strace $0x8FFFFFFF  }
0x98: {  	s18 =	sld [smem:$0x3FDB];
	_ =	sdelay $0x1  }
0x99: {  	s19 =	simm.s32 $_scs_section_size  }
0x9a: {  	s4 =	simm.s32 $_size__tile_overlayer_lowered;
	s5 =	simm.s32 $_tile_overlayer_lowered  }
0x9b: {  	s22 =	simm.s32 $0x1BFF;
	s21 =	sshll.u32 s5, $0x1;
	s2 =	sadd.s32 s19, s18  }
0x9c: {  	s6 =	simm.s32 $0x0;
	s20 =	sshll.u32 s4, $0x1;
	s4 =	sadd.s32 s21, s2  }
0x9d: {  	[timem:s6], [sflag:s22] =	dma.local [hbm:s4], s20  }
0x9e: {  	_ =	swait.ge [sflag:s22], s20  }
0x9f: {  	s3 =	ssub.s32 $0x0, s20;
	[sflag:s22] =	ssyncset.done $0x0  }
0xa0: {  	[sflag:s22] =	ssyncadd.s32 s3;
	_ =	sdelay $0x1  }
0xa1: {  	s23 =	simm.s32 $0x1B8B  }
0xa2: {  	_ =	swait.ge [sflag:s23], $0x1  }
0xa3: {  	[sflag:s23] =	ssyncset.done $0x0  }
0xa4: {  	s25 =	simm.s32 $0x1B8E;
	s24 =	sld [smem:$0x3FFE];
	[sflag:s23] =	ssyncadd.s32 $0xFFFFFFFF  }
0xa5: {  	s26 =	simm.s32 $execute0_lowered;
	[smem:$0x3FD2] =	sst s25  }
0xa6: {  	s4 =	sshll.u32 s26, $0x1;
	_ =	strace $0x80000049;
	[dreg:$0x1] =	wrdreg $0xFFFFFFFF  }
0xa7: {  	s28 =	simm.s32 $_size_execute0_lowered;
	s2 =	sadd.s32 s2, s4;
	[dreg:$0x0] =	wrdreg $0x0  }
0xa8: {  	s4 =	sshll.u32 s28, $0x1;
	[dreg:$0x2] =	wrdreg s2  }
0xa9: {  	[dreg:$0x3] =	wrdreg s4  }
0xaa: {  	[dreg:$0x4] =	wrdreg $0xC0  }
0xab: {  	_ =	task [dreg:s6], $0x5FFFF  }
0xac: {  	[dreg:$0x1] =	wrdreg $0xFFFFFFFF  }
0xad: {  	[dreg:$0x0] =	wrdreg $0x60  }
0xae: {  	[dreg:$0x2] =	wrdreg s24  }
0xaf: {  	[dreg:$0x3] =	wrdreg $0x0  }
0xb0: {  	[dreg:$0x4] =	wrdreg $0x9  }
0xb1: {  	_ =	task.clear_ibuf [dreg:s6], $0x5FFFF;
	_ =	strace $0x90000049  }
0xb2: {  	s29 =	simm.s32 $0x9;
	_ =	strace $0x8000004B  }
0xb3: {  	_ =	swait.ge [sflag:s29], $0x1  }
0xb4: {  	[sflag:s29] =	ssyncadd.s32 $0xFFFFFFFF  }
0xb5: {  	_ =	strace $0x9000004B  }
0xb6: {  	_ =	sfence  }
0xb7: {  	s30 =	sld [smem:$0x0];
	_ =	sdelay $0x2  }
0xb8: {  	s31 =	sshll.u32 s1, $0xD;
	s1 =	sshrl.u32 s1, $0x2  }
0xb9: {  	s3 =	sand.u32 $0x4000, s31;
	s1 =	sadd.s32 s1, s30  }
0xba: {  	s0 =	sor.u32 s3, s0;
	s1 =	sshll.u32 s1, $0x11  }
0xbb: {  	s0 =	sor.u32 s1, s0  }
0xbc: {  	s0 =	sadd.s32 $0x8F2B, s0  }
0xbd: {  	[sflag:s0] =	ssyncadd.remote.s32 $0x1  }
0xbe: {  	_ =	sfence.sel $0xFFFF  }
0xbf: {  	[dreg:$0x0] =	wrdreg $0xFFFFFFFF;
	(pc) =	sbr.abs _section_cstart, $3  }
0xc0: {  	[dreg:$0x1] =	wrdreg $0xFFFFFFFF  }
0xc1: {  	_ =	task.clear_ibuf [dreg:s6], $0x2FFFF;
	_ =	strace $0x9FFFFFFF  }
0xc2: {  	(tm) =	ssettm $0x7FFFFFFF  }
0xc3: {  	_ =	shalt  }
tec
execute0_lowered:
.L_overlay_start_1:
0x0: {  	(tag) =	ssettag $0x1  }
0x1: {  	s0 =	rddreg [dreg:$0x0]  }
0x2: {  	s1 =	rddreg [dreg:$0x1]  }
0x3: {  	s2 =	srdreg.scid;
	s4 =	simm.s32 $0x0;
	s9 =	stileid.u32  }
0x4: {  	s15 =	simm.s32 $0xD;
	s16 =	simm.s32 $0x28;
	s17 =	simm.s32 $0x186A0  }
0x5: {  	s28 =	simm.s32 $0x1;
	s30 =	simm.s32 $0x1EAA0;
	s31 =	simm.s32 $0x2  }
0x6: {  	s29 =	simm.s32 $0xA;
	s2 =	sand.u32 $0x1, s2;
	s5 =	smul.u32 $0x2710, s9  }
0x7: {  	[smem:$0x7FF] =	sst s4;
	s4 =	sadd.s32 $0x16800, s0;
	s7 =	smul.u32 $0x13800, s9  }
0x8: {  	s8 =	sadd.s32 $0x3DA00, s0;
	s23 =	sadd.s32 $0x138000, s1;
	p0 =	sne.s32 s9, $0x0  }
0x9: {  	s3 =	smul.u32 $0x27100, s2;
	_ =	strace $0x8000004A;
	s18 =	ssub.s32 $0x2, s2  }
0xa: {  	s2 =	smul.u32 $0x138800, s2;
	[dreg:$0x7] =	wrdreg s23;
	s23 =	simm.s32 $0x1C2A0  }
0xb: {  	s6 =	sshrl.u32 s18, $0x1;
	s20 =	sshrl.u32 s7, $0x3;
	s21 =	sadd.s32 s7, s1  }
0xc: {  	s3 =	sadd.s32 s5, s3;
	s5 =	ssub.s32 s18, s6;
	[dreg:$0x5] =	wrdreg s21  }
0xd: {  	s22 =	sadd.s32 s4, s20;
	s24 =	sadd.s32 s7, s2;
	s2 =	sshrl.u32 s2, $0x3  }
0xe: {  	s21 =	simm.s32 $0x1AEA0;
	s20 =	simm.s32 $0x3;
	s18 =	simm.s32 $0x5  }
0xf: {  	s6 =	simm.s32 $0xC;
	s7 =	simm.s32 $0x0;
	s3 =	sshrl.u32 s3, $0x3  }
0x10: {  	[dreg:$0x6] =	wrdreg s22;
	s25 =	sshrl.u32 s24, $0x3;
	s2 =	sadd.s32 s8, s2  }
0x11: {  	s13 =	smax.u32 s5, $0x1;
	s3 =	sadd.s32 s3, s0;
	s0 =	sadd.s32 $0x3D800, s0  }
0x12: {  	s24 =	simm.s32 $0x8;
	s26 =	sadd.s32 $0x27000, s2;
	[dreg:$0x8] =	wrdreg s0  }
0x13: {  	s22 =	simm.s32 $0x9;
	s19 =	sadd.s32 $0x2E00, s3;
	[dreg:$0xa] =	wrdreg s26  }
0x14: {  	s5 =	simm.s32 $0xB;
	s3 =	sadd.s32 $0xCA40, s3;
	[dreg:$0x3] =	wrdreg s19  }
0x15: {  	s2 =	simm.s32 $0x6;
	s0 =	sadd.s32 s8, s25;
	[dreg:$0x4] =	wrdreg s3  }
0x16: {  	s25 =	simm.s32 $0x1D6A0;
	s26 =	simm.s32 $0x15F90;
	[dreg:$0x9] =	wrdreg s0  }
0x17: {  	s19 =	simm.s32 $0x19AA0;
	s3 =	simm.s32 $0x7;
	s0 =	simm.s32 $0x4  }
.LBB2_1:
0x18: {  	s8 =	simm.s32 $0x0;
	s9 =	rddreg [dreg:$0x3];
	s10 =	simm.s32 $0x13880  }
0x19: {  	[tilespmem:s10], [sflag:$0xD] =	stream.linear.gather [hbm4b:s9+s8], $0x2710, $0x38;
	[tilespmem:$0x1FEA0] =	vst v63  }
0x1a: {  	_ =	swait.ge [sflag:s15], $0x2710  }
0x1b: {  	[sflag:s15] =	ssyncset.done $0x0  }
0x1c: {  	[sflag:s15] =	ssyncadd.s32 $0xFFFFD8F0  }
0x1d: {  	[tilespmem:s17], [sflag:$0x1] =	stream.indirect.gather [hbm4b:s4+s16], $0x80, s10, s16, $0xb8;
	[tilespmem:$0x1FEA0] =	vst v63  }
0x1e: {  	s14 =	simm.s32 $0x138A8  }
0x1f: {  	[tilespmem:s19], [sflag:$0x2] =	stream.indirect.gather [hbm4b:s4+s16], $0x80, s14, s16, $0xb8;
	[tilespmem:$0x1FEA0] =	vst v63  }
0x20: {  	s10 =	simm.s32 $0x138D0  }
0x21: {  	[tilespmem:s21], [sflag:$0x3] =	stream.indirect.gather [hbm4b:s4+s16], $0x80, s10, s16, $0xb8;
	[tilespmem:$0x1FEA0] =	vst v63  }
0x22: {  	s11 =	simm.s32 $0x138F8  }
0x23: {  	[tilespmem:s23], [sflag:$0x4] =	stream.indirect.gather [hbm4b:s4+s16], $0x80, s11, s16, $0xb8;
	[tilespmem:$0x1FEA0] =	vst v63  }
0x24: {  	s12 =	simm.s32 $0x13920  }
0x25: {  	[tilespmem:s25], [sflag:$0x5] =	stream.indirect.gather [hbm4b:s4+s16], $0x80, s12, s16, $0xb8;
	[tilespmem:$0x1FEA0] =	vst v63  }
0x26: {  	s9 =	stileid.u32;
	s14 =	rddreg [dreg:$0x4]  }
0x27: {  	[tilespmem:s26], [sflag:$0xD] =	stream.linear.gather [hbm4b:s14+s8], $0x2710, $0x38;
	[tilespmem:$0x1FEA0] =	vst v63  }
0x28: {  	s8 =	sshll.u32 s9, $0x6;
	_ =	swait.ge [sflag:s15], $0x2710  }
0x29: {  	s8 =	sor.u32 $0x1C0D, s8;
	[sflag:s15] =	ssyncset.done $0x0;
	s10 =	rddreg [dreg:$0x5]  }
0x2a: {  	s11 =	rddreg [dreg:$0x6];
	[sflag:s15] =	ssyncadd.s32 $0xFFFFD8F0;
	s9 =	sshrl.u32 s10, $0x3  }
0x2b: {  	[spmem:s9], [sflag:s8] =	dma.local [hbm:s11], $0x2700  }
0x2c: {  	_ =	swait.ge [sflag:s15], $0x2700  }
0x2d: {  	[sflag:s15] =	ssyncset.done $0x0;
	s10 =	rddreg [dreg:$0x7]  }
0x2e: {  	s11 =	rddreg [dreg:$0x8];
	[sflag:s15] =	ssyncadd.s32 $0xFFFFD900;
	s10 =	sshrl.u32 @!p0 s10, $0x3  }
0x2f: {  	[spmem:s10], [sflag:s8] =	dma.local @!p0 [hbm:s11], $0x100  }
0x30: {  	s11 =	simm.s32 @!p0 $0xD  }
0x31: {  	_ =	swait.ge @!p0 [sflag:s11], $0x100  }
0x32: {  	[sflag:s11] =	ssyncset.done @!p0 $0x0  }
0x33: {  	[sflag:s11] =	ssyncadd.s32 @!p0 $0xFFFFFF00  }
0x34: {  	[bflag:$0x0] =	sbarrier.arrive $0xFFFF  }
0x35: {  	_ =	swait.ge [sflag:s28], $0x1400  }
0x36: {  	[sflag:s28] =	ssyncset.done $0x0  }
0x37: {  	[sflag:s28] =	ssyncadd.s32 $0xFFFFEC00  }
0x38: {  	[spmem:s1] =	stream.indirect.scatter.add.f32 [tilespmem:s17], [sflag:$0x7], $0x80, s26, s16, $0xb8;
	[tilespmem:$0x1FEA0] =	vst v63  }
0x39: {  	s12 =	simm.s32 $0x13948  }
0x3a: {  	[tilespmem:s30], [sflag:$0x6] =	stream.indirect.gather [hbm4b:s4+s16], $0x80, s12, s16, $0xb8;
	[tilespmem:$0x1FEA0] =	vst v63  }
0x3b: {  	_ =	swait.ge [sflag:s31], $0x1400  }
0x3c: {  	[sflag:s31] =	ssyncset.done $0x0  }
0x3d: {  	s14 =	simm.s32 $0x15FB8;
	[sflag:s31] =	ssyncadd.s32 $0xFFFFEC00  }
0x3e: {  	[spmem:s1] =	stream.indirect.scatter.add.f32 [tilespmem:s19], [sflag:$0x8], $0x80, s14, s16, $0xb8;
	[tilespmem:$0x1FEA0] =	vst v63  }
0x3f: {  	_ =	swait.ge [sflag:s3], $0x1400  }
0x40: {  	[sflag:s3] =	ssyncset.done $0x0  }
0x41: {  	s12 =	simm.s32 $0x13970;
	[sflag:s3] =	ssyncadd.s32 $0xFFFFEC00  }
0x42: {  	[tilespmem:s17], [sflag:$0x1] =	stream.indirect.gather [hbm4b:s4+s16], $0x80, s12, s16, $0xb8;
	[tilespmem:$0x1FEA0] =	vst v63  }
0x43: {  	_ =	swait.ge [sflag:s20], $0x1400  }
0x44: {  	[sflag:s20] =	ssyncset.done $0x0  }
0x45: {  	s14 =	simm.s32 $0x15FE0;
	[sflag:s20] =	ssyncadd.s32 $0xFFFFEC00  }
0x46: {  	[spmem:s1] =	stream.indirect.scatter.add.f32 [tilespmem:s21], [sflag:$0x9], $0x80, s14, s16, $0xb8;
	[tilespmem:$0x1FEA0] =	vst v63  }
0x47: {  	_ =	swait.ge [sflag:s24], $0x1400  }
0x48: {  	[sflag:s24] =	ssyncset.done $0x0  }
0x49: {  	s12 =	simm.s32 $0x13998;
	[sflag:s24] =	ssyncadd.s32 $0xFFFFEC00  }
0x4a: {  	[tilespmem:s19], [sflag:$0x2] =	stream.indirect.gather [hbm4b:s4+s16], $0x80, s12, s16, $0xb8;
	[tilespmem:$0x1FEA0] =	vst v63  }
0x4b: {  	_ =	swait.ge [sflag:s0], $0x1400  }
0x4c: {  	[sflag:s0] =	ssyncset.done $0x0  }
0x4d: {  	s14 =	simm.s32 $0x16008;
	[sflag:s0] =	ssyncadd.s32 $0xFFFFEC00  }
0x4e: {  	[spmem:s1] =	stream.indirect.scatter.add.f32 [tilespmem:s23], [sflag:$0xA], $0x80, s14, s16, $0xb8;
	[tilespmem:$0x1FEA0] =	vst v63  }
0x4f: {  	_ =	swait.ge [sflag:s22], $0x1400  }
0x50: {  	[sflag:s22] =	ssyncset.done $0x0  }
0x51: {  	s12 =	simm.s32 $0x139C0;
	[sflag:s22] =	ssyncadd.s32 $0xFFFFEC00  }
0x52: {  	[tilespmem:s21], [sflag:$0x3] =	stream.indirect.gather [hbm4b:s4+s16], $0x80, s12, s16, $0xb8;
	[tilespmem:$0x1FEA0] =	vst v63  }
0x53: {  	_ =	swait.ge [sflag:s18], $0x1400  }
0x54: {  	[sflag:s18] =	ssyncset.done $0x0  }
0x55: {  	s14 =	simm.s32 $0x16030;
	[sflag:s18] =	ssyncadd.s32 $0xFFFFEC00  }
0x56: {  	[spmem:s1] =	stream.indirect.scatter.add.f32 [tilespmem:s25], [sflag:$0xB], $0x80, s14, s16, $0xb8;
	[tilespmem:$0x1FEA0] =	vst v63  }
0x57: {  	_ =	swait.ge [sflag:s29], $0x1400  }
0x58: {  	[sflag:s29] =	ssyncset.done $0x0  }
0x59: {  	s12 =	simm.s32 $0x139E8;
	[sflag:s29] =	ssyncadd.s32 $0xFFFFEC00  }
0x5a: {  	[tilespmem:s23], [sflag:$0x4] =	stream.indirect.gather [hbm4b:s4+s16], $0x80, s12, s16, $0xb8;
	[tilespmem:$0x1FEA0] =	vst v63  }
0x5b: {  	_ =	swait.ge [sflag:s2], $0x1400  }
0x5c: {  	[sflag:s2] =	ssyncset.done $0x0  }
0x5d: {  	s14 =	simm.s32 $0x16058;
	[sflag:s2] =	ssyncadd.s32 $0xFFFFEC00  }
0x5e: {  	[spmem:s1] =	stream.indirect.scatter.add.f32 [tilespmem:s30], [sflag:$0xC], $0x80, s14, s16, $0xb8;
	[tilespmem:$0x1FEA0] =	vst v63  }
0x5f: {  	_ =	swait.ge [sflag:s5], $0x1400  }
0x60: {  	[sflag:s5] =	ssyncset.done $0x0  }
0x61: {  	s12 =	simm.s32 $0x13A10;
	[sflag:s5] =	ssyncadd.s32 $0xFFFFEC00  }
0x62: {  	[tilespmem:s25], [sflag:$0x5] =	stream.indirect.gather [hbm4b:s4+s16], $0x80, s12, s16, $0xb8;
	[tilespmem:$0x1FEA0] =	vst v63  }
0x63: {  	_ =	swait.ge [sflag:s28], $0x1400  }
0x64: {  	[sflag:s28] =	ssyncset.done $0x0  }
0x65: {  	s14 =	simm.s32 $0x16080;
	[sflag:s28] =	ssyncadd.s32 $0xFFFFEC00  }
0x66: {  	[spmem:s1] =	stream.indirect.scatter.add.f32 [tilespmem:s17], [sflag:$0x7], $0x80, s14, s16, $0xb8;
	[tilespmem:$0x1FEA0] =	vst v63  }
0x67: {  	_ =	swait.ge [sflag:s6], $0x1400  }
0x68: {  	[sflag:s6] =	ssyncset.done $0x0  }
0x69: {  	s12 =	simm.s32 $0x13A38;
	[sflag:s6] =	ssyncadd.s32 $0xFFFFEC00  }
0x6a: {  	[tilespmem:s30], [sflag:$0x6] =	stream.indirect.gather [hbm4b:s4+s16], $0x80, s12, s16, $0xb8;
	[tilespmem:$0x1FEA0] =	vst v63  }
0x6b: {  	_ =	swait.ge [sflag:s31], $0x1400  }
0x6c: {  	[sflag:s31] =	ssyncset.done $0x0  }
0x6d: {  	s14 =	simm.s32 $0x160A8;
	[sflag:s31] =	ssyncadd.s32 $0xFFFFEC00  }
0x6e: {  	[spmem:s1] =	stream.indirect.scatter.add.f32 [tilespmem:s19], [sflag:$0x8], $0x80, s14, s16, $0xb8;
	[tilespmem:$0x1FEA0] =	vst v63  }
0x6f: {  	_ =	swait.ge [sflag:s3], $0x1400  }
0x70: {  	[sflag:s3] =	ssyncset.done $0x0  }
0x71: {  	s12 =	simm.s32 $0x13A60;
	[sflag:s3] =	ssyncadd.s32 $0xFFFFEC00  }
0x72: {  	[tilespmem:s17], [sflag:$0x1] =	stream.indirect.gather [hbm4b:s4+s16], $0x80, s12, s16, $0xb8;
	[tilespmem:$0x1FEA0] =	vst v63  }
0x73: {  	_ =	swait.ge [sflag:s20], $0x1400  }
0x74: {  	[sflag:s20] =	ssyncset.done $0x0  }
0x75: {  	s14 =	simm.s32 $0x160D0;
	[sflag:s20] =	ssyncadd.s32 $0xFFFFEC00  }
0x76: {  	[spmem:s1] =	stream.indirect.scatter.add.f32 [tilespmem:s21], [sflag:$0x9], $0x80, s14, s16, $0xb8;
	[tilespmem:$0x1FEA0] =	vst v63  }
0x77: {  	_ =	swait.ge [sflag:s24], $0x1400  }
0x78: {  	[sflag:s24] =	ssyncset.done $0x0  }
0x79: {  	s12 =	simm.s32 $0x13A88;
	[sflag:s24] =	ssyncadd.s32 $0xFFFFEC00  }
0x7a: {  	[tilespmem:s19], [sflag:$0x2] =	stream.indirect.gather [hbm4b:s4+s16], $0x80, s12, s16, $0xb8;
	[tilespmem:$0x1FEA0] =	vst v63  }
0x7b: {  	_ =	swait.ge [sflag:s0], $0x1400  }
0x7c: {  	[sflag:s0] =	ssyncset.done $0x0  }
0x7d: {  	s14 =	simm.s32 $0x160F8;
	[sflag:s0] =	ssyncadd.s32 $0xFFFFEC00  }
0x7e: {  	[spmem:s1] =	stream.indirect.scatter.add.f32 [tilespmem:s23], [sflag:$0xA], $0x80, s14, s16, $0xb8;
	[tilespmem:$0x1FEA0] =	vst v63  }
0x7f: {  	_ =	swait.ge [sflag:s22], $0x1400  }
0x80: {  	[sflag:s22] =	ssyncset.done $0x0  }
0x81: {  	s12 =	simm.s32 $0x13AB0;
	[sflag:s22] =	ssyncadd.s32 $0xFFFFEC00  }
0x82: {  	[tilespmem:s21], [sflag:$0x3] =	stream.indirect.gather [hbm4b:s4+s16], $0x80, s12, s16, $0xb8;
	[tilespmem:$0x1FEA0] =	vst v63  }
0x83: {  	_ =	swait.ge [sflag:s18], $0x1400  }
0x84: {  	[sflag:s18] =	ssyncset.done $0x0  }
0x85: {  	s14 =	simm.s32 $0x16120;
	[sflag:s18] =	ssyncadd.s32 $0xFFFFEC00  }
0x86: {  	[spmem:s1] =	stream.indirect.scatter.add.f32 [tilespmem:s25], [sflag:$0xB], $0x80, s14, s16, $0xb8;
	[tilespmem:$0x1FEA0] =	vst v63  }
0x87: {  	_ =	swait.ge [sflag:s29], $0x1400  }
0x88: {  	[sflag:s29] =	ssyncset.done $0x0  }
0x89: {  	s11 =	simm.s32 $0x13AD8;
	s14 =	simm.s32 $0x3C0;
	[sflag:s29] =	ssyncadd.s32 $0xFFFFEC00  }
.LBB2_2:
0x8a: {  	[tilespmem:s23], [sflag:$0x4] =	stream.indirect.gather [hbm4b:s4+s16], $0x80, s11, s16, $0xb8;
	[tilespmem:$0x1FEA0] =	vst v63  }
0x8b: {  	s11 =	smov.u32 s14  }
0x8c: {  	p1 =	sne.s32 s14, $0x9240;
	s14 =	sadd.s32 $0x3C0, s14;
	_ =	swait.ge [sflag:s2], $0x1400  }
0x8d: {  	s11 =	sshra.s32 s11, $0x2;
	[sflag:s2] =	ssyncset.done $0x0  }
0x8e: {  	s12 =	sadd.s32 $0x16058, s11;
	[sflag:s2] =	ssyncadd.s32 $0xFFFFEC00  }
0x8f: {  	[spmem:s1] =	stream.indirect.scatter.add.f32 [tilespmem:s30], [sflag:$0xC], $0x80, s12, s16, $0xb8;
	[tilespmem:$0x1FEA0] =	vst v63  }
0x90: {  	_ =	swait.ge [sflag:s5], $0x1400  }
0x91: {  	[sflag:s5] =	ssyncset.done $0x0  }
0x92: {  	s12 =	sadd.s32 $0x13A10, s11;
	[sflag:s5] =	ssyncadd.s32 $0xFFFFEC00  }
0x93: {  	[tilespmem:s25], [sflag:$0x5] =	stream.indirect.gather [hbm4b:s4+s16], $0x80, s12, s16, $0xb8;
	[tilespmem:$0x1FEA0] =	vst v63  }
0x94: {  	_ =	swait.ge [sflag:s28], $0x1400  }
0x95: {  	[sflag:s28] =	ssyncset.done $0x0  }
0x96: {  	s12 =	sadd.s32 $0x16080, s11;
	[sflag:s28] =	ssyncadd.s32 $0xFFFFEC00  }
0x97: {  	[spmem:s1] =	stream.indirect.scatter.add.f32 [tilespmem:s17], [sflag:$0x7], $0x80, s12, s16, $0xb8;
	[tilespmem:$0x1FEA0] =	vst v63  }
0x98: {  	_ =	swait.ge [sflag:s6], $0x1400  }
0x99: {  	[sflag:s6] =	ssyncset.done $0x0  }
0x9a: {  	s12 =	sadd.s32 $0x13A38, s11;
	[sflag:s6] =	ssyncadd.s32 $0xFFFFEC00  }
0x9b: {  	[tilespmem:s30], [sflag:$0x6] =	stream.indirect.gather [hbm4b:s4+s16], $0x80, s12, s16, $0xb8;
	[tilespmem:$0x1FEA0] =	vst v63  }
0x9c: {  	_ =	swait.ge [sflag:s31], $0x1400  }
0x9d: {  	[sflag:s31] =	ssyncset.done $0x0  }
0x9e: {  	s12 =	sadd.s32 $0x160A8, s11;
	[sflag:s31] =	ssyncadd.s32 $0xFFFFEC00  }
0x9f: {  	[spmem:s1] =	stream.indirect.scatter.add.f32 [tilespmem:s19], [sflag:$0x8], $0x80, s12, s16, $0xb8;
	[tilespmem:$0x1FEA0] =	vst v63  }
0xa0: {  	_ =	swait.ge [sflag:s3], $0x1400  }
0xa1: {  	[sflag:s3] =	ssyncset.done $0x0  }
0xa2: {  	s12 =	sadd.s32 $0x13A60, s11;
	[sflag:s3] =	ssyncadd.s32 $0xFFFFEC00  }
0xa3: {  	[tilespmem:s17], [sflag:$0x1] =	stream.indirect.gather [hbm4b:s4+s16], $0x80, s12, s16, $0xb8;
	[tilespmem:$0x1FEA0] =	vst v63  }
0xa4: {  	_ =	swait.ge [sflag:s20], $0x1400  }
0xa5: {  	[sflag:s20] =	ssyncset.done $0x0  }
0xa6: {  	s12 =	sadd.s32 $0x160D0, s11;
	[sflag:s20] =	ssyncadd.s32 $0xFFFFEC00  }
0xa7: {  	[spmem:s1] =	stream.indirect.scatter.add.f32 [tilespmem:s21], [sflag:$0x9], $0x80, s12, s16, $0xb8;
	[tilespmem:$0x1FEA0] =	vst v63  }
0xa8: {  	_ =	swait.ge [sflag:s24], $0x1400  }
0xa9: {  	[sflag:s24] =	ssyncset.done $0x0  }
0xaa: {  	s12 =	sadd.s32 $0x13A88, s11;
	[sflag:s24] =	ssyncadd.s32 $0xFFFFEC00  }
0xab: {  	[tilespmem:s19], [sflag:$0x2] =	stream.indirect.gather [hbm4b:s4+s16], $0x80, s12, s16, $0xb8;
	[tilespmem:$0x1FEA0] =	vst v63  }
0xac: {  	_ =	swait.ge [sflag:s0], $0x1400  }
0xad: {  	[sflag:s0] =	ssyncset.done $0x0  }
0xae: {  	s12 =	sadd.s32 $0x160F8, s11;
	[sflag:s0] =	ssyncadd.s32 $0xFFFFEC00  }
0xaf: {  	[spmem:s1] =	stream.indirect.scatter.add.f32 [tilespmem:s23], [sflag:$0xA], $0x80, s12, s16, $0xb8;
	[tilespmem:$0x1FEA0] =	vst v63  }
0xb0: {  	_ =	swait.ge [sflag:s22], $0x1400  }
0xb1: {  	[sflag:s22] =	ssyncset.done $0x0  }
0xb2: {  	s12 =	sadd.s32 $0x13AB0, s11;
	[sflag:s22] =	ssyncadd.s32 $0xFFFFEC00  }
0xb3: {  	[tilespmem:s21], [sflag:$0x3] =	stream.indirect.gather [hbm4b:s4+s16], $0x80, s12, s16, $0xb8;
	[tilespmem:$0x1FEA0] =	vst v63  }
0xb4: {  	_ =	swait.ge [sflag:s18], $0x1400  }
0xb5: {  	[sflag:s18] =	ssyncset.done $0x0  }
.Ltmp0:
0xb6: {  	s12 =	sadd.s32 $0x16120, s11;
	[sflag:s18] =	ssyncadd.s32 $0xFFFFEC00;
	(pc) =	sbr.rel @p1 .LBB2_2-.Ltmp0, $4  }
0xb7: {  	[spmem:s1] =	stream.indirect.scatter.add.f32 [tilespmem:s25], [sflag:$0xB], $0x80, s12, s16, $0xb8;
	[tilespmem:$0x1FEA0] =	vst v63  }
0xb8: {  	_ =	swait.ge [sflag:s29], $0x1400  }
0xb9: {  	[sflag:s29] =	ssyncset.done $0x0  }
0xba: {  	s11 =	sadd.s32 $0x13AD8, s11;
	[sflag:s29] =	ssyncadd.s32 $0xFFFFEC00  }
0xbb: {  	[tilespmem:s23], [sflag:$0x4] =	stream.indirect.gather [hbm4b:s4+s16], $0x80, s11, s16, $0xb8;
	[tilespmem:$0x1FEA0] =	vst v63  }
0xbc: {  	_ =	swait.ge [sflag:s2], $0x1400  }
0xbd: {  	[sflag:s2] =	ssyncset.done $0x0  }
0xbe: {  	s12 =	simm.s32 $0x185D8;
	[sflag:s2] =	ssyncadd.s32 $0xFFFFEC00  }
0xbf: {  	[spmem:s1] =	stream.indirect.scatter.add.f32 [tilespmem:s30], [sflag:$0xC], $0x80, s12, s16, $0xb8;
	[tilespmem:$0x1FEA0] =	vst v63  }
0xc0: {  	_ =	swait.ge [sflag:s28], $0x1400  }
0xc1: {  	[sflag:s28] =	ssyncset.done $0x0  }
0xc2: {  	s14 =	simm.s32 $0x18600;
	[sflag:s28] =	ssyncadd.s32 $0xFFFFEC00  }
0xc3: {  	[spmem:s1] =	stream.indirect.scatter.add.f32 [tilespmem:s17], [sflag:$0x7], $0x80, s14, s16, $0xb8;
	[tilespmem:$0x1FEA0] =	vst v63  }
0xc4: {  	_ =	swait.ge [sflag:s31], $0x1400  }
0xc5: {  	[sflag:s31] =	ssyncset.done $0x0  }
0xc6: {  	s12 =	simm.s32 $0x18628;
	[sflag:s31] =	ssyncadd.s32 $0xFFFFEC00  }
0xc7: {  	[spmem:s1] =	stream.indirect.scatter.add.f32 [tilespmem:s19], [sflag:$0x8], $0x80, s12, s16, $0xb8;
	[tilespmem:$0x1FEA0] =	vst v63  }
0xc8: {  	_ =	swait.ge [sflag:s20], $0x1400  }
0xc9: {  	[sflag:s20] =	ssyncset.done $0x0  }
0xca: {  	s14 =	simm.s32 $0x18650;
	[sflag:s20] =	ssyncadd.s32 $0xFFFFEC00  }
0xcb: {  	[spmem:s1] =	stream.indirect.scatter.add.f32 [tilespmem:s21], [sflag:$0x9], $0x80, s14, s16, $0xb8;
	[tilespmem:$0x1FEA0] =	vst v63  }
0xcc: {  	_ =	swait.ge [sflag:s0], $0x1400  }
0xcd: {  	[sflag:s0] =	ssyncset.done $0x0  }
0xce: {  	s12 =	simm.s32 $0x18678;
	[sflag:s0] =	ssyncadd.s32 $0xFFFFEC00  }
0xcf: {  	[spmem:s1] =	stream.indirect.scatter.add.f32 [tilespmem:s23], [sflag:$0xA], $0x80, s12, s16, $0xb8;
	[tilespmem:$0x1FEA0] =	vst v63  }
0xd0: {  	_ =	swait.ge [sflag:s3], $0x1400  }
0xd1: {  	[sflag:s3] =	ssyncset.done $0x0  }
0xd2: {  	[sflag:s3] =	ssyncadd.s32 $0xFFFFEC00  }
0xd3: {  	_ =	swait.ge [sflag:s24], $0x1400  }
0xd4: {  	[sflag:s24] =	ssyncset.done $0x0  }
0xd5: {  	[sflag:s24] =	ssyncadd.s32 $0xFFFFEC00  }
0xd6: {  	_ =	swait.ge [sflag:s22], $0x1400  }
0xd7: {  	[sflag:s22] =	ssyncset.done $0x0  }
0xd8: {  	[sflag:s22] =	ssyncadd.s32 $0xFFFFEC00  }
0xd9: {  	_ =	swait.ge [sflag:s29], $0x1400  }
0xda: {  	[sflag:s29] =	ssyncset.done $0x0  }
0xdb: {  	[sflag:s29] =	ssyncadd.s32 $0xFFFFEC00  }
0xdc: {  	_ =	swait.ge [sflag:s5], $0x1400  }
0xdd: {  	[sflag:s5] =	ssyncset.done $0x0  }
0xde: {  	[sflag:s5] =	ssyncadd.s32 $0xFFFFEC00  }
0xdf: {  	_ =	swait.ge [sflag:s6], $0x1400  }
0xe0: {  	[sflag:s6] =	ssyncset.done $0x0  }
0xe1: {  	[sflag:s6] =	ssyncadd.s32 $0xFFFFEC00  }
0xe2: {  	[bflag:$0x0] =	sbarrier.arrive $0xFFFF  }
0xe3: {  	s14 =	rddreg [dreg:$0x9]  }
0xe4: {  	[hbm:s14], [sflag:s8] =	dma.local [spmem:s9], $0x2700  }
0xe5: {  	_ =	swait.ge [sflag:s15], $0x2700  }
0xe6: {  	s7 =	sadd.s32 $0x1, s7;
	[sflag:s15] =	ssyncset.done $0x0  }
0xe7: {  	p1 =	sne.s32 s7, s13;
	s9 =	rddreg [dreg:$0xa];
	[sflag:s15] =	ssyncadd.s32 $0xFFFFD900  }
0xe8: {  	[hbm:s9], [sflag:s8] =	dma.local @!p0 [spmem:s10], $0x100  }
.Ltmp1:
0xe9: {  	_ = 	snop;
	(pc) =	sbr.rel @p1 .LBB2_1-.Ltmp1, $4  }
0xea: {  	s8 =	simm.s32 @!p0 $0xD  }
0xeb: {  	_ =	swait.ge @!p0 [sflag:s8], $0x100  }
0xec: {  	[sflag:s8] =	ssyncset.done @!p0 $0x0  }
0xed: {  	[sflag:s8] =	ssyncadd.s32 @!p0 $0xFFFFFF00  }
0xee: {  	_ =	sfence.sel $0x180000  }
0xef: {  	[bflag:$0x0] =	sbarrier.arrive $0xFFFF  }
0xf0: {  	_ =	strace $0x9000004A  }
0xf1: {  	[bflag:$0x2] =	sbarrier.arrive $0xFFFF  }
0xf2: {  	s0 =	rddreg [dreg:$0x2]  }
0xf3: {  	s0 =	sadd.s32 @!p0 $0x100000, s0  }
0xf4: {  	[sflag:s0] =	ssyncadd.tile.s32 @!p0 $0x1;
	_ =	shalt  }
.Lfunc_end2:
_tile_overlayer_lowered:
.L_overlay_start_2:
0xf5: {  	(tag) =	ssettag $0x2  }
0xf6: {  	s0 =	rddreg [dreg:$0x0];
	s2 =	stileid.u32  }
0xf7: {  	s1 =	rddreg [dreg:$0x1];
	p0 =	sne.s32 s2, $0x0  }
0xf8: {  	s3 =	rddreg [dreg:$0x2];
	[bflag:$0x3] =	sbarrier.arrive $0xFFFF;
	s2 =	simm.s32 @!p0 $0x1C0D  }
0xf9: {  	[timem:s3], [sflag:s2] =	dma.local @!p0 [hbm:s0], s1  }
0xfa: {  	s0 =	simm.s32 @!p0 $0xD  }
0xfb: {  	_ =	swait.ge @!p0 [sflag:s0], s1  }
0xfc: {  	s1 =	ssub.s32 @!p0 $0x0, s1;
	[sflag:s0] =	ssyncset.done @!p0 $0x0  }
0xfd: {  	[sflag:s0] =	ssyncadd.s32 @!p0 s1  }
0xfe: {  	[bflag:$0x3] =	sbarrier.arrive $0xFFFF  }
0xff: {  	_ =	shalt  }

</sc_bundles>
